<compile_context>
chip_gen: v7x
topology: tpu7x:2x2x1
jax: 0.10.2.dev20260603
libtpu: 0.0.44.dev20260713+nightly
codegen_flags: <defaults>
</compile_context>

<pallas_src>
import functools

import jax
import jax.numpy as jnp
from jax import lax
from jax.experimental import pallas as pl
from jax.experimental.pallas import tpu as pltpu
from jax.experimental.pallas import tpu_sc as plsc

N = 10000
E = 640000
D = 128
NC = 2
NS = 16
NW = NC * NS
L = 16
C = 128
IB = 16
CH = 160
EPAD = NW * CH * C
NROWS = 10240
RPT = NROWS // NS


def _make_sc_agg(with_cnt: bool):
    out_type = [jax.ShapeDtypeStruct((NC, NROWS, D), jnp.float32)]
    scratch = [
        pltpu.VMEM((IB, C), jnp.int32),
        pltpu.VMEM((IB, C), jnp.int32),
        pltpu.VMEM((C, D), jnp.float32),
        pltpu.VMEM((C, D), jnp.float32),
        pltpu.VMEM_SHARED((NROWS, D), jnp.float32),
        pltpu.SemaphoreType.DMA,
        pltpu.SemaphoreType.DMA,
        pltpu.SemaphoreType.DMA,
        pltpu.SemaphoreType.DMA,
    ]
    if with_cnt:
        out_type.append(jax.ShapeDtypeStruct((NW, NROWS), jnp.float32))
        scratch.append(pltpu.VMEM((NROWS,), jnp.float32))

    def body(x_hbm, srcs_hbm, dsts_hbm, zrow_hbm, *rest):
        if with_cnt:
            (out_sum, out_cnt, src_v, dst_v, rows0, rows1, agg_sh,
             gs0, gs1, ss0, ss1, cnt_v) = rest
        else:
            (out_sum, src_v, dst_v, rows0, rows1, agg_sh,
             gs0, gs1, ss0, ss1) = rest
        rows = (rows0, rows1)
        gsem = (gs0, gs1)
        ssem = (ss0, ss1)
        cid = lax.axis_index("c")
        sid = lax.axis_index("s")
        wid = sid * NC + cid
        base = sid * RPT
        pltpu.sync_copy(zrow_hbm, agg_sh.at[pl.ds(base, RPT)])
        if with_cnt:
            zero16 = jnp.zeros((L,), jnp.float32)

            def zstep(i, c2):
                cnt_v[pl.ds(i * L, L)] = zero16
                return c2

            lax.fori_loop(0, NROWS // L, zstep, 0)
        plsc.subcore_barrier()

        ones16 = jnp.ones((L,), jnp.float32)

        def block(blk, carry):
            pltpu.sync_copy(srcs_hbm.at[wid].at[pl.ds(blk * IB, IB)], src_v)
            pltpu.sync_copy(dsts_hbm.at[wid].at[pl.ds(blk * IB, IB)], dst_v)
            g0 = pltpu.async_copy(x_hbm.at[src_v.at[0]], rows[0], gsem[0])
            g1 = pltpu.async_copy(x_hbm.at[src_v.at[1]], rows[1], gsem[1])
            gpend = [g0, g1]
            spend = [None, None]
            for j in range(IB):
                b = j & 1
                gpend[b].wait()
                spend[b] = pltpu.async_copy(
                    rows[b], agg_sh.at[dst_v.at[j]], ssem[b], add=True)
                if with_cnt:
                    def cstep(g, c3, _j=j):
                        idx = dst_v[_j, pl.ds(g * L, L)]
                        plsc.addupdate_scatter(cnt_v, [idx], ones16)
                        return c3

                    lax.fori_loop(0, C // L, cstep, 0)
                spend[b].wait()
                if j + 2 < IB:
                    gpend[b] = pltpu.async_copy(
                        x_hbm.at[src_v.at[j + 2]], rows[b], gsem[b])
            return carry

        lax.fori_loop(0, CH // IB, block, 0)
        plsc.subcore_barrier()
        pltpu.sync_copy(agg_sh.at[pl.ds(base, RPT)],
                        out_sum.at[cid].at[pl.ds(base, RPT)])
        if with_cnt:
            pltpu.sync_copy(cnt_v, out_cnt.at[wid])

    return pl.kernel(
        body,
        out_type=out_type,
        mesh=plsc.VectorSubcoreMesh(core_axis_name="c", subcore_axis_name="s",
                                    num_cores=NC, num_subcores=NS),
        scratch_types=scratch,
        compiler_params=pltpu.CompilerParams(needs_layout_passes=False),
    )


_sc_agg_cnt = _make_sc_agg(True)
_sc_agg = _make_sc_agg(False)


def _tc_layer(p, cnt_t, x, wl, wr, b, relu: bool):
    R = 1000

    def body(p_ref, c_ref, x_ref, wl_ref, wr_ref, b_ref, o_ref):
        s = p_ref[0] + p_ref[1]
        c = jnp.sum(c_ref[...], axis=1, keepdims=True)
        mean = s / jnp.maximum(c, 1.0)
        o = jnp.dot(mean, wl_ref[...], preferred_element_type=jnp.float32)
        o = o + jnp.dot(x_ref[...], wr_ref[...],
                        preferred_element_type=jnp.float32)
        o = o + b_ref[...]
        if relu:
            o = jnp.maximum(o, 0.0)
        o_ref[...] = o

    return pl.pallas_call(
        body,
        grid=(N // R,),
        in_specs=[
            pl.BlockSpec((NC, R, D), lambda i: (0, i, 0)),
            pl.BlockSpec((R, NW), lambda i: (i, 0)),
            pl.BlockSpec((R, D), lambda i: (i, 0)),
            pl.BlockSpec((D, D), lambda i: (0, 0)),
            pl.BlockSpec((D, D), lambda i: (0, 0)),
            pl.BlockSpec((1, D), lambda i: (0, 0)),
        ],
        out_specs=pl.BlockSpec((R, D), lambda i: (i, 0)),
        out_shape=jax.ShapeDtypeStruct((N, D), jnp.float32),
    )(p, cnt_t, x, wl, wr, b.reshape(1, D))


def kernel(x, edge_index, W1_l, W1_r, b1, W2_l, W2_r, b2):
    src = edge_index[0].astype(jnp.int32)
    dst = edge_index[1].astype(jnp.int32)
    pad = EPAD - E
    src_p = jnp.concatenate([src, jnp.zeros((pad,), jnp.int32)])
    dst_p = jnp.concatenate([dst, jnp.full((pad,), N, jnp.int32)])
    srcs = src_p.reshape(NW, CH, C)
    dsts = dst_p.reshape(NW, CH, C)
    zrow = jnp.zeros((RPT, D), jnp.float32)

    psum1, pcnt = _sc_agg_cnt(x, srcs, dsts, zrow)
    cnt_t = pcnt[:, :N].T
    h = _tc_layer(psum1[:, :N], cnt_t, x, W1_l, W1_r, b1, relu=True)
    psum2, = _sc_agg(h, srcs, dsts, zrow)
    out = _tc_layer(psum2[:, :N], cnt_t, h, W2_l, W2_r, b2, relu=False)
    return out

# --- scband reference (transcript-rebuilt; emitter-appended) ---
"""Pipeline reference for scband-graph-sage-37915971289911 (READ-ONLY COPY).

The authoritative reference and input builder live on the scoring server;
editing this copy changes nothing except your own understanding.
"""

import jax, jax.numpy as jnp
import numpy as np

N_NODES = 10000
N_EDGES = 640000
D = 128

def setup_inputs(seed: int = 0) -> dict:
    key = jax.random.key(seed)
    ks = jax.random.split(key, 9)
    x = jax.random.normal(ks[0], (N_NODES, D), dtype=jnp.float32)
    edge_index = jax.random.randint(ks[1], (2, N_EDGES), 0, N_NODES, dtype=jnp.int64)
    s = 1.0 / np.sqrt(D)
    W1_l = jax.random.uniform(ks[2], (D, D), minval=-s, maxval=s, dtype=jnp.float32)
    W1_r = jax.random.uniform(ks[3], (D, D), minval=-s, maxval=s, dtype=jnp.float32)
    b1 = jax.random.uniform(ks[4], (D,), minval=-s, maxval=s, dtype=jnp.float32)
    W2_l = jax.random.uniform(ks[5], (D, D), minval=-s, maxval=s, dtype=jnp.float32)
    W2_r = jax.random.uniform(ks[6], (D, D), minval=-s, maxval=s, dtype=jnp.float32)
    b2 = jax.random.uniform(ks[7], (D,), minval=-s, maxval=s, dtype=jnp.float32)
    return {"x": x, "edge_index": edge_index, "W1_l": W1_l, "W1_r": W1_r, "b1": b1, "W2_l": W2_l, "W2_r": W2_r, "b2": b2}

def _sage_conv(x, edge_index, W_l, W_r, b, num_nodes):
    # PyG SAGEConv with aggr='mean': out = lin_l(mean_{j in N(i)} x_j) + lin_r(x_i) + bias
    src = edge_index[0]
    dst = edge_index[1]
    msgs = jnp.take(x, src, axis=0)
    agg = jax.ops.segment_sum(msgs, dst, num_segments=num_nodes)
    cnt = jax.ops.segment_sum(jnp.ones((src.shape[0], 1), dtype=x.dtype), dst, num_segments=num_nodes)
    mean = agg / jnp.maximum(cnt, 1.0)
    return mean @ W_l + x @ W_r + b

def reference(x, edge_index, W1_l, W1_r, b1, W2_l, W2_r, b2):
    n = x.shape[0]
    h = _sage_conv(x, edge_index, W1_l, W1_r, b1, n)
    h = jax.nn.relu(h)
    out = _sage_conv(h, edge_index, W2_l, W2_r, b2, n)
    return out

if __name__ == "__main__":
    import jax
    _d = setup_inputs()
    print(jax.jit(kernel)(*tuple(_d.values())))

</pallas_src>

<mosaic_0001>
#map = affine_map<(d0, d1) -> (0, 0)>
#map1 = affine_map<(d0, d1) -> (0, 0, 0)>
module attributes {stable_mosaic.version = 14 : i64} {
  func.func @body(%arg0: i32, %arg1: i32, %arg2: memref<10000x128xf32, #tpu.memory_space<hbm>>, %arg3: memref<32x160x128xi32, #tpu.memory_space<hbm>>, %arg4: memref<32x160x128xi32, #tpu.memory_space<hbm>>, %arg5: memref<640x128xf32, #tpu.memory_space<hbm>>, %arg6: memref<2x10240x128xf32, #tpu.memory_space<hbm>>, %arg7: memref<32x10240xf32, #tpu.memory_space<hbm>>, %arg8: memref<16x128xi32, #tpu.memory_space<vmem>>, %arg9: memref<16x128xi32, #tpu.memory_space<vmem>>, %arg10: memref<128x128xf32, #tpu.memory_space<vmem>>, %arg11: memref<128x128xf32, #tpu.memory_space<vmem>>, %arg12: memref<10240x128xf32, #tpu.memory_space<vmem_shared>>, %arg13: memref<!tpu.dma_semaphore, #tpu.memory_space<semaphore_mem>>, %arg14: memref<!tpu.dma_semaphore, #tpu.memory_space<semaphore_mem>>, %arg15: memref<!tpu.dma_semaphore, #tpu.memory_space<semaphore_mem>>, %arg16: memref<!tpu.dma_semaphore, #tpu.memory_space<semaphore_mem>>, %arg17: memref<10240xf32, #tpu.memory_space<vmem>>) attributes {dimension_semantics = [#tpu.dimension_semantics<core_parallel>, #tpu.dimension_semantics<subcore_parallel>], iteration_bounds = array<i64: 2, 16>, scalar_prefetch = 0 : i64, scratch_operands = 10 : i64, tpu.core_type = #tpu.core_type<sc_vector_subcore>, window_params = [{transform_indices = #map}, {transform_indices = #map1}, {transform_indices = #map1}, {transform_indices = #map}, {transform_indices = #map1}, {transform_indices = #map}]} {
    %mul3A = arith.constant 2 : i32
    %mul3A_0 = arith.muli %arg1, %mul3A : i32
    %add3A = arith.addi %mul3A_0, %arg0 : i32
    %mul3A_1 = arith.constant 640 : i32
    %mul3A_2 = arith.muli %arg1, %mul3A_1 : i32
    "tpu.region"() ({
      %run_scoped3A = tpu.sem_alloc : memref<!tpu.dma_semaphore, #tpu.memory_space<semaphore_mem>>
      %dma_start3A = arith.constant 0 : i32
      %dma_start3A_18 = tpu.memref_slice %arg12[%mul3A_2, %dma_start3A] : memref<10240x128xf32, #tpu.memory_space<vmem_shared>> -> memref<640x128xf32, #tpu.memory_space<vmem_shared>>
      tpu.enqueue_dma source(%arg5 : memref<640x128xf32, #tpu.memory_space<hbm>>) target(%dma_start3A_18 : memref<640x128xf32, #tpu.memory_space<vmem_shared>>) target_semaphore(%run_scoped3A : memref<!tpu.dma_semaphore, #tpu.memory_space<semaphore_mem>>)
      %dma_wait3A = arith.constant 0 : i32
      %dma_wait3A_19 = tpu.memref_slice %arg12[%mul3A_2, %dma_wait3A] : memref<10240x128xf32, #tpu.memory_space<vmem_shared>> -> memref<640x128xf32, #tpu.memory_space<vmem_shared>>
      tpu.wait_dma2 semaphore(%run_scoped3A : memref<!tpu.dma_semaphore, #tpu.memory_space<semaphore_mem>>) src(%arg5 : memref<640x128xf32, #tpu.memory_space<hbm>>) dst(%dma_wait3A_19 : memref<640x128xf32, #tpu.memory_space<vmem_shared>>)
      tpu.yield
    }) : () -> ()
    %broadcast_in_dim3A = arith.constant 0.000000e+00 : f32
    %broadcast_in_dim3A_3 = vector.broadcast %broadcast_in_dim3A : f32 to vector<16xf32>
    %scan3A = arith.constant 0 : i32
    %scan3A_4 = arith.constant 0 : i32
    %scan3A_5 = arith.constant 640 : i32
    %scan3A_6 = arith.addi %scan3A_4, %scan3A_5 : i32
    %scan3A_7 = arith.constant 1 : i32
    scf.for %scan3A_18 = %scan3A_4 to %scan3A_6 step %scan3A_7  : i32 {
      %mul3A_19 = arith.constant 16 : i32
      %mul3A_20 = arith.muli %scan3A_18, %mul3A_19 : i32
      %swap3A = arith.index_cast %mul3A_20 : i32 to index
      %swap3A_21 = tpu.vector_load %arg17[%swap3A] {strides = array<i32>} : memref<10240xf32, #tpu.memory_space<vmem>>, vector<16xf32>,
      tpu.vector_store %arg17[%swap3A], %broadcast_in_dim3A_3 {strides = array<i32>} : memref<10240xf32, #tpu.memory_space<vmem>>, vector<16xf32>,
    }
    %scan3A_8 = arith.constant 640 : i32
    %barrier3A = arith.constant 0 : index
    tpu.barrier barrier_id(%barrier3A)
    %broadcast_in_dim3A_9 = arith.constant 1.000000e+00 : f32
    %broadcast_in_dim3A_10 = vector.broadcast %broadcast_in_dim3A_9 : f32 to vector<16xf32>
    %scan3A_11 = arith.constant 0 : i32
    %scan3A_12 = arith.constant 0 : i32
    %scan3A_13 = arith.constant 10 : i32
    %scan3A_14 = arith.addi %scan3A_12, %scan3A_13 : i32
    %scan3A_15 = arith.constant 1 : i32
    scf.for %scan3A_18 = %scan3A_12 to %scan3A_14 step %scan3A_15  : i32 {
      %mul3A_19 = arith.constant 16 : i32
      %mul3A_20 = arith.muli %scan3A_18, %mul3A_19 : i32
      "tpu.region"() ({
        %run_scoped3A = tpu.sem_alloc : memref<!tpu.dma_semaphore, #tpu.memory_space<semaphore_mem>>
        %dma_start3A_565 = arith.constant 0 : i32
        %dma_start3A_566 = arith.constant 0 : i32
        %dma_start3A_567 = tpu.memref_slice %arg3[%add3A, %dma_start3A_565, %dma_start3A_566] : memref<32x160x128xi32, #tpu.memory_space<hbm>> -> memref<1x160x128xi32, #tpu.memory_space<hbm>>
        %dma_start3A_568 = tpu.memref_squeeze %dma_start3A_567 : memref<1x160x128xi32, #tpu.memory_space<hbm>> -> memref<160x128xi32, #tpu.memory_space<hbm>>
        %dma_start3A_569 = arith.constant 0 : i32
        %dma_start3A_570 = tpu.memref_slice %dma_start3A_568[%mul3A_20, %dma_start3A_569] : memref<160x128xi32, #tpu.memory_space<hbm>> -> memref<16x128xi32, #tpu.memory_space<hbm>>
        %dma_start3A_571 = arith.constant 0 : i32
        %dma_start3A_572 = arith.constant 0 : i32
        %dma_start3A_573 = tpu.memref_slice %arg3[%add3A, %dma_start3A_571, %dma_start3A_572] : memref<32x160x128xi32, #tpu.memory_space<hbm>> -> memref<1x160x128xi32, #tpu.memory_space<hbm>>
        %dma_start3A_574 = tpu.memref_squeeze %dma_start3A_573 : memref<1x160x128xi32, #tpu.memory_space<hbm>> -> memref<160x128xi32, #tpu.memory_space<hbm>>
        %dma_start3A_575 = arith.constant 0 : i32
        %dma_start3A_576 = tpu.memref_slice %dma_start3A_574[%mul3A_20, %dma_start3A_575] : memref<160x128xi32, #tpu.memory_space<hbm>> -> memref<16x128xi32, #tpu.memory_space<hbm>>
        tpu.enqueue_dma source(%dma_start3A_576 : memref<16x128xi32, #tpu.memory_space<hbm>>) target(%arg8 : memref<16x128xi32, #tpu.memory_space<vmem>>) target_semaphore(%run_scoped3A : memref<!tpu.dma_semaphore, #tpu.memory_space<semaphore_mem>>)
        %dma_wait3A_577 = arith.constant 0 : i32
        %dma_wait3A_578 = arith.constant 0 : i32
        %dma_wait3A_579 = tpu.memref_slice %arg3[%add3A, %dma_wait3A_577, %dma_wait3A_578] : memref<32x160x128xi32, #tpu.memory_space<hbm>> -> memref<1x160x128xi32, #tpu.memory_space<hbm>>
        %dma_wait3A_580 = tpu.memref_squeeze %dma_wait3A_579 : memref<1x160x128xi32, #tpu.memory_space<hbm>> -> memref<160x128xi32, #tpu.memory_space<hbm>>
        %dma_wait3A_581 = arith.constant 0 : i32
        %dma_wait3A_582 = tpu.memref_slice %dma_wait3A_580[%mul3A_20, %dma_wait3A_581] : memref<160x128xi32, #tpu.memory_space<hbm>> -> memref<16x128xi32, #tpu.memory_space<hbm>>
        %dma_wait3A_583 = arith.constant 0 : i32
        %dma_wait3A_584 = arith.constant 0 : i32
        %dma_wait3A_585 = tpu.memref_slice %arg3[%add3A, %dma_wait3A_583, %dma_wait3A_584] : memref<32x160x128xi32, #tpu.memory_space<hbm>> -> memref<1x160x128xi32, #tpu.memory_space<hbm>>
        %dma_wait3A_586 = tpu.memref_squeeze %dma_wait3A_585 : memref<1x160x128xi32, #tpu.memory_space<hbm>> -> memref<160x128xi32, #tpu.memory_space<hbm>>
        %dma_wait3A_587 = arith.constant 0 : i32
        %dma_wait3A_588 = tpu.memref_slice %dma_wait3A_586[%mul3A_20, %dma_wait3A_587] : memref<160x128xi32, #tpu.memory_space<hbm>> -> memref<16x128xi32, #tpu.memory_space<hbm>>
        tpu.wait_dma2 semaphore(%run_scoped3A : memref<!tpu.dma_semaphore, #tpu.memory_space<semaphore_mem>>) src(%dma_wait3A_588 : memref<16x128xi32, #tpu.memory_space<hbm>>) dst(%arg8 : memref<16x128xi32, #tpu.memory_space<vmem>>)
        tpu.yield
      }) : () -> ()
      %mul3A_21 = arith.constant 16 : i32
      %mul3A_22 = arith.muli %scan3A_18, %mul3A_21 : i32
      "tpu.region"() ({
        %run_scoped3A = tpu.sem_alloc : memref<!tpu.dma_semaphore, #tpu.memory_space<semaphore_mem>>
        %dma_start3A_565 = arith.constant 0 : i32
        %dma_start3A_566 = arith.constant 0 : i32
        %dma_start3A_567 = tpu.memref_slice %arg4[%add3A, %dma_start3A_565, %dma_start3A_566] : memref<32x160x128xi32, #tpu.memory_space<hbm>> -> memref<1x160x128xi32, #tpu.memory_space<hbm>>
        %dma_start3A_568 = tpu.memref_squeeze %dma_start3A_567 : memref<1x160x128xi32, #tpu.memory_space<hbm>> -> memref<160x128xi32, #tpu.memory_space<hbm>>
        %dma_start3A_569 = arith.constant 0 : i32
        %dma_start3A_570 = tpu.memref_slice %dma_start3A_568[%mul3A_22, %dma_start3A_569] : memref<160x128xi32, #tpu.memory_space<hbm>> -> memref<16x128xi32, #tpu.memory_space<hbm>>
        %dma_start3A_571 = arith.constant 0 : i32
        %dma_start3A_572 = arith.constant 0 : i32
        %dma_start3A_573 = tpu.memref_slice %arg4[%add3A, %dma_start3A_571, %dma_start3A_572] : memref<32x160x128xi32, #tpu.memory_space<hbm>> -> memref<1x160x128xi32, #tpu.memory_space<hbm>>
        %dma_start3A_574 = tpu.memref_squeeze %dma_start3A_573 : memref<1x160x128xi32, #tpu.memory_space<hbm>> -> memref<160x128xi32, #tpu.memory_space<hbm>>
        %dma_start3A_575 = arith.constant 0 : i32
        %dma_start3A_576 = tpu.memref_slice %dma_start3A_574[%mul3A_22, %dma_start3A_575] : memref<160x128xi32, #tpu.memory_space<hbm>> -> memref<16x128xi32, #tpu.memory_space<hbm>>
        tpu.enqueue_dma source(%dma_start3A_576 : memref<16x128xi32, #tpu.memory_space<hbm>>) target(%arg9 : memref<16x128xi32, #tpu.memory_space<vmem>>) target_semaphore(%run_scoped3A : memref<!tpu.dma_semaphore, #tpu.memory_space<semaphore_mem>>)
        %dma_wait3A_577 = arith.constant 0 : i32
        %dma_wait3A_578 = arith.constant 0 : i32
        %dma_wait3A_579 = tpu.memref_slice %arg4[%add3A, %dma_wait3A_577, %dma_wait3A_578] : memref<32x160x128xi32, #tpu.memory_space<hbm>> -> memref<1x160x128xi32, #tpu.memory_space<hbm>>
        %dma_wait3A_580 = tpu.memref_squeeze %dma_wait3A_579 : memref<1x160x128xi32, #tpu.memory_space<hbm>> -> memref<160x128xi32, #tpu.memory_space<hbm>>
        %dma_wait3A_581 = arith.constant 0 : i32
        %dma_wait3A_582 = tpu.memref_slice %dma_wait3A_580[%mul3A_22, %dma_wait3A_581] : memref<160x128xi32, #tpu.memory_space<hbm>> -> memref<16x128xi32, #tpu.memory_space<hbm>>
        %dma_wait3A_583 = arith.constant 0 : i32
        %dma_wait3A_584 = arith.constant 0 : i32
        %dma_wait3A_585 = tpu.memref_slice %arg4[%add3A, %dma_wait3A_583, %dma_wait3A_584] : memref<32x160x128xi32, #tpu.memory_space<hbm>> -> memref<1x160x128xi32, #tpu.memory_space<hbm>>
        %dma_wait3A_586 = tpu.memref_squeeze %dma_wait3A_585 : memref<1x160x128xi32, #tpu.memory_space<hbm>> -> memref<160x128xi32, #tpu.memory_space<hbm>>
        %dma_wait3A_587 = arith.constant 0 : i32
        %dma_wait3A_588 = tpu.memref_slice %dma_wait3A_586[%mul3A_22, %dma_wait3A_587] : memref<160x128xi32, #tpu.memory_space<hbm>> -> memref<16x128xi32, #tpu.memory_space<hbm>>
        tpu.wait_dma2 semaphore(%run_scoped3A : memref<!tpu.dma_semaphore, #tpu.memory_space<semaphore_mem>>) src(%dma_wait3A_588 : memref<16x128xi32, #tpu.memory_space<hbm>>) dst(%arg9 : memref<16x128xi32, #tpu.memory_space<vmem>>)
        tpu.yield
      }) : () -> ()
      %dma_start3A = arith.constant 0 : i32
      %dma_start3A_23 = arith.constant 0 : i32
      %dma_start3A_24 = tpu.memref_slice %arg8[%dma_start3A, %dma_start3A_23] : memref<16x128xi32, #tpu.memory_space<vmem>> -> memref<1x128xi32, #tpu.memory_space<vmem>>
      %dma_start3A_25 = tpu.memref_squeeze %dma_start3A_24 : memref<1x128xi32, #tpu.memory_space<vmem>> -> memref<128xi32, #tpu.memory_space<vmem>>
      %dma_start3A_26 = arith.constant 0 : i32
      %dma_start3A_27 = arith.constant 0 : i32
      %dma_start3A_28 = tpu.memref_slice %arg2[%dma_start3A_26, %dma_start3A_27] : memref<10000x128xf32, #tpu.memory_space<hbm>> -> memref<10000x128xf32, #tpu.memory_space<hbm>>
      tpu.enqueue_indirect_dma source(%dma_start3A_28 : memref<10000x128xf32, #tpu.memory_space<hbm>>) target(%arg10 : memref<128x128xf32, #tpu.memory_space<vmem>>) offsets(%dma_start3A_25 : memref<128xi32, #tpu.memory_space<vmem>>) semaphore(%arg13 : memref<!tpu.dma_semaphore, #tpu.memory_space<semaphore_mem>>)
      %dma_start3A_29 = arith.constant 1 : i32
      %dma_start3A_30 = arith.constant 0 : i32
      %dma_start3A_31 = tpu.memref_slice %arg8[%dma_start3A_29, %dma_start3A_30] : memref<16x128xi32, #tpu.memory_space<vmem>> -> memref<1x128xi32, #tpu.memory_space<vmem>>
      %dma_start3A_32 = tpu.memref_squeeze %dma_start3A_31 : memref<1x128xi32, #tpu.memory_space<vmem>> -> memref<128xi32, #tpu.memory_space<vmem>>
      %dma_start3A_33 = arith.constant 0 : i32
      %dma_start3A_34 = arith.constant 0 : i32
      %dma_start3A_35 = tpu.memref_slice %arg2[%dma_start3A_33, %dma_start3A_34] : memref<10000x128xf32, #tpu.memory_space<hbm>> -> memref<10000x128xf32, #tpu.memory_space<hbm>>
      tpu.enqueue_indirect_dma source(%dma_start3A_35 : memref<10000x128xf32, #tpu.memory_space<hbm>>) target(%arg11 : memref<128x128xf32, #tpu.memory_space<vmem>>) offsets(%dma_start3A_32 : memref<128xi32, #tpu.memory_space<vmem>>) semaphore(%arg14 : memref<!tpu.dma_semaphore, #tpu.memory_space<semaphore_mem>>)
      %dma_wait3A = arith.constant 0 : i32
      %dma_wait3A_36 = arith.constant 0 : i32
      %dma_wait3A_37 = tpu.memref_slice %arg8[%dma_wait3A, %dma_wait3A_36] : memref<16x128xi32, #tpu.memory_space<vmem>> -> memref<1x128xi32, #tpu.memory_space<vmem>>
      %dma_wait3A_38 = tpu.memref_squeeze %dma_wait3A_37 : memref<1x128xi32, #tpu.memory_space<vmem>> -> memref<128xi32, #tpu.memory_space<vmem>>
      %dma_wait3A_39 = arith.constant 0 : i32
      %dma_wait3A_40 = arith.constant 0 : i32
      %dma_wait3A_41 = tpu.memref_slice %arg2[%dma_wait3A_39, %dma_wait3A_40] : memref<10000x128xf32, #tpu.memory_space<hbm>> -> memref<10000x128xf32, #tpu.memory_space<hbm>>
      tpu.wait_indirect_dma semaphore(%arg13 : memref<!tpu.dma_semaphore, #tpu.memory_space<semaphore_mem>>) src(%dma_wait3A_41 : memref<10000x128xf32, #tpu.memory_space<hbm>>) dst(%arg10 : memref<128x128xf32, #tpu.memory_space<vmem>>)
      %dma_start3A_42 = arith.constant 0 : i32
      %dma_start3A_43 = arith.constant 0 : i32
      %dma_start3A_44 = tpu.memref_slice %arg9[%dma_start3A_42, %dma_start3A_43] : memref<16x128xi32, #tpu.memory_space<vmem>> -> memref<1x128xi32, #tpu.memory_space<vmem>>
      %dma_start3A_45 = tpu.memref_squeeze %dma_start3A_44 : memref<1x128xi32, #tpu.memory_space<vmem>> -> memref<128xi32, #tpu.memory_space<vmem>>
      %dma_start3A_46 = arith.constant 0 : i32
      %dma_start3A_47 = arith.constant 0 : i32
      %dma_start3A_48 = tpu.memref_slice %arg12[%dma_start3A_46, %dma_start3A_47] : memref<10240x128xf32, #tpu.memory_space<vmem_shared>> -> memref<10240x128xf32, #tpu.memory_space<vmem_shared>>
      tpu.enqueue_indirect_dma source(%arg10 : memref<128x128xf32, #tpu.memory_space<vmem>>) target(%dma_start3A_48 : memref<10240x128xf32, #tpu.memory_space<vmem_shared>>) offsets(%dma_start3A_45 : memref<128xi32, #tpu.memory_space<vmem>>) semaphore(%arg15 : memref<!tpu.dma_semaphore, #tpu.memory_space<semaphore_mem>>) {add = true}
      %scan3A_49 = arith.constant 0 : i32
      %scan3A_50 = arith.constant 0 : i32
      %scan3A_51 = arith.constant 8 : i32
      %scan3A_52 = arith.addi %scan3A_50, %scan3A_51 : i32
      %scan3A_53 = arith.constant 1 : i32
      scf.for %scan3A_565 = %scan3A_50 to %scan3A_52 step %scan3A_53  : i32 {
        %mul3A_566 = arith.constant 16 : i32
        %mul3A_567 = arith.muli %scan3A_565, %mul3A_566 : i32
        %get3A = arith.constant 0 : i32
        %get3A_568 = arith.index_cast %get3A : i32 to index
        %get3A_569 = arith.index_cast %mul3A_567 : i32 to index
        %get3A_570 = tpu.vector_load %arg9[%get3A_568, %get3A_569] {strides = array<i32>} : memref<16x128xi32, #tpu.memory_space<vmem>>, vector<16xi32>,
        tpu.vector_store_idx %arg17[%get3A_570], %broadcast_in_dim3A_10 {add = true} : memref<10240xf32, #tpu.memory_space<vmem>>[vector<16xi32>], vector<16xf32>,
      }
      %scan3A_54 = arith.constant 8 : i32
      %dma_wait3A_55 = arith.constant 0 : i32
      %dma_wait3A_56 = arith.constant 0 : i32
      %dma_wait3A_57 = tpu.memref_slice %arg9[%dma_wait3A_55, %dma_wait3A_56] : memref<16x128xi32, #tpu.memory_space<vmem>> -> memref<1x128xi32, #tpu.memory_space<vmem>>
      %dma_wait3A_58 = tpu.memref_squeeze %dma_wait3A_57 : memref<1x128xi32, #tpu.memory_space<vmem>> -> memref<128xi32, #tpu.memory_space<vmem>>
      %dma_wait3A_59 = arith.constant 0 : i32
      %dma_wait3A_60 = arith.constant 0 : i32
      %dma_wait3A_61 = tpu.memref_slice %arg12[%dma_wait3A_59, %dma_wait3A_60] : memref<10240x128xf32, #tpu.memory_space<vmem_shared>> -> memref<10240x128xf32, #tpu.memory_space<vmem_shared>>
      tpu.wait_indirect_dma semaphore(%arg15 : memref<!tpu.dma_semaphore, #tpu.memory_space<semaphore_mem>>) src(%arg10 : memref<128x128xf32, #tpu.memory_space<vmem>>) dst(%dma_wait3A_61 : memref<10240x128xf32, #tpu.memory_space<vmem_shared>>)
      %dma_start3A_62 = arith.constant 2 : i32
      %dma_start3A_63 = arith.constant 0 : i32
      %dma_start3A_64 = tpu.memref_slice %arg8[%dma_start3A_62, %dma_start3A_63] : memref<16x128xi32, #tpu.memory_space<vmem>> -> memref<1x128xi32, #tpu.memory_space<vmem>>
      %dma_start3A_65 = tpu.memref_squeeze %dma_start3A_64 : memref<1x128xi32, #tpu.memory_space<vmem>> -> memref<128xi32, #tpu.memory_space<vmem>>
      %dma_start3A_66 = arith.constant 0 : i32
      %dma_start3A_67 = arith.constant 0 : i32
      %dma_start3A_68 = tpu.memref_slice %arg2[%dma_start3A_66, %dma_start3A_67] : memref<10000x128xf32, #tpu.memory_space<hbm>> -> memref<10000x128xf32, #tpu.memory_space<hbm>>
      tpu.enqueue_indirect_dma source(%dma_start3A_68 : memref<10000x128xf32, #tpu.memory_space<hbm>>) target(%arg10 : memref<128x128xf32, #tpu.memory_space<vmem>>) offsets(%dma_start3A_65 : memref<128xi32, #tpu.memory_space<vmem>>) semaphore(%arg13 : memref<!tpu.dma_semaphore, #tpu.memory_space<semaphore_mem>>)
      %dma_wait3A_69 = arith.constant 1 : i32
      %dma_wait3A_70 = arith.constant 0 : i32
      %dma_wait3A_71 = tpu.memref_slice %arg8[%dma_wait3A_69, %dma_wait3A_70] : memref<16x128xi32, #tpu.memory_space<vmem>> -> memref<1x128xi32, #tpu.memory_space<vmem>>
      %dma_wait3A_72 = tpu.memref_squeeze %dma_wait3A_71 : memref<1x128xi32, #tpu.memory_space<vmem>> -> memref<128xi32, #tpu.memory_space<vmem>>
      %dma_wait3A_73 = arith.constant 0 : i32
      %dma_wait3A_74 = arith.constant 0 : i32
      %dma_wait3A_75 = tpu.memref_slice %arg2[%dma_wait3A_73, %dma_wait3A_74] : memref<10000x128xf32, #tpu.memory_space<hbm>> -> memref<10000x128xf32, #tpu.memory_space<hbm>>
      tpu.wait_indirect_dma semaphore(%arg14 : memref<!tpu.dma_semaphore, #tpu.memory_space<semaphore_mem>>) src(%dma_wait3A_75 : memref<10000x128xf32, #tpu.memory_space<hbm>>) dst(%arg11 : memref<128x128xf32, #tpu.memory_space<vmem>>)
      %dma_start3A_76 = arith.constant 1 : i32
      %dma_start3A_77 = arith.constant 0 : i32
      %dma_start3A_78 = tpu.memref_slice %arg9[%dma_start3A_76, %dma_start3A_77] : memref<16x128xi32, #tpu.memory_space<vmem>> -> memref<1x128xi32, #tpu.memory_space<vmem>>
      %dma_start3A_79 = tpu.memref_squeeze %dma_start3A_78 : memref<1x128xi32, #tpu.memory_space<vmem>> -> memref<128xi32, #tpu.memory_space<vmem>>
      %dma_start3A_80 = arith.constant 0 : i32
      %dma_start3A_81 = arith.constant 0 : i32
      %dma_start3A_82 = tpu.memref_slice %arg12[%dma_start3A_80, %dma_start3A_81] : memref<10240x128xf32, #tpu.memory_space<vmem_shared>> -> memref<10240x128xf32, #tpu.memory_space<vmem_shared>>
      tpu.enqueue_indirect_dma source(%arg11 : memref<128x128xf32, #tpu.memory_space<vmem>>) target(%dma_start3A_82 : memref<10240x128xf32, #tpu.memory_space<vmem_shared>>) offsets(%dma_start3A_79 : memref<128xi32, #tpu.memory_space<vmem>>) semaphore(%arg16 : memref<!tpu.dma_semaphore, #tpu.memory_space<semaphore_mem>>) {add = true}
      %scan3A_83 = arith.constant 0 : i32
      %scan3A_84 = arith.constant 0 : i32
      %scan3A_85 = arith.constant 8 : i32
      %scan3A_86 = arith.addi %scan3A_84, %scan3A_85 : i32
      %scan3A_87 = arith.constant 1 : i32
      scf.for %scan3A_565 = %scan3A_84 to %scan3A_86 step %scan3A_87  : i32 {
        %mul3A_566 = arith.constant 16 : i32
        %mul3A_567 = arith.muli %scan3A_565, %mul3A_566 : i32
        %get3A = arith.constant 1 : i32
        %get3A_568 = arith.index_cast %get3A : i32 to index
        %get3A_569 = arith.index_cast %mul3A_567 : i32 to index
        %get3A_570 = tpu.vector_load %arg9[%get3A_568, %get3A_569] {strides = array<i32>} : memref<16x128xi32, #tpu.memory_space<vmem>>, vector<16xi32>,
        tpu.vector_store_idx %arg17[%get3A_570], %broadcast_in_dim3A_10 {add = true} : memref<10240xf32, #tpu.memory_space<vmem>>[vector<16xi32>], vector<16xf32>,
      }
      %scan3A_88 = arith.constant 8 : i32
      %dma_wait3A_89 = arith.constant 1 : i32
      %dma_wait3A_90 = arith.constant 0 : i32
      %dma_wait3A_91 = tpu.memref_slice %arg9[%dma_wait3A_89, %dma_wait3A_90] : memref<16x128xi32, #tpu.memory_space<vmem>> -> memref<1x128xi32, #tpu.memory_space<vmem>>
      %dma_wait3A_92 = tpu.memref_squeeze %dma_wait3A_91 : memref<1x128xi32, #tpu.memory_space<vmem>> -> memref<128xi32, #tpu.memory_space<vmem>>
      %dma_wait3A_93 = arith.constant 0 : i32
      %dma_wait3A_94 = arith.constant 0 : i32
      %dma_wait3A_95 = tpu.memref_slice %arg12[%dma_wait3A_93, %dma_wait3A_94] : memref<10240x128xf32, #tpu.memory_space<vmem_shared>> -> memref<10240x128xf32, #tpu.memory_space<vmem_shared>>
      tpu.wait_indirect_dma semaphore(%arg16 : memref<!tpu.dma_semaphore, #tpu.memory_space<semaphore_mem>>) src(%arg11 : memref<128x128xf32, #tpu.memory_space<vmem>>) dst(%dma_wait3A_95 : memref<10240x128xf32, #tpu.memory_space<vmem_shared>>)
      %dma_start3A_96 = arith.constant 3 : i32
      %dma_start3A_97 = arith.constant 0 : i32
      %dma_start3A_98 = tpu.memref_slice %arg8[%dma_start3A_96, %dma_start3A_97] : memref<16x128xi32, #tpu.memory_space<vmem>> -> memref<1x128xi32, #tpu.memory_space<vmem>>
      %dma_start3A_99 = tpu.memref_squeeze %dma_start3A_98 : memref<1x128xi32, #tpu.memory_space<vmem>> -> memref<128xi32, #tpu.memory_space<vmem>>
      %dma_start3A_100 = arith.constant 0 : i32
      %dma_start3A_101 = arith.constant 0 : i32
      %dma_start3A_102 = tpu.memref_slice %arg2[%dma_start3A_100, %dma_start3A_101] : memref<10000x128xf32, #tpu.memory_space<hbm>> -> memref<10000x128xf32, #tpu.memory_space<hbm>>
      tpu.enqueue_indirect_dma source(%dma_start3A_102 : memref<10000x128xf32, #tpu.memory_space<hbm>>) target(%arg11 : memref<128x128xf32, #tpu.memory_space<vmem>>) offsets(%dma_start3A_99 : memref<128xi32, #tpu.memory_space<vmem>>) semaphore(%arg14 : memref<!tpu.dma_semaphore, #tpu.memory_space<semaphore_mem>>)
      %dma_wait3A_103 = arith.constant 2 : i32
      %dma_wait3A_104 = arith.constant 0 : i32
      %dma_wait3A_105 = tpu.memref_slice %arg8[%dma_wait3A_103, %dma_wait3A_104] : memref<16x128xi32, #tpu.memory_space<vmem>> -> memref<1x128xi32, #tpu.memory_space<vmem>>
      %dma_wait3A_106 = tpu.memref_squeeze %dma_wait3A_105 : memref<1x128xi32, #tpu.memory_space<vmem>> -> memref<128xi32, #tpu.memory_space<vmem>>
      %dma_wait3A_107 = arith.constant 0 : i32
      %dma_wait3A_108 = arith.constant 0 : i32
      %dma_wait3A_109 = tpu.memref_slice %arg2[%dma_wait3A_107, %dma_wait3A_108] : memref<10000x128xf32, #tpu.memory_space<hbm>> -> memref<10000x128xf32, #tpu.memory_space<hbm>>
      tpu.wait_indirect_dma semaphore(%arg13 : memref<!tpu.dma_semaphore, #tpu.memory_space<semaphore_mem>>) src(%dma_wait3A_109 : memref<10000x128xf32, #tpu.memory_space<hbm>>) dst(%arg10 : memref<128x128xf32, #tpu.memory_space<vmem>>)
      %dma_start3A_110 = arith.constant 2 : i32
      %dma_start3A_111 = arith.constant 0 : i32
      %dma_start3A_112 = tpu.memref_slice %arg9[%dma_start3A_110, %dma_start3A_111] : memref<16x128xi32, #tpu.memory_space<vmem>> -> memref<1x128xi32, #tpu.memory_space<vmem>>
      %dma_start3A_113 = tpu.memref_squeeze %dma_start3A_112 : memref<1x128xi32, #tpu.memory_space<vmem>> -> memref<128xi32, #tpu.memory_space<vmem>>
      %dma_start3A_114 = arith.constant 0 : i32
      %dma_start3A_115 = arith.constant 0 : i32
      %dma_start3A_116 = tpu.memref_slice %arg12[%dma_start3A_114, %dma_start3A_115] : memref<10240x128xf32, #tpu.memory_space<vmem_shared>> -> memref<10240x128xf32, #tpu.memory_space<vmem_shared>>
      tpu.enqueue_indirect_dma source(%arg10 : memref<128x128xf32, #tpu.memory_space<vmem>>) target(%dma_start3A_116 : memref<10240x128xf32, #tpu.memory_space<vmem_shared>>) offsets(%dma_start3A_113 : memref<128xi32, #tpu.memory_space<vmem>>) semaphore(%arg15 : memref<!tpu.dma_semaphore, #tpu.memory_space<semaphore_mem>>) {add = true}
      %scan3A_117 = arith.constant 0 : i32
      %scan3A_118 = arith.constant 0 : i32
      %scan3A_119 = arith.constant 8 : i32
      %scan3A_120 = arith.addi %scan3A_118, %scan3A_119 : i32
      %scan3A_121 = arith.constant 1 : i32
      scf.for %scan3A_565 = %scan3A_118 to %scan3A_120 step %scan3A_121  : i32 {
        %mul3A_566 = arith.constant 16 : i32
        %mul3A_567 = arith.muli %scan3A_565, %mul3A_566 : i32
        %get3A = arith.constant 2 : i32
        %get3A_568 = arith.index_cast %get3A : i32 to index
        %get3A_569 = arith.index_cast %mul3A_567 : i32 to index
        %get3A_570 = tpu.vector_load %arg9[%get3A_568, %get3A_569] {strides = array<i32>} : memref<16x128xi32, #tpu.memory_space<vmem>>, vector<16xi32>,
        tpu.vector_store_idx %arg17[%get3A_570], %broadcast_in_dim3A_10 {add = true} : memref<10240xf32, #tpu.memory_space<vmem>>[vector<16xi32>], vector<16xf32>,
      }
      %scan3A_122 = arith.constant 8 : i32
      %dma_wait3A_123 = arith.constant 2 : i32
      %dma_wait3A_124 = arith.constant 0 : i32
      %dma_wait3A_125 = tpu.memref_slice %arg9[%dma_wait3A_123, %dma_wait3A_124] : memref<16x128xi32, #tpu.memory_space<vmem>> -> memref<1x128xi32, #tpu.memory_space<vmem>>
      %dma_wait3A_126 = tpu.memref_squeeze %dma_wait3A_125 : memref<1x128xi32, #tpu.memory_space<vmem>> -> memref<128xi32, #tpu.memory_space<vmem>>
      %dma_wait3A_127 = arith.constant 0 : i32
      %dma_wait3A_128 = arith.constant 0 : i32
      %dma_wait3A_129 = tpu.memref_slice %arg12[%dma_wait3A_127, %dma_wait3A_128] : memref<10240x128xf32, #tpu.memory_space<vmem_shared>> -> memref<10240x128xf32, #tpu.memory_space<vmem_shared>>
      tpu.wait_indirect_dma semaphore(%arg15 : memref<!tpu.dma_semaphore, #tpu.memory_space<semaphore_mem>>) src(%arg10 : memref<128x128xf32, #tpu.memory_space<vmem>>) dst(%dma_wait3A_129 : memref<10240x128xf32, #tpu.memory_space<vmem_shared>>)
      %dma_start3A_130 = arith.constant 4 : i32
      %dma_start3A_131 = arith.constant 0 : i32
      %dma_start3A_132 = tpu.memref_slice %arg8[%dma_start3A_130, %dma_start3A_131] : memref<16x128xi32, #tpu.memory_space<vmem>> -> memref<1x128xi32, #tpu.memory_space<vmem>>
      %dma_start3A_133 = tpu.memref_squeeze %dma_start3A_132 : memref<1x128xi32, #tpu.memory_space<vmem>> -> memref<128xi32, #tpu.memory_space<vmem>>
      %dma_start3A_134 = arith.constant 0 : i32
      %dma_start3A_135 = arith.constant 0 : i32
      %dma_start3A_136 = tpu.memref_slice %arg2[%dma_start3A_134, %dma_start3A_135] : memref<10000x128xf32, #tpu.memory_space<hbm>> -> memref<10000x128xf32, #tpu.memory_space<hbm>>
      tpu.enqueue_indirect_dma source(%dma_start3A_136 : memref<10000x128xf32, #tpu.memory_space<hbm>>) target(%arg10 : memref<128x128xf32, #tpu.memory_space<vmem>>) offsets(%dma_start3A_133 : memref<128xi32, #tpu.memory_space<vmem>>) semaphore(%arg13 : memref<!tpu.dma_semaphore, #tpu.memory_space<semaphore_mem>>)
      %dma_wait3A_137 = arith.constant 3 : i32
      %dma_wait3A_138 = arith.constant 0 : i32
      %dma_wait3A_139 = tpu.memref_slice %arg8[%dma_wait3A_137, %dma_wait3A_138] : memref<16x128xi32, #tpu.memory_space<vmem>> -> memref<1x128xi32, #tpu.memory_space<vmem>>
      %dma_wait3A_140 = tpu.memref_squeeze %dma_wait3A_139 : memref<1x128xi32, #tpu.memory_space<vmem>> -> memref<128xi32, #tpu.memory_space<vmem>>
      %dma_wait3A_141 = arith.constant 0 : i32
      %dma_wait3A_142 = arith.constant 0 : i32
      %dma_wait3A_143 = tpu.memref_slice %arg2[%dma_wait3A_141, %dma_wait3A_142] : memref<10000x128xf32, #tpu.memory_space<hbm>> -> memref<10000x128xf32, #tpu.memory_space<hbm>>
      tpu.wait_indirect_dma semaphore(%arg14 : memref<!tpu.dma_semaphore, #tpu.memory_space<semaphore_mem>>) src(%dma_wait3A_143 : memref<10000x128xf32, #tpu.memory_space<hbm>>) dst(%arg11 : memref<128x128xf32, #tpu.memory_space<vmem>>)
      %dma_start3A_144 = arith.constant 3 : i32
      %dma_start3A_145 = arith.constant 0 : i32
      %dma_start3A_146 = tpu.memref_slice %arg9[%dma_start3A_144, %dma_start3A_145] : memref<16x128xi32, #tpu.memory_space<vmem>> -> memref<1x128xi32, #tpu.memory_space<vmem>>
      %dma_start3A_147 = tpu.memref_squeeze %dma_start3A_146 : memref<1x128xi32, #tpu.memory_space<vmem>> -> memref<128xi32, #tpu.memory_space<vmem>>
      %dma_start3A_148 = arith.constant 0 : i32
      %dma_start3A_149 = arith.constant 0 : i32
      %dma_start3A_150 = tpu.memref_slice %arg12[%dma_start3A_148, %dma_start3A_149] : memref<10240x128xf32, #tpu.memory_space<vmem_shared>> -> memref<10240x128xf32, #tpu.memory_space<vmem_shared>>
      tpu.enqueue_indirect_dma source(%arg11 : memref<128x128xf32, #tpu.memory_space<vmem>>) target(%dma_start3A_150 : memref<10240x128xf32, #tpu.memory_space<vmem_shared>>) offsets(%dma_start3A_147 : memref<128xi32, #tpu.memory_space<vmem>>) semaphore(%arg16 : memref<!tpu.dma_semaphore, #tpu.memory_space<semaphore_mem>>) {add = true}
      %scan3A_151 = arith.constant 0 : i32
      %scan3A_152 = arith.constant 0 : i32
      %scan3A_153 = arith.constant 8 : i32
      %scan3A_154 = arith.addi %scan3A_152, %scan3A_153 : i32
      %scan3A_155 = arith.constant 1 : i32
      scf.for %scan3A_565 = %scan3A_152 to %scan3A_154 step %scan3A_155  : i32 {
        %mul3A_566 = arith.constant 16 : i32
        %mul3A_567 = arith.muli %scan3A_565, %mul3A_566 : i32
        %get3A = arith.constant 3 : i32
        %get3A_568 = arith.index_cast %get3A : i32 to index
        %get3A_569 = arith.index_cast %mul3A_567 : i32 to index
        %get3A_570 = tpu.vector_load %arg9[%get3A_568, %get3A_569] {strides = array<i32>} : memref<16x128xi32, #tpu.memory_space<vmem>>, vector<16xi32>,
        tpu.vector_store_idx %arg17[%get3A_570], %broadcast_in_dim3A_10 {add = true} : memref<10240xf32, #tpu.memory_space<vmem>>[vector<16xi32>], vector<16xf32>,
      }
      %scan3A_156 = arith.constant 8 : i32
      %dma_wait3A_157 = arith.constant 3 : i32
      %dma_wait3A_158 = arith.constant 0 : i32
      %dma_wait3A_159 = tpu.memref_slice %arg9[%dma_wait3A_157, %dma_wait3A_158] : memref<16x128xi32, #tpu.memory_space<vmem>> -> memref<1x128xi32, #tpu.memory_space<vmem>>
      %dma_wait3A_160 = tpu.memref_squeeze %dma_wait3A_159 : memref<1x128xi32, #tpu.memory_space<vmem>> -> memref<128xi32, #tpu.memory_space<vmem>>
      %dma_wait3A_161 = arith.constant 0 : i32
      %dma_wait3A_162 = arith.constant 0 : i32
      %dma_wait3A_163 = tpu.memref_slice %arg12[%dma_wait3A_161, %dma_wait3A_162] : memref<10240x128xf32, #tpu.memory_space<vmem_shared>> -> memref<10240x128xf32, #tpu.memory_space<vmem_shared>>
      tpu.wait_indirect_dma semaphore(%arg16 : memref<!tpu.dma_semaphore, #tpu.memory_space<semaphore_mem>>) src(%arg11 : memref<128x128xf32, #tpu.memory_space<vmem>>) dst(%dma_wait3A_163 : memref<10240x128xf32, #tpu.memory_space<vmem_shared>>)
      %dma_start3A_164 = arith.constant 5 : i32
      %dma_start3A_165 = arith.constant 0 : i32
      %dma_start3A_166 = tpu.memref_slice %arg8[%dma_start3A_164, %dma_start3A_165] : memref<16x128xi32, #tpu.memory_space<vmem>> -> memref<1x128xi32, #tpu.memory_space<vmem>>
      %dma_start3A_167 = tpu.memref_squeeze %dma_start3A_166 : memref<1x128xi32, #tpu.memory_space<vmem>> -> memref<128xi32, #tpu.memory_space<vmem>>
      %dma_start3A_168 = arith.constant 0 : i32
      %dma_start3A_169 = arith.constant 0 : i32
      %dma_start3A_170 = tpu.memref_slice %arg2[%dma_start3A_168, %dma_start3A_169] : memref<10000x128xf32, #tpu.memory_space<hbm>> -> memref<10000x128xf32, #tpu.memory_space<hbm>>
      tpu.enqueue_indirect_dma source(%dma_start3A_170 : memref<10000x128xf32, #tpu.memory_space<hbm>>) target(%arg11 : memref<128x128xf32, #tpu.memory_space<vmem>>) offsets(%dma_start3A_167 : memref<128xi32, #tpu.memory_space<vmem>>) semaphore(%arg14 : memref<!tpu.dma_semaphore, #tpu.memory_space<semaphore_mem>>)
      %dma_wait3A_171 = arith.constant 4 : i32
      %dma_wait3A_172 = arith.constant 0 : i32
      %dma_wait3A_173 = tpu.memref_slice %arg8[%dma_wait3A_171, %dma_wait3A_172] : memref<16x128xi32, #tpu.memory_space<vmem>> -> memref<1x128xi32, #tpu.memory_space<vmem>>
      %dma_wait3A_174 = tpu.memref_squeeze %dma_wait3A_173 : memref<1x128xi32, #tpu.memory_space<vmem>> -> memref<128xi32, #tpu.memory_space<vmem>>
      %dma_wait3A_175 = arith.constant 0 : i32
      %dma_wait3A_176 = arith.constant 0 : i32
      %dma_wait3A_177 = tpu.memref_slice %arg2[%dma_wait3A_175, %dma_wait3A_176] : memref<10000x128xf32, #tpu.memory_space<hbm>> -> memref<10000x128xf32, #tpu.memory_space<hbm>>
      tpu.wait_indirect_dma semaphore(%arg13 : memref<!tpu.dma_semaphore, #tpu.memory_space<semaphore_mem>>) src(%dma_wait3A_177 : memref<10000x128xf32, #tpu.memory_space<hbm>>) dst(%arg10 : memref<128x128xf32, #tpu.memory_space<vmem>>)
      %dma_start3A_178 = arith.constant 4 : i32
      %dma_start3A_179 = arith.constant 0 : i32
      %dma_start3A_180 = tpu.memref_slice %arg9[%dma_start3A_178, %dma_start3A_179] : memref<16x128xi32, #tpu.memory_space<vmem>> -> memref<1x128xi32, #tpu.memory_space<vmem>>
      %dma_start3A_181 = tpu.memref_squeeze %dma_start3A_180 : memref<1x128xi32, #tpu.memory_space<vmem>> -> memref<128xi32, #tpu.memory_space<vmem>>
      %dma_start3A_182 = arith.constant 0 : i32
      %dma_start3A_183 = arith.constant 0 : i32
      %dma_start3A_184 = tpu.memref_slice %arg12[%dma_start3A_182, %dma_start3A_183] : memref<10240x128xf32, #tpu.memory_space<vmem_shared>> -> memref<10240x128xf32, #tpu.memory_space<vmem_shared>>
      tpu.enqueue_indirect_dma source(%arg10 : memref<128x128xf32, #tpu.memory_space<vmem>>) target(%dma_start3A_184 : memref<10240x128xf32, #tpu.memory_space<vmem_shared>>) offsets(%dma_start3A_181 : memref<128xi32, #tpu.memory_space<vmem>>) semaphore(%arg15 : memref<!tpu.dma_semaphore, #tpu.memory_space<semaphore_mem>>) {add = true}
      %scan3A_185 = arith.constant 0 : i32
      %scan3A_186 = arith.constant 0 : i32
      %scan3A_187 = arith.constant 8 : i32
      %scan3A_188 = arith.addi %scan3A_186, %scan3A_187 : i32
      %scan3A_189 = arith.constant 1 : i32
      scf.for %scan3A_565 = %scan3A_186 to %scan3A_188 step %scan3A_189  : i32 {
        %mul3A_566 = arith.constant 16 : i32
        %mul3A_567 = arith.muli %scan3A_565, %mul3A_566 : i32
        %get3A = arith.constant 4 : i32
        %get3A_568 = arith.index_cast %get3A : i32 to index
        %get3A_569 = arith.index_cast %mul3A_567 : i32 to index
        %get3A_570 = tpu.vector_load %arg9[%get3A_568, %get3A_569] {strides = array<i32>} : memref<16x128xi32, #tpu.memory_space<vmem>>, vector<16xi32>,
        tpu.vector_store_idx %arg17[%get3A_570], %broadcast_in_dim3A_10 {add = true} : memref<10240xf32, #tpu.memory_space<vmem>>[vector<16xi32>], vector<16xf32>,
      }
      %scan3A_190 = arith.constant 8 : i32
      %dma_wait3A_191 = arith.constant 4 : i32
      %dma_wait3A_192 = arith.constant 0 : i32
      %dma_wait3A_193 = tpu.memref_slice %arg9[%dma_wait3A_191, %dma_wait3A_192] : memref<16x128xi32, #tpu.memory_space<vmem>> -> memref<1x128xi32, #tpu.memory_space<vmem>>
      %dma_wait3A_194 = tpu.memref_squeeze %dma_wait3A_193 : memref<1x128xi32, #tpu.memory_space<vmem>> -> memref<128xi32, #tpu.memory_space<vmem>>
      %dma_wait3A_195 = arith.constant 0 : i32
      %dma_wait3A_196 = arith.constant 0 : i32
      %dma_wait3A_197 = tpu.memref_slice %arg12[%dma_wait3A_195, %dma_wait3A_196] : memref<10240x128xf32, #tpu.memory_space<vmem_shared>> -> memref<10240x128xf32, #tpu.memory_space<vmem_shared>>
      tpu.wait_indirect_dma semaphore(%arg15 : memref<!tpu.dma_semaphore, #tpu.memory_space<semaphore_mem>>) src(%arg10 : memref<128x128xf32, #tpu.memory_space<vmem>>) dst(%dma_wait3A_197 : memref<10240x128xf32, #tpu.memory_space<vmem_shared>>)
      %dma_start3A_198 = arith.constant 6 : i32
      %dma_start3A_199 = arith.constant 0 : i32
      %dma_start3A_200 = tpu.memref_slice %arg8[%dma_start3A_198, %dma_start3A_199] : memref<16x128xi32, #tpu.memory_space<vmem>> -> memref<1x128xi32, #tpu.memory_space<vmem>>
      %dma_start3A_201 = tpu.memref_squeeze %dma_start3A_200 : memref<1x128xi32, #tpu.memory_space<vmem>> -> memref<128xi32, #tpu.memory_space<vmem>>
      %dma_start3A_202 = arith.constant 0 : i32
      %dma_start3A_203 = arith.constant 0 : i32
      %dma_start3A_204 = tpu.memref_slice %arg2[%dma_start3A_202, %dma_start3A_203] : memref<10000x128xf32, #tpu.memory_space<hbm>> -> memref<10000x128xf32, #tpu.memory_space<hbm>>
      tpu.enqueue_indirect_dma source(%dma_start3A_204 : memref<10000x128xf32, #tpu.memory_space<hbm>>) target(%arg10 : memref<128x128xf32, #tpu.memory_space<vmem>>) offsets(%dma_start3A_201 : memref<128xi32, #tpu.memory_space<vmem>>) semaphore(%arg13 : memref<!tpu.dma_semaphore, #tpu.memory_space<semaphore_mem>>)
      %dma_wait3A_205 = arith.constant 5 : i32
      %dma_wait3A_206 = arith.constant 0 : i32
      %dma_wait3A_207 = tpu.memref_slice %arg8[%dma_wait3A_205, %dma_wait3A_206] : memref<16x128xi32, #tpu.memory_space<vmem>> -> memref<1x128xi32, #tpu.memory_space<vmem>>
      %dma_wait3A_208 = tpu.memref_squeeze %dma_wait3A_207 : memref<1x128xi32, #tpu.memory_space<vmem>> -> memref<128xi32, #tpu.memory_space<vmem>>
      %dma_wait3A_209 = arith.constant 0 : i32
      %dma_wait3A_210 = arith.constant 0 : i32
      %dma_wait3A_211 = tpu.memref_slice %arg2[%dma_wait3A_209, %dma_wait3A_210] : memref<10000x128xf32, #tpu.memory_space<hbm>> -> memref<10000x128xf32, #tpu.memory_space<hbm>>
      tpu.wait_indirect_dma semaphore(%arg14 : memref<!tpu.dma_semaphore, #tpu.memory_space<semaphore_mem>>) src(%dma_wait3A_211 : memref<10000x128xf32, #tpu.memory_space<hbm>>) dst(%arg11 : memref<128x128xf32, #tpu.memory_space<vmem>>)
      %dma_start3A_212 = arith.constant 5 : i32
      %dma_start3A_213 = arith.constant 0 : i32
      %dma_start3A_214 = tpu.memref_slice %arg9[%dma_start3A_212, %dma_start3A_213] : memref<16x128xi32, #tpu.memory_space<vmem>> -> memref<1x128xi32, #tpu.memory_space<vmem>>
      %dma_start3A_215 = tpu.memref_squeeze %dma_start3A_214 : memref<1x128xi32, #tpu.memory_space<vmem>> -> memref<128xi32, #tpu.memory_space<vmem>>
      %dma_start3A_216 = arith.constant 0 : i32
      %dma_start3A_217 = arith.constant 0 : i32
      %dma_start3A_218 = tpu.memref_slice %arg12[%dma_start3A_216, %dma_start3A_217] : memref<10240x128xf32, #tpu.memory_space<vmem_shared>> -> memref<10240x128xf32, #tpu.memory_space<vmem_shared>>
      tpu.enqueue_indirect_dma source(%arg11 : memref<128x128xf32, #tpu.memory_space<vmem>>) target(%dma_start3A_218 : memref<10240x128xf32, #tpu.memory_space<vmem_shared>>) offsets(%dma_start3A_215 : memref<128xi32, #tpu.memory_space<vmem>>) semaphore(%arg16 : memref<!tpu.dma_semaphore, #tpu.memory_space<semaphore_mem>>) {add = true}
      %scan3A_219 = arith.constant 0 : i32
      %scan3A_220 = arith.constant 0 : i32
      %scan3A_221 = arith.constant 8 : i32
      %scan3A_222 = arith.addi %scan3A_220, %scan3A_221 : i32
      %scan3A_223 = arith.constant 1 : i32
      scf.for %scan3A_565 = %scan3A_220 to %scan3A_222 step %scan3A_223  : i32 {
        %mul3A_566 = arith.constant 16 : i32
        %mul3A_567 = arith.muli %scan3A_565, %mul3A_566 : i32
        %get3A = arith.constant 5 : i32
        %get3A_568 = arith.index_cast %get3A : i32 to index
        %get3A_569 = arith.index_cast %mul3A_567 : i32 to index
        %get3A_570 = tpu.vector_load %arg9[%get3A_568, %get3A_569] {strides = array<i32>} : memref<16x128xi32, #tpu.memory_space<vmem>>, vector<16xi32>,
        tpu.vector_store_idx %arg17[%get3A_570], %broadcast_in_dim3A_10 {add = true} : memref<10240xf32, #tpu.memory_space<vmem>>[vector<16xi32>], vector<16xf32>,
      }
      %scan3A_224 = arith.constant 8 : i32
      %dma_wait3A_225 = arith.constant 5 : i32
      %dma_wait3A_226 = arith.constant 0 : i32
      %dma_wait3A_227 = tpu.memref_slice %arg9[%dma_wait3A_225, %dma_wait3A_226] : memref<16x128xi32, #tpu.memory_space<vmem>> -> memref<1x128xi32, #tpu.memory_space<vmem>>
      %dma_wait3A_228 = tpu.memref_squeeze %dma_wait3A_227 : memref<1x128xi32, #tpu.memory_space<vmem>> -> memref<128xi32, #tpu.memory_space<vmem>>
      %dma_wait3A_229 = arith.constant 0 : i32
      %dma_wait3A_230 = arith.constant 0 : i32
      %dma_wait3A_231 = tpu.memref_slice %arg12[%dma_wait3A_229, %dma_wait3A_230] : memref<10240x128xf32, #tpu.memory_space<vmem_shared>> -> memref<10240x128xf32, #tpu.memory_space<vmem_shared>>
      tpu.wait_indirect_dma semaphore(%arg16 : memref<!tpu.dma_semaphore, #tpu.memory_space<semaphore_mem>>) src(%arg11 : memref<128x128xf32, #tpu.memory_space<vmem>>) dst(%dma_wait3A_231 : memref<10240x128xf32, #tpu.memory_space<vmem_shared>>)
      %dma_start3A_232 = arith.constant 7 : i32
      %dma_start3A_233 = arith.constant 0 : i32
      %dma_start3A_234 = tpu.memref_slice %arg8[%dma_start3A_232, %dma_start3A_233] : memref<16x128xi32, #tpu.memory_space<vmem>> -> memref<1x128xi32, #tpu.memory_space<vmem>>
      %dma_start3A_235 = tpu.memref_squeeze %dma_start3A_234 : memref<1x128xi32, #tpu.memory_space<vmem>> -> memref<128xi32, #tpu.memory_space<vmem>>
      %dma_start3A_236 = arith.constant 0 : i32
      %dma_start3A_237 = arith.constant 0 : i32
      %dma_start3A_238 = tpu.memref_slice %arg2[%dma_start3A_236, %dma_start3A_237] : memref<10000x128xf32, #tpu.memory_space<hbm>> -> memref<10000x128xf32, #tpu.memory_space<hbm>>
      tpu.enqueue_indirect_dma source(%dma_start3A_238 : memref<10000x128xf32, #tpu.memory_space<hbm>>) target(%arg11 : memref<128x128xf32, #tpu.memory_space<vmem>>) offsets(%dma_start3A_235 : memref<128xi32, #tpu.memory_space<vmem>>) semaphore(%arg14 : memref<!tpu.dma_semaphore, #tpu.memory_space<semaphore_mem>>)
      %dma_wait3A_239 = arith.constant 6 : i32
      %dma_wait3A_240 = arith.constant 0 : i32
      %dma_wait3A_241 = tpu.memref_slice %arg8[%dma_wait3A_239, %dma_wait3A_240] : memref<16x128xi32, #tpu.memory_space<vmem>> -> memref<1x128xi32, #tpu.memory_space<vmem>>
      %dma_wait3A_242 = tpu.memref_squeeze %dma_wait3A_241 : memref<1x128xi32, #tpu.memory_space<vmem>> -> memref<128xi32, #tpu.memory_space<vmem>>
      %dma_wait3A_243 = arith.constant 0 : i32
      %dma_wait3A_244 = arith.constant 0 : i32
      %dma_wait3A_245 = tpu.memref_slice %arg2[%dma_wait3A_243, %dma_wait3A_244] : memref<10000x128xf32, #tpu.memory_space<hbm>> -> memref<10000x128xf32, #tpu.memory_space<hbm>>
      tpu.wait_indirect_dma semaphore(%arg13 : memref<!tpu.dma_semaphore, #tpu.memory_space<semaphore_mem>>) src(%dma_wait3A_245 : memref<10000x128xf32, #tpu.memory_space<hbm>>) dst(%arg10 : memref<128x128xf32, #tpu.memory_space<vmem>>)
      %dma_start3A_246 = arith.constant 6 : i32
      %dma_start3A_247 = arith.constant 0 : i32
      %dma_start3A_248 = tpu.memref_slice %arg9[%dma_start3A_246, %dma_start3A_247] : memref<16x128xi32, #tpu.memory_space<vmem>> -> memref<1x128xi32, #tpu.memory_space<vmem>>
      %dma_start3A_249 = tpu.memref_squeeze %dma_start3A_248 : memref<1x128xi32, #tpu.memory_space<vmem>> -> memref<128xi32, #tpu.memory_space<vmem>>
      %dma_start3A_250 = arith.constant 0 : i32
      %dma_start3A_251 = arith.constant 0 : i32
      %dma_start3A_252 = tpu.memref_slice %arg12[%dma_start3A_250, %dma_start3A_251] : memref<10240x128xf32, #tpu.memory_space<vmem_shared>> -> memref<10240x128xf32, #tpu.memory_space<vmem_shared>>
      tpu.enqueue_indirect_dma source(%arg10 : memref<128x128xf32, #tpu.memory_space<vmem>>) target(%dma_start3A_252 : memref<10240x128xf32, #tpu.memory_space<vmem_shared>>) offsets(%dma_start3A_249 : memref<128xi32, #tpu.memory_space<vmem>>) semaphore(%arg15 : memref<!tpu.dma_semaphore, #tpu.memory_space<semaphore_mem>>) {add = true}
      %scan3A_253 = arith.constant 0 : i32
      %scan3A_254 = arith.constant 0 : i32
      %scan3A_255 = arith.constant 8 : i32
      %scan3A_256 = arith.addi %scan3A_254, %scan3A_255 : i32
      %scan3A_257 = arith.constant 1 : i32
      scf.for %scan3A_565 = %scan3A_254 to %scan3A_256 step %scan3A_257  : i32 {
        %mul3A_566 = arith.constant 16 : i32
        %mul3A_567 = arith.muli %scan3A_565, %mul3A_566 : i32
        %get3A = arith.constant 6 : i32
        %get3A_568 = arith.index_cast %get3A : i32 to index
        %get3A_569 = arith.index_cast %mul3A_567 : i32 to index
        %get3A_570 = tpu.vector_load %arg9[%get3A_568, %get3A_569] {strides = array<i32>} : memref<16x128xi32, #tpu.memory_space<vmem>>, vector<16xi32>,
        tpu.vector_store_idx %arg17[%get3A_570], %broadcast_in_dim3A_10 {add = true} : memref<10240xf32, #tpu.memory_space<vmem>>[vector<16xi32>], vector<16xf32>,
      }
      %scan3A_258 = arith.constant 8 : i32
      %dma_wait3A_259 = arith.constant 6 : i32
      %dma_wait3A_260 = arith.constant 0 : i32
      %dma_wait3A_261 = tpu.memref_slice %arg9[%dma_wait3A_259, %dma_wait3A_260] : memref<16x128xi32, #tpu.memory_space<vmem>> -> memref<1x128xi32, #tpu.memory_space<vmem>>
      %dma_wait3A_262 = tpu.memref_squeeze %dma_wait3A_261 : memref<1x128xi32, #tpu.memory_space<vmem>> -> memref<128xi32, #tpu.memory_space<vmem>>
      %dma_wait3A_263 = arith.constant 0 : i32
      %dma_wait3A_264 = arith.constant 0 : i32
      %dma_wait3A_265 = tpu.memref_slice %arg12[%dma_wait3A_263, %dma_wait3A_264] : memref<10240x128xf32, #tpu.memory_space<vmem_shared>> -> memref<10240x128xf32, #tpu.memory_space<vmem_shared>>
      tpu.wait_indirect_dma semaphore(%arg15 : memref<!tpu.dma_semaphore, #tpu.memory_space<semaphore_mem>>) src(%arg10 : memref<128x128xf32, #tpu.memory_space<vmem>>) dst(%dma_wait3A_265 : memref<10240x128xf32, #tpu.memory_space<vmem_shared>>)
      %dma_start3A_266 = arith.constant 8 : i32
      %dma_start3A_267 = arith.constant 0 : i32
      %dma_start3A_268 = tpu.memref_slice %arg8[%dma_start3A_266, %dma_start3A_267] : memref<16x128xi32, #tpu.memory_space<vmem>> -> memref<1x128xi32, #tpu.memory_space<vmem>>
      %dma_start3A_269 = tpu.memref_squeeze %dma_start3A_268 : memref<1x128xi32, #tpu.memory_space<vmem>> -> memref<128xi32, #tpu.memory_space<vmem>>
      %dma_start3A_270 = arith.constant 0 : i32
      %dma_start3A_271 = arith.constant 0 : i32
      %dma_start3A_272 = tpu.memref_slice %arg2[%dma_start3A_270, %dma_start3A_271] : memref<10000x128xf32, #tpu.memory_space<hbm>> -> memref<10000x128xf32, #tpu.memory_space<hbm>>
      tpu.enqueue_indirect_dma source(%dma_start3A_272 : memref<10000x128xf32, #tpu.memory_space<hbm>>) target(%arg10 : memref<128x128xf32, #tpu.memory_space<vmem>>) offsets(%dma_start3A_269 : memref<128xi32, #tpu.memory_space<vmem>>) semaphore(%arg13 : memref<!tpu.dma_semaphore, #tpu.memory_space<semaphore_mem>>)
      %dma_wait3A_273 = arith.constant 7 : i32
      %dma_wait3A_274 = arith.constant 0 : i32
      %dma_wait3A_275 = tpu.memref_slice %arg8[%dma_wait3A_273, %dma_wait3A_274] : memref<16x128xi32, #tpu.memory_space<vmem>> -> memref<1x128xi32, #tpu.memory_space<vmem>>
      %dma_wait3A_276 = tpu.memref_squeeze %dma_wait3A_275 : memref<1x128xi32, #tpu.memory_space<vmem>> -> memref<128xi32, #tpu.memory_space<vmem>>
      %dma_wait3A_277 = arith.constant 0 : i32
      %dma_wait3A_278 = arith.constant 0 : i32
      %dma_wait3A_279 = tpu.memref_slice %arg2[%dma_wait3A_277, %dma_wait3A_278] : memref<10000x128xf32, #tpu.memory_space<hbm>> -> memref<10000x128xf32, #tpu.memory_space<hbm>>
      tpu.wait_indirect_dma semaphore(%arg14 : memref<!tpu.dma_semaphore, #tpu.memory_space<semaphore_mem>>) src(%dma_wait3A_279 : memref<10000x128xf32, #tpu.memory_space<hbm>>) dst(%arg11 : memref<128x128xf32, #tpu.memory_space<vmem>>)
      %dma_start3A_280 = arith.constant 7 : i32
      %dma_start3A_281 = arith.constant 0 : i32
      %dma_start3A_282 = tpu.memref_slice %arg9[%dma_start3A_280, %dma_start3A_281] : memref<16x128xi32, #tpu.memory_space<vmem>> -> memref<1x128xi32, #tpu.memory_space<vmem>>
      %dma_start3A_283 = tpu.memref_squeeze %dma_start3A_282 : memref<1x128xi32, #tpu.memory_space<vmem>> -> memref<128xi32, #tpu.memory_space<vmem>>
      %dma_start3A_284 = arith.constant 0 : i32
      %dma_start3A_285 = arith.constant 0 : i32
      %dma_start3A_286 = tpu.memref_slice %arg12[%dma_start3A_284, %dma_start3A_285] : memref<10240x128xf32, #tpu.memory_space<vmem_shared>> -> memref<10240x128xf32, #tpu.memory_space<vmem_shared>>
      tpu.enqueue_indirect_dma source(%arg11 : memref<128x128xf32, #tpu.memory_space<vmem>>) target(%dma_start3A_286 : memref<10240x128xf32, #tpu.memory_space<vmem_shared>>) offsets(%dma_start3A_283 : memref<128xi32, #tpu.memory_space<vmem>>) semaphore(%arg16 : memref<!tpu.dma_semaphore, #tpu.memory_space<semaphore_mem>>) {add = true}
      %scan3A_287 = arith.constant 0 : i32
      %scan3A_288 = arith.constant 0 : i32
      %scan3A_289 = arith.constant 8 : i32
      %scan3A_290 = arith.addi %scan3A_288, %scan3A_289 : i32
      %scan3A_291 = arith.constant 1 : i32
      scf.for %scan3A_565 = %scan3A_288 to %scan3A_290 step %scan3A_291  : i32 {
        %mul3A_566 = arith.constant 16 : i32
        %mul3A_567 = arith.muli %scan3A_565, %mul3A_566 : i32
        %get3A = arith.constant 7 : i32
        %get3A_568 = arith.index_cast %get3A : i32 to index
        %get3A_569 = arith.index_cast %mul3A_567 : i32 to index
        %get3A_570 = tpu.vector_load %arg9[%get3A_568, %get3A_569] {strides = array<i32>} : memref<16x128xi32, #tpu.memory_space<vmem>>, vector<16xi32>,
        tpu.vector_store_idx %arg17[%get3A_570], %broadcast_in_dim3A_10 {add = true} : memref<10240xf32, #tpu.memory_space<vmem>>[vector<16xi32>], vector<16xf32>,
      }
      %scan3A_292 = arith.constant 8 : i32
      %dma_wait3A_293 = arith.constant 7 : i32
      %dma_wait3A_294 = arith.constant 0 : i32
      %dma_wait3A_295 = tpu.memref_slice %arg9[%dma_wait3A_293, %dma_wait3A_294] : memref<16x128xi32, #tpu.memory_space<vmem>> -> memref<1x128xi32, #tpu.memory_space<vmem>>
      %dma_wait3A_296 = tpu.memref_squeeze %dma_wait3A_295 : memref<1x128xi32, #tpu.memory_space<vmem>> -> memref<128xi32, #tpu.memory_space<vmem>>
      %dma_wait3A_297 = arith.constant 0 : i32
      %dma_wait3A_298 = arith.constant 0 : i32
      %dma_wait3A_299 = tpu.memref_slice %arg12[%dma_wait3A_297, %dma_wait3A_298] : memref<10240x128xf32, #tpu.memory_space<vmem_shared>> -> memref<10240x128xf32, #tpu.memory_space<vmem_shared>>
      tpu.wait_indirect_dma semaphore(%arg16 : memref<!tpu.dma_semaphore, #tpu.memory_space<semaphore_mem>>) src(%arg11 : memref<128x128xf32, #tpu.memory_space<vmem>>) dst(%dma_wait3A_299 : memref<10240x128xf32, #tpu.memory_space<vmem_shared>>)
      %dma_start3A_300 = arith.constant 9 : i32
      %dma_start3A_301 = arith.constant 0 : i32
      %dma_start3A_302 = tpu.memref_slice %arg8[%dma_start3A_300, %dma_start3A_301] : memref<16x128xi32, #tpu.memory_space<vmem>> -> memref<1x128xi32, #tpu.memory_space<vmem>>
      %dma_start3A_303 = tpu.memref_squeeze %dma_start3A_302 : memref<1x128xi32, #tpu.memory_space<vmem>> -> memref<128xi32, #tpu.memory_space<vmem>>
      %dma_start3A_304 = arith.constant 0 : i32
      %dma_start3A_305 = arith.constant 0 : i32
      %dma_start3A_306 = tpu.memref_slice %arg2[%dma_start3A_304, %dma_start3A_305] : memref<10000x128xf32, #tpu.memory_space<hbm>> -> memref<10000x128xf32, #tpu.memory_space<hbm>>
      tpu.enqueue_indirect_dma source(%dma_start3A_306 : memref<10000x128xf32, #tpu.memory_space<hbm>>) target(%arg11 : memref<128x128xf32, #tpu.memory_space<vmem>>) offsets(%dma_start3A_303 : memref<128xi32, #tpu.memory_space<vmem>>) semaphore(%arg14 : memref<!tpu.dma_semaphore, #tpu.memory_space<semaphore_mem>>)
      %dma_wait3A_307 = arith.constant 8 : i32
      %dma_wait3A_308 = arith.constant 0 : i32
      %dma_wait3A_309 = tpu.memref_slice %arg8[%dma_wait3A_307, %dma_wait3A_308] : memref<16x128xi32, #tpu.memory_space<vmem>> -> memref<1x128xi32, #tpu.memory_space<vmem>>
      %dma_wait3A_310 = tpu.memref_squeeze %dma_wait3A_309 : memref<1x128xi32, #tpu.memory_space<vmem>> -> memref<128xi32, #tpu.memory_space<vmem>>
      %dma_wait3A_311 = arith.constant 0 : i32
      %dma_wait3A_312 = arith.constant 0 : i32
      %dma_wait3A_313 = tpu.memref_slice %arg2[%dma_wait3A_311, %dma_wait3A_312] : memref<10000x128xf32, #tpu.memory_space<hbm>> -> memref<10000x128xf32, #tpu.memory_space<hbm>>
      tpu.wait_indirect_dma semaphore(%arg13 : memref<!tpu.dma_semaphore, #tpu.memory_space<semaphore_mem>>) src(%dma_wait3A_313 : memref<10000x128xf32, #tpu.memory_space<hbm>>) dst(%arg10 : memref<128x128xf32, #tpu.memory_space<vmem>>)
      %dma_start3A_314 = arith.constant 8 : i32
      %dma_start3A_315 = arith.constant 0 : i32
      %dma_start3A_316 = tpu.memref_slice %arg9[%dma_start3A_314, %dma_start3A_315] : memref<16x128xi32, #tpu.memory_space<vmem>> -> memref<1x128xi32, #tpu.memory_space<vmem>>
      %dma_start3A_317 = tpu.memref_squeeze %dma_start3A_316 : memref<1x128xi32, #tpu.memory_space<vmem>> -> memref<128xi32, #tpu.memory_space<vmem>>
      %dma_start3A_318 = arith.constant 0 : i32
      %dma_start3A_319 = arith.constant 0 : i32
      %dma_start3A_320 = tpu.memref_slice %arg12[%dma_start3A_318, %dma_start3A_319] : memref<10240x128xf32, #tpu.memory_space<vmem_shared>> -> memref<10240x128xf32, #tpu.memory_space<vmem_shared>>
      tpu.enqueue_indirect_dma source(%arg10 : memref<128x128xf32, #tpu.memory_space<vmem>>) target(%dma_start3A_320 : memref<10240x128xf32, #tpu.memory_space<vmem_shared>>) offsets(%dma_start3A_317 : memref<128xi32, #tpu.memory_space<vmem>>) semaphore(%arg15 : memref<!tpu.dma_semaphore, #tpu.memory_space<semaphore_mem>>) {add = true}
      %scan3A_321 = arith.constant 0 : i32
      %scan3A_322 = arith.constant 0 : i32
      %scan3A_323 = arith.constant 8 : i32
      %scan3A_324 = arith.addi %scan3A_322, %scan3A_323 : i32
      %scan3A_325 = arith.constant 1 : i32
      scf.for %scan3A_565 = %scan3A_322 to %scan3A_324 step %scan3A_325  : i32 {
        %mul3A_566 = arith.constant 16 : i32
        %mul3A_567 = arith.muli %scan3A_565, %mul3A_566 : i32
        %get3A = arith.constant 8 : i32
        %get3A_568 = arith.index_cast %get3A : i32 to index
        %get3A_569 = arith.index_cast %mul3A_567 : i32 to index
        %get3A_570 = tpu.vector_load %arg9[%get3A_568, %get3A_569] {strides = array<i32>} : memref<16x128xi32, #tpu.memory_space<vmem>>, vector<16xi32>,
        tpu.vector_store_idx %arg17[%get3A_570], %broadcast_in_dim3A_10 {add = true} : memref<10240xf32, #tpu.memory_space<vmem>>[vector<16xi32>], vector<16xf32>,
      }
      %scan3A_326 = arith.constant 8 : i32
      %dma_wait3A_327 = arith.constant 8 : i32
      %dma_wait3A_328 = arith.constant 0 : i32
      %dma_wait3A_329 = tpu.memref_slice %arg9[%dma_wait3A_327, %dma_wait3A_328] : memref<16x128xi32, #tpu.memory_space<vmem>> -> memref<1x128xi32, #tpu.memory_space<vmem>>
      %dma_wait3A_330 = tpu.memref_squeeze %dma_wait3A_329 : memref<1x128xi32, #tpu.memory_space<vmem>> -> memref<128xi32, #tpu.memory_space<vmem>>
      %dma_wait3A_331 = arith.constant 0 : i32
      %dma_wait3A_332 = arith.constant 0 : i32
      %dma_wait3A_333 = tpu.memref_slice %arg12[%dma_wait3A_331, %dma_wait3A_332] : memref<10240x128xf32, #tpu.memory_space<vmem_shared>> -> memref<10240x128xf32, #tpu.memory_space<vmem_shared>>
      tpu.wait_indirect_dma semaphore(%arg15 : memref<!tpu.dma_semaphore, #tpu.memory_space<semaphore_mem>>) src(%arg10 : memref<128x128xf32, #tpu.memory_space<vmem>>) dst(%dma_wait3A_333 : memref<10240x128xf32, #tpu.memory_space<vmem_shared>>)
      %dma_start3A_334 = arith.constant 10 : i32
      %dma_start3A_335 = arith.constant 0 : i32
      %dma_start3A_336 = tpu.memref_slice %arg8[%dma_start3A_334, %dma_start3A_335] : memref<16x128xi32, #tpu.memory_space<vmem>> -> memref<1x128xi32, #tpu.memory_space<vmem>>
      %dma_start3A_337 = tpu.memref_squeeze %dma_start3A_336 : memref<1x128xi32, #tpu.memory_space<vmem>> -> memref<128xi32, #tpu.memory_space<vmem>>
      %dma_start3A_338 = arith.constant 0 : i32
      %dma_start3A_339 = arith.constant 0 : i32
      %dma_start3A_340 = tpu.memref_slice %arg2[%dma_start3A_338, %dma_start3A_339] : memref<10000x128xf32, #tpu.memory_space<hbm>> -> memref<10000x128xf32, #tpu.memory_space<hbm>>
      tpu.enqueue_indirect_dma source(%dma_start3A_340 : memref<10000x128xf32, #tpu.memory_space<hbm>>) target(%arg10 : memref<128x128xf32, #tpu.memory_space<vmem>>) offsets(%dma_start3A_337 : memref<128xi32, #tpu.memory_space<vmem>>) semaphore(%arg13 : memref<!tpu.dma_semaphore, #tpu.memory_space<semaphore_mem>>)
      %dma_wait3A_341 = arith.constant 9 : i32
      %dma_wait3A_342 = arith.constant 0 : i32
      %dma_wait3A_343 = tpu.memref_slice %arg8[%dma_wait3A_341, %dma_wait3A_342] : memref<16x128xi32, #tpu.memory_space<vmem>> -> memref<1x128xi32, #tpu.memory_space<vmem>>
      %dma_wait3A_344 = tpu.memref_squeeze %dma_wait3A_343 : memref<1x128xi32, #tpu.memory_space<vmem>> -> memref<128xi32, #tpu.memory_space<vmem>>
      %dma_wait3A_345 = arith.constant 0 : i32
      %dma_wait3A_346 = arith.constant 0 : i32
      %dma_wait3A_347 = tpu.memref_slice %arg2[%dma_wait3A_345, %dma_wait3A_346] : memref<10000x128xf32, #tpu.memory_space<hbm>> -> memref<10000x128xf32, #tpu.memory_space<hbm>>
      tpu.wait_indirect_dma semaphore(%arg14 : memref<!tpu.dma_semaphore, #tpu.memory_space<semaphore_mem>>) src(%dma_wait3A_347 : memref<10000x128xf32, #tpu.memory_space<hbm>>) dst(%arg11 : memref<128x128xf32, #tpu.memory_space<vmem>>)
      %dma_start3A_348 = arith.constant 9 : i32
      %dma_start3A_349 = arith.constant 0 : i32
      %dma_start3A_350 = tpu.memref_slice %arg9[%dma_start3A_348, %dma_start3A_349] : memref<16x128xi32, #tpu.memory_space<vmem>> -> memref<1x128xi32, #tpu.memory_space<vmem>>
      %dma_start3A_351 = tpu.memref_squeeze %dma_start3A_350 : memref<1x128xi32, #tpu.memory_space<vmem>> -> memref<128xi32, #tpu.memory_space<vmem>>
      %dma_start3A_352 = arith.constant 0 : i32
      %dma_start3A_353 = arith.constant 0 : i32
      %dma_start3A_354 = tpu.memref_slice %arg12[%dma_start3A_352, %dma_start3A_353] : memref<10240x128xf32, #tpu.memory_space<vmem_shared>> -> memref<10240x128xf32, #tpu.memory_space<vmem_shared>>
      tpu.enqueue_indirect_dma source(%arg11 : memref<128x128xf32, #tpu.memory_space<vmem>>) target(%dma_start3A_354 : memref<10240x128xf32, #tpu.memory_space<vmem_shared>>) offsets(%dma_start3A_351 : memref<128xi32, #tpu.memory_space<vmem>>) semaphore(%arg16 : memref<!tpu.dma_semaphore, #tpu.memory_space<semaphore_mem>>) {add = true}
      %scan3A_355 = arith.constant 0 : i32
      %scan3A_356 = arith.constant 0 : i32
      %scan3A_357 = arith.constant 8 : i32
      %scan3A_358 = arith.addi %scan3A_356, %scan3A_357 : i32
      %scan3A_359 = arith.constant 1 : i32
      scf.for %scan3A_565 = %scan3A_356 to %scan3A_358 step %scan3A_359  : i32 {
        %mul3A_566 = arith.constant 16 : i32
        %mul3A_567 = arith.muli %scan3A_565, %mul3A_566 : i32
        %get3A = arith.constant 9 : i32
        %get3A_568 = arith.index_cast %get3A : i32 to index
        %get3A_569 = arith.index_cast %mul3A_567 : i32 to index
        %get3A_570 = tpu.vector_load %arg9[%get3A_568, %get3A_569] {strides = array<i32>} : memref<16x128xi32, #tpu.memory_space<vmem>>, vector<16xi32>,
        tpu.vector_store_idx %arg17[%get3A_570], %broadcast_in_dim3A_10 {add = true} : memref<10240xf32, #tpu.memory_space<vmem>>[vector<16xi32>], vector<16xf32>,
      }
      %scan3A_360 = arith.constant 8 : i32
      %dma_wait3A_361 = arith.constant 9 : i32
      %dma_wait3A_362 = arith.constant 0 : i32
      %dma_wait3A_363 = tpu.memref_slice %arg9[%dma_wait3A_361, %dma_wait3A_362] : memref<16x128xi32, #tpu.memory_space<vmem>> -> memref<1x128xi32, #tpu.memory_space<vmem>>
      %dma_wait3A_364 = tpu.memref_squeeze %dma_wait3A_363 : memref<1x128xi32, #tpu.memory_space<vmem>> -> memref<128xi32, #tpu.memory_space<vmem>>
      %dma_wait3A_365 = arith.constant 0 : i32
      %dma_wait3A_366 = arith.constant 0 : i32
      %dma_wait3A_367 = tpu.memref_slice %arg12[%dma_wait3A_365, %dma_wait3A_366] : memref<10240x128xf32, #tpu.memory_space<vmem_shared>> -> memref<10240x128xf32, #tpu.memory_space<vmem_shared>>
      tpu.wait_indirect_dma semaphore(%arg16 : memref<!tpu.dma_semaphore, #tpu.memory_space<semaphore_mem>>) src(%arg11 : memref<128x128xf32, #tpu.memory_space<vmem>>) dst(%dma_wait3A_367 : memref<10240x128xf32, #tpu.memory_space<vmem_shared>>)
      %dma_start3A_368 = arith.constant 11 : i32
      %dma_start3A_369 = arith.constant 0 : i32
      %dma_start3A_370 = tpu.memref_slice %arg8[%dma_start3A_368, %dma_start3A_369] : memref<16x128xi32, #tpu.memory_space<vmem>> -> memref<1x128xi32, #tpu.memory_space<vmem>>
      %dma_start3A_371 = tpu.memref_squeeze %dma_start3A_370 : memref<1x128xi32, #tpu.memory_space<vmem>> -> memref<128xi32, #tpu.memory_space<vmem>>
      %dma_start3A_372 = arith.constant 0 : i32
      %dma_start3A_373 = arith.constant 0 : i32
      %dma_start3A_374 = tpu.memref_slice %arg2[%dma_start3A_372, %dma_start3A_373] : memref<10000x128xf32, #tpu.memory_space<hbm>> -> memref<10000x128xf32, #tpu.memory_space<hbm>>
      tpu.enqueue_indirect_dma source(%dma_start3A_374 : memref<10000x128xf32, #tpu.memory_space<hbm>>) target(%arg11 : memref<128x128xf32, #tpu.memory_space<vmem>>) offsets(%dma_start3A_371 : memref<128xi32, #tpu.memory_space<vmem>>) semaphore(%arg14 : memref<!tpu.dma_semaphore, #tpu.memory_space<semaphore_mem>>)
      %dma_wait3A_375 = arith.constant 10 : i32
      %dma_wait3A_376 = arith.constant 0 : i32
      %dma_wait3A_377 = tpu.memref_slice %arg8[%dma_wait3A_375, %dma_wait3A_376] : memref<16x128xi32, #tpu.memory_space<vmem>> -> memref<1x128xi32, #tpu.memory_space<vmem>>
      %dma_wait3A_378 = tpu.memref_squeeze %dma_wait3A_377 : memref<1x128xi32, #tpu.memory_space<vmem>> -> memref<128xi32, #tpu.memory_space<vmem>>
      %dma_wait3A_379 = arith.constant 0 : i32
      %dma_wait3A_380 = arith.constant 0 : i32
      %dma_wait3A_381 = tpu.memref_slice %arg2[%dma_wait3A_379, %dma_wait3A_380] : memref<10000x128xf32, #tpu.memory_space<hbm>> -> memref<10000x128xf32, #tpu.memory_space<hbm>>
      tpu.wait_indirect_dma semaphore(%arg13 : memref<!tpu.dma_semaphore, #tpu.memory_space<semaphore_mem>>) src(%dma_wait3A_381 : memref<10000x128xf32, #tpu.memory_space<hbm>>) dst(%arg10 : memref<128x128xf32, #tpu.memory_space<vmem>>)
      %dma_start3A_382 = arith.constant 10 : i32
      %dma_start3A_383 = arith.constant 0 : i32
      %dma_start3A_384 = tpu.memref_slice %arg9[%dma_start3A_382, %dma_start3A_383] : memref<16x128xi32, #tpu.memory_space<vmem>> -> memref<1x128xi32, #tpu.memory_space<vmem>>
      %dma_start3A_385 = tpu.memref_squeeze %dma_start3A_384 : memref<1x128xi32, #tpu.memory_space<vmem>> -> memref<128xi32, #tpu.memory_space<vmem>>
      %dma_start3A_386 = arith.constant 0 : i32
      %dma_start3A_387 = arith.constant 0 : i32
      %dma_start3A_388 = tpu.memref_slice %arg12[%dma_start3A_386, %dma_start3A_387] : memref<10240x128xf32, #tpu.memory_space<vmem_shared>> -> memref<10240x128xf32, #tpu.memory_space<vmem_shared>>
      tpu.enqueue_indirect_dma source(%arg10 : memref<128x128xf32, #tpu.memory_space<vmem>>) target(%dma_start3A_388 : memref<10240x128xf32, #tpu.memory_space<vmem_shared>>) offsets(%dma_start3A_385 : memref<128xi32, #tpu.memory_space<vmem>>) semaphore(%arg15 : memref<!tpu.dma_semaphore, #tpu.memory_space<semaphore_mem>>) {add = true}
      %scan3A_389 = arith.constant 0 : i32
      %scan3A_390 = arith.constant 0 : i32
      %scan3A_391 = arith.constant 8 : i32
      %scan3A_392 = arith.addi %scan3A_390, %scan3A_391 : i32
      %scan3A_393 = arith.constant 1 : i32
      scf.for %scan3A_565 = %scan3A_390 to %scan3A_392 step %scan3A_393  : i32 {
        %mul3A_566 = arith.constant 16 : i32
        %mul3A_567 = arith.muli %scan3A_565, %mul3A_566 : i32
        %get3A = arith.constant 10 : i32
        %get3A_568 = arith.index_cast %get3A : i32 to index
        %get3A_569 = arith.index_cast %mul3A_567 : i32 to index
        %get3A_570 = tpu.vector_load %arg9[%get3A_568, %get3A_569] {strides = array<i32>} : memref<16x128xi32, #tpu.memory_space<vmem>>, vector<16xi32>,
        tpu.vector_store_idx %arg17[%get3A_570], %broadcast_in_dim3A_10 {add = true} : memref<10240xf32, #tpu.memory_space<vmem>>[vector<16xi32>], vector<16xf32>,
      }
      %scan3A_394 = arith.constant 8 : i32
      %dma_wait3A_395 = arith.constant 10 : i32
      %dma_wait3A_396 = arith.constant 0 : i32
      %dma_wait3A_397 = tpu.memref_slice %arg9[%dma_wait3A_395, %dma_wait3A_396] : memref<16x128xi32, #tpu.memory_space<vmem>> -> memref<1x128xi32, #tpu.memory_space<vmem>>
      %dma_wait3A_398 = tpu.memref_squeeze %dma_wait3A_397 : memref<1x128xi32, #tpu.memory_space<vmem>> -> memref<128xi32, #tpu.memory_space<vmem>>
      %dma_wait3A_399 = arith.constant 0 : i32
      %dma_wait3A_400 = arith.constant 0 : i32
      %dma_wait3A_401 = tpu.memref_slice %arg12[%dma_wait3A_399, %dma_wait3A_400] : memref<10240x128xf32, #tpu.memory_space<vmem_shared>> -> memref<10240x128xf32, #tpu.memory_space<vmem_shared>>
      tpu.wait_indirect_dma semaphore(%arg15 : memref<!tpu.dma_semaphore, #tpu.memory_space<semaphore_mem>>) src(%arg10 : memref<128x128xf32, #tpu.memory_space<vmem>>) dst(%dma_wait3A_401 : memref<10240x128xf32, #tpu.memory_space<vmem_shared>>)
      %dma_start3A_402 = arith.constant 12 : i32
      %dma_start3A_403 = arith.constant 0 : i32
      %dma_start3A_404 = tpu.memref_slice %arg8[%dma_start3A_402, %dma_start3A_403] : memref<16x128xi32, #tpu.memory_space<vmem>> -> memref<1x128xi32, #tpu.memory_space<vmem>>
      %dma_start3A_405 = tpu.memref_squeeze %dma_start3A_404 : memref<1x128xi32, #tpu.memory_space<vmem>> -> memref<128xi32, #tpu.memory_space<vmem>>
      %dma_start3A_406 = arith.constant 0 : i32
      %dma_start3A_407 = arith.constant 0 : i32
      %dma_start3A_408 = tpu.memref_slice %arg2[%dma_start3A_406, %dma_start3A_407] : memref<10000x128xf32, #tpu.memory_space<hbm>> -> memref<10000x128xf32, #tpu.memory_space<hbm>>
      tpu.enqueue_indirect_dma source(%dma_start3A_408 : memref<10000x128xf32, #tpu.memory_space<hbm>>) target(%arg10 : memref<128x128xf32, #tpu.memory_space<vmem>>) offsets(%dma_start3A_405 : memref<128xi32, #tpu.memory_space<vmem>>) semaphore(%arg13 : memref<!tpu.dma_semaphore, #tpu.memory_space<semaphore_mem>>)
      %dma_wait3A_409 = arith.constant 11 : i32
      %dma_wait3A_410 = arith.constant 0 : i32
      %dma_wait3A_411 = tpu.memref_slice %arg8[%dma_wait3A_409, %dma_wait3A_410] : memref<16x128xi32, #tpu.memory_space<vmem>> -> memref<1x128xi32, #tpu.memory_space<vmem>>
      %dma_wait3A_412 = tpu.memref_squeeze %dma_wait3A_411 : memref<1x128xi32, #tpu.memory_space<vmem>> -> memref<128xi32, #tpu.memory_space<vmem>>
      %dma_wait3A_413 = arith.constant 0 : i32
      %dma_wait3A_414 = arith.constant 0 : i32
      %dma_wait3A_415 = tpu.memref_slice %arg2[%dma_wait3A_413, %dma_wait3A_414] : memref<10000x128xf32, #tpu.memory_space<hbm>> -> memref<10000x128xf32, #tpu.memory_space<hbm>>
      tpu.wait_indirect_dma semaphore(%arg14 : memref<!tpu.dma_semaphore, #tpu.memory_space<semaphore_mem>>) src(%dma_wait3A_415 : memref<10000x128xf32, #tpu.memory_space<hbm>>) dst(%arg11 : memref<128x128xf32, #tpu.memory_space<vmem>>)
      %dma_start3A_416 = arith.constant 11 : i32
      %dma_start3A_417 = arith.constant 0 : i32
      %dma_start3A_418 = tpu.memref_slice %arg9[%dma_start3A_416, %dma_start3A_417] : memref<16x128xi32, #tpu.memory_space<vmem>> -> memref<1x128xi32, #tpu.memory_space<vmem>>
      %dma_start3A_419 = tpu.memref_squeeze %dma_start3A_418 : memref<1x128xi32, #tpu.memory_space<vmem>> -> memref<128xi32, #tpu.memory_space<vmem>>
      %dma_start3A_420 = arith.constant 0 : i32
      %dma_start3A_421 = arith.constant 0 : i32
      %dma_start3A_422 = tpu.memref_slice %arg12[%dma_start3A_420, %dma_start3A_421] : memref<10240x128xf32, #tpu.memory_space<vmem_shared>> -> memref<10240x128xf32, #tpu.memory_space<vmem_shared>>
      tpu.enqueue_indirect_dma source(%arg11 : memref<128x128xf32, #tpu.memory_space<vmem>>) target(%dma_start3A_422 : memref<10240x128xf32, #tpu.memory_space<vmem_shared>>) offsets(%dma_start3A_419 : memref<128xi32, #tpu.memory_space<vmem>>) semaphore(%arg16 : memref<!tpu.dma_semaphore, #tpu.memory_space<semaphore_mem>>) {add = true}
      %scan3A_423 = arith.constant 0 : i32
      %scan3A_424 = arith.constant 0 : i32
      %scan3A_425 = arith.constant 8 : i32
      %scan3A_426 = arith.addi %scan3A_424, %scan3A_425 : i32
      %scan3A_427 = arith.constant 1 : i32
      scf.for %scan3A_565 = %scan3A_424 to %scan3A_426 step %scan3A_427  : i32 {
        %mul3A_566 = arith.constant 16 : i32
        %mul3A_567 = arith.muli %scan3A_565, %mul3A_566 : i32
        %get3A = arith.constant 11 : i32
        %get3A_568 = arith.index_cast %get3A : i32 to index
        %get3A_569 = arith.index_cast %mul3A_567 : i32 to index
        %get3A_570 = tpu.vector_load %arg9[%get3A_568, %get3A_569] {strides = array<i32>} : memref<16x128xi32, #tpu.memory_space<vmem>>, vector<16xi32>,
        tpu.vector_store_idx %arg17[%get3A_570], %broadcast_in_dim3A_10 {add = true} : memref<10240xf32, #tpu.memory_space<vmem>>[vector<16xi32>], vector<16xf32>,
      }
      %scan3A_428 = arith.constant 8 : i32
      %dma_wait3A_429 = arith.constant 11 : i32
      %dma_wait3A_430 = arith.constant 0 : i32
      %dma_wait3A_431 = tpu.memref_slice %arg9[%dma_wait3A_429, %dma_wait3A_430] : memref<16x128xi32, #tpu.memory_space<vmem>> -> memref<1x128xi32, #tpu.memory_space<vmem>>
      %dma_wait3A_432 = tpu.memref_squeeze %dma_wait3A_431 : memref<1x128xi32, #tpu.memory_space<vmem>> -> memref<128xi32, #tpu.memory_space<vmem>>
      %dma_wait3A_433 = arith.constant 0 : i32
      %dma_wait3A_434 = arith.constant 0 : i32
      %dma_wait3A_435 = tpu.memref_slice %arg12[%dma_wait3A_433, %dma_wait3A_434] : memref<10240x128xf32, #tpu.memory_space<vmem_shared>> -> memref<10240x128xf32, #tpu.memory_space<vmem_shared>>
      tpu.wait_indirect_dma semaphore(%arg16 : memref<!tpu.dma_semaphore, #tpu.memory_space<semaphore_mem>>) src(%arg11 : memref<128x128xf32, #tpu.memory_space<vmem>>) dst(%dma_wait3A_435 : memref<10240x128xf32, #tpu.memory_space<vmem_shared>>)
      %dma_start3A_436 = arith.constant 13 : i32
      %dma_start3A_437 = arith.constant 0 : i32
      %dma_start3A_438 = tpu.memref_slice %arg8[%dma_start3A_436, %dma_start3A_437] : memref<16x128xi32, #tpu.memory_space<vmem>> -> memref<1x128xi32, #tpu.memory_space<vmem>>
      %dma_start3A_439 = tpu.memref_squeeze %dma_start3A_438 : memref<1x128xi32, #tpu.memory_space<vmem>> -> memref<128xi32, #tpu.memory_space<vmem>>
      %dma_start3A_440 = arith.constant 0 : i32
      %dma_start3A_441 = arith.constant 0 : i32
      %dma_start3A_442 = tpu.memref_slice %arg2[%dma_start3A_440, %dma_start3A_441] : memref<10000x128xf32, #tpu.memory_space<hbm>> -> memref<10000x128xf32, #tpu.memory_space<hbm>>
      tpu.enqueue_indirect_dma source(%dma_start3A_442 : memref<10000x128xf32, #tpu.memory_space<hbm>>) target(%arg11 : memref<128x128xf32, #tpu.memory_space<vmem>>) offsets(%dma_start3A_439 : memref<128xi32, #tpu.memory_space<vmem>>) semaphore(%arg14 : memref<!tpu.dma_semaphore, #tpu.memory_space<semaphore_mem>>)
      %dma_wait3A_443 = arith.constant 12 : i32
      %dma_wait3A_444 = arith.constant 0 : i32
      %dma_wait3A_445 = tpu.memref_slice %arg8[%dma_wait3A_443, %dma_wait3A_444] : memref<16x128xi32, #tpu.memory_space<vmem>> -> memref<1x128xi32, #tpu.memory_space<vmem>>
      %dma_wait3A_446 = tpu.memref_squeeze %dma_wait3A_445 : memref<1x128xi32, #tpu.memory_space<vmem>> -> memref<128xi32, #tpu.memory_space<vmem>>
      %dma_wait3A_447 = arith.constant 0 : i32
      %dma_wait3A_448 = arith.constant 0 : i32
      %dma_wait3A_449 = tpu.memref_slice %arg2[%dma_wait3A_447, %dma_wait3A_448] : memref<10000x128xf32, #tpu.memory_space<hbm>> -> memref<10000x128xf32, #tpu.memory_space<hbm>>
      tpu.wait_indirect_dma semaphore(%arg13 : memref<!tpu.dma_semaphore, #tpu.memory_space<semaphore_mem>>) src(%dma_wait3A_449 : memref<10000x128xf32, #tpu.memory_space<hbm>>) dst(%arg10 : memref<128x128xf32, #tpu.memory_space<vmem>>)
      %dma_start3A_450 = arith.constant 12 : i32
      %dma_start3A_451 = arith.constant 0 : i32
      %dma_start3A_452 = tpu.memref_slice %arg9[%dma_start3A_450, %dma_start3A_451] : memref<16x128xi32, #tpu.memory_space<vmem>> -> memref<1x128xi32, #tpu.memory_space<vmem>>
      %dma_start3A_453 = tpu.memref_squeeze %dma_start3A_452 : memref<1x128xi32, #tpu.memory_space<vmem>> -> memref<128xi32, #tpu.memory_space<vmem>>
      %dma_start3A_454 = arith.constant 0 : i32
      %dma_start3A_455 = arith.constant 0 : i32
      %dma_start3A_456 = tpu.memref_slice %arg12[%dma_start3A_454, %dma_start3A_455] : memref<10240x128xf32, #tpu.memory_space<vmem_shared>> -> memref<10240x128xf32, #tpu.memory_space<vmem_shared>>
      tpu.enqueue_indirect_dma source(%arg10 : memref<128x128xf32, #tpu.memory_space<vmem>>) target(%dma_start3A_456 : memref<10240x128xf32, #tpu.memory_space<vmem_shared>>) offsets(%dma_start3A_453 : memref<128xi32, #tpu.memory_space<vmem>>) semaphore(%arg15 : memref<!tpu.dma_semaphore, #tpu.memory_space<semaphore_mem>>) {add = true}
      %scan3A_457 = arith.constant 0 : i32
      %scan3A_458 = arith.constant 0 : i32
      %scan3A_459 = arith.constant 8 : i32
      %scan3A_460 = arith.addi %scan3A_458, %scan3A_459 : i32
      %scan3A_461 = arith.constant 1 : i32
      scf.for %scan3A_565 = %scan3A_458 to %scan3A_460 step %scan3A_461  : i32 {
        %mul3A_566 = arith.constant 16 : i32
        %mul3A_567 = arith.muli %scan3A_565, %mul3A_566 : i32
        %get3A = arith.constant 12 : i32
        %get3A_568 = arith.index_cast %get3A : i32 to index
        %get3A_569 = arith.index_cast %mul3A_567 : i32 to index
        %get3A_570 = tpu.vector_load %arg9[%get3A_568, %get3A_569] {strides = array<i32>} : memref<16x128xi32, #tpu.memory_space<vmem>>, vector<16xi32>,
        tpu.vector_store_idx %arg17[%get3A_570], %broadcast_in_dim3A_10 {add = true} : memref<10240xf32, #tpu.memory_space<vmem>>[vector<16xi32>], vector<16xf32>,
      }
      %scan3A_462 = arith.constant 8 : i32
      %dma_wait3A_463 = arith.constant 12 : i32
      %dma_wait3A_464 = arith.constant 0 : i32
      %dma_wait3A_465 = tpu.memref_slice %arg9[%dma_wait3A_463, %dma_wait3A_464] : memref<16x128xi32, #tpu.memory_space<vmem>> -> memref<1x128xi32, #tpu.memory_space<vmem>>
      %dma_wait3A_466 = tpu.memref_squeeze %dma_wait3A_465 : memref<1x128xi32, #tpu.memory_space<vmem>> -> memref<128xi32, #tpu.memory_space<vmem>>
      %dma_wait3A_467 = arith.constant 0 : i32
      %dma_wait3A_468 = arith.constant 0 : i32
      %dma_wait3A_469 = tpu.memref_slice %arg12[%dma_wait3A_467, %dma_wait3A_468] : memref<10240x128xf32, #tpu.memory_space<vmem_shared>> -> memref<10240x128xf32, #tpu.memory_space<vmem_shared>>
      tpu.wait_indirect_dma semaphore(%arg15 : memref<!tpu.dma_semaphore, #tpu.memory_space<semaphore_mem>>) src(%arg10 : memref<128x128xf32, #tpu.memory_space<vmem>>) dst(%dma_wait3A_469 : memref<10240x128xf32, #tpu.memory_space<vmem_shared>>)
      %dma_start3A_470 = arith.constant 14 : i32
      %dma_start3A_471 = arith.constant 0 : i32
      %dma_start3A_472 = tpu.memref_slice %arg8[%dma_start3A_470, %dma_start3A_471] : memref<16x128xi32, #tpu.memory_space<vmem>> -> memref<1x128xi32, #tpu.memory_space<vmem>>
      %dma_start3A_473 = tpu.memref_squeeze %dma_start3A_472 : memref<1x128xi32, #tpu.memory_space<vmem>> -> memref<128xi32, #tpu.memory_space<vmem>>
      %dma_start3A_474 = arith.constant 0 : i32
      %dma_start3A_475 = arith.constant 0 : i32
      %dma_start3A_476 = tpu.memref_slice %arg2[%dma_start3A_474, %dma_start3A_475] : memref<10000x128xf32, #tpu.memory_space<hbm>> -> memref<10000x128xf32, #tpu.memory_space<hbm>>
      tpu.enqueue_indirect_dma source(%dma_start3A_476 : memref<10000x128xf32, #tpu.memory_space<hbm>>) target(%arg10 : memref<128x128xf32, #tpu.memory_space<vmem>>) offsets(%dma_start3A_473 : memref<128xi32, #tpu.memory_space<vmem>>) semaphore(%arg13 : memref<!tpu.dma_semaphore, #tpu.memory_space<semaphore_mem>>)
      %dma_wait3A_477 = arith.constant 13 : i32
      %dma_wait3A_478 = arith.constant 0 : i32
      %dma_wait3A_479 = tpu.memref_slice %arg8[%dma_wait3A_477, %dma_wait3A_478] : memref<16x128xi32, #tpu.memory_space<vmem>> -> memref<1x128xi32, #tpu.memory_space<vmem>>
      %dma_wait3A_480 = tpu.memref_squeeze %dma_wait3A_479 : memref<1x128xi32, #tpu.memory_space<vmem>> -> memref<128xi32, #tpu.memory_space<vmem>>
      %dma_wait3A_481 = arith.constant 0 : i32
      %dma_wait3A_482 = arith.constant 0 : i32
      %dma_wait3A_483 = tpu.memref_slice %arg2[%dma_wait3A_481, %dma_wait3A_482] : memref<10000x128xf32, #tpu.memory_space<hbm>> -> memref<10000x128xf32, #tpu.memory_space<hbm>>
      tpu.wait_indirect_dma semaphore(%arg14 : memref<!tpu.dma_semaphore, #tpu.memory_space<semaphore_mem>>) src(%dma_wait3A_483 : memref<10000x128xf32, #tpu.memory_space<hbm>>) dst(%arg11 : memref<128x128xf32, #tpu.memory_space<vmem>>)
      %dma_start3A_484 = arith.constant 13 : i32
      %dma_start3A_485 = arith.constant 0 : i32
      %dma_start3A_486 = tpu.memref_slice %arg9[%dma_start3A_484, %dma_start3A_485] : memref<16x128xi32, #tpu.memory_space<vmem>> -> memref<1x128xi32, #tpu.memory_space<vmem>>
      %dma_start3A_487 = tpu.memref_squeeze %dma_start3A_486 : memref<1x128xi32, #tpu.memory_space<vmem>> -> memref<128xi32, #tpu.memory_space<vmem>>
      %dma_start3A_488 = arith.constant 0 : i32
      %dma_start3A_489 = arith.constant 0 : i32
      %dma_start3A_490 = tpu.memref_slice %arg12[%dma_start3A_488, %dma_start3A_489] : memref<10240x128xf32, #tpu.memory_space<vmem_shared>> -> memref<10240x128xf32, #tpu.memory_space<vmem_shared>>
      tpu.enqueue_indirect_dma source(%arg11 : memref<128x128xf32, #tpu.memory_space<vmem>>) target(%dma_start3A_490 : memref<10240x128xf32, #tpu.memory_space<vmem_shared>>) offsets(%dma_start3A_487 : memref<128xi32, #tpu.memory_space<vmem>>) semaphore(%arg16 : memref<!tpu.dma_semaphore, #tpu.memory_space<semaphore_mem>>) {add = true}
      %scan3A_491 = arith.constant 0 : i32
      %scan3A_492 = arith.constant 0 : i32
      %scan3A_493 = arith.constant 8 : i32
      %scan3A_494 = arith.addi %scan3A_492, %scan3A_493 : i32
      %scan3A_495 = arith.constant 1 : i32
      scf.for %scan3A_565 = %scan3A_492 to %scan3A_494 step %scan3A_495  : i32 {
        %mul3A_566 = arith.constant 16 : i32
        %mul3A_567 = arith.muli %scan3A_565, %mul3A_566 : i32
        %get3A = arith.constant 13 : i32
        %get3A_568 = arith.index_cast %get3A : i32 to index
        %get3A_569 = arith.index_cast %mul3A_567 : i32 to index
        %get3A_570 = tpu.vector_load %arg9[%get3A_568, %get3A_569] {strides = array<i32>} : memref<16x128xi32, #tpu.memory_space<vmem>>, vector<16xi32>,
        tpu.vector_store_idx %arg17[%get3A_570], %broadcast_in_dim3A_10 {add = true} : memref<10240xf32, #tpu.memory_space<vmem>>[vector<16xi32>], vector<16xf32>,
      }
      %scan3A_496 = arith.constant 8 : i32
      %dma_wait3A_497 = arith.constant 13 : i32
      %dma_wait3A_498 = arith.constant 0 : i32
      %dma_wait3A_499 = tpu.memref_slice %arg9[%dma_wait3A_497, %dma_wait3A_498] : memref<16x128xi32, #tpu.memory_space<vmem>> -> memref<1x128xi32, #tpu.memory_space<vmem>>
      %dma_wait3A_500 = tpu.memref_squeeze %dma_wait3A_499 : memref<1x128xi32, #tpu.memory_space<vmem>> -> memref<128xi32, #tpu.memory_space<vmem>>
      %dma_wait3A_501 = arith.constant 0 : i32
      %dma_wait3A_502 = arith.constant 0 : i32
      %dma_wait3A_503 = tpu.memref_slice %arg12[%dma_wait3A_501, %dma_wait3A_502] : memref<10240x128xf32, #tpu.memory_space<vmem_shared>> -> memref<10240x128xf32, #tpu.memory_space<vmem_shared>>
      tpu.wait_indirect_dma semaphore(%arg16 : memref<!tpu.dma_semaphore, #tpu.memory_space<semaphore_mem>>) src(%arg11 : memref<128x128xf32, #tpu.memory_space<vmem>>) dst(%dma_wait3A_503 : memref<10240x128xf32, #tpu.memory_space<vmem_shared>>)
      %dma_start3A_504 = arith.constant 15 : i32
      %dma_start3A_505 = arith.constant 0 : i32
      %dma_start3A_506 = tpu.memref_slice %arg8[%dma_start3A_504, %dma_start3A_505] : memref<16x128xi32, #tpu.memory_space<vmem>> -> memref<1x128xi32, #tpu.memory_space<vmem>>
      %dma_start3A_507 = tpu.memref_squeeze %dma_start3A_506 : memref<1x128xi32, #tpu.memory_space<vmem>> -> memref<128xi32, #tpu.memory_space<vmem>>
      %dma_start3A_508 = arith.constant 0 : i32
      %dma_start3A_509 = arith.constant 0 : i32
      %dma_start3A_510 = tpu.memref_slice %arg2[%dma_start3A_508, %dma_start3A_509] : memref<10000x128xf32, #tpu.memory_space<hbm>> -> memref<10000x128xf32, #tpu.memory_space<hbm>>
      tpu.enqueue_indirect_dma source(%dma_start3A_510 : memref<10000x128xf32, #tpu.memory_space<hbm>>) target(%arg11 : memref<128x128xf32, #tpu.memory_space<vmem>>) offsets(%dma_start3A_507 : memref<128xi32, #tpu.memory_space<vmem>>) semaphore(%arg14 : memref<!tpu.dma_semaphore, #tpu.memory_space<semaphore_mem>>)
      %dma_wait3A_511 = arith.constant 14 : i32
      %dma_wait3A_512 = arith.constant 0 : i32
      %dma_wait3A_513 = tpu.memref_slice %arg8[%dma_wait3A_511, %dma_wait3A_512] : memref<16x128xi32, #tpu.memory_space<vmem>> -> memref<1x128xi32, #tpu.memory_space<vmem>>
      %dma_wait3A_514 = tpu.memref_squeeze %dma_wait3A_513 : memref<1x128xi32, #tpu.memory_space<vmem>> -> memref<128xi32, #tpu.memory_space<vmem>>
      %dma_wait3A_515 = arith.constant 0 : i32
      %dma_wait3A_516 = arith.constant 0 : i32
      %dma_wait3A_517 = tpu.memref_slice %arg2[%dma_wait3A_515, %dma_wait3A_516] : memref<10000x128xf32, #tpu.memory_space<hbm>> -> memref<10000x128xf32, #tpu.memory_space<hbm>>
      tpu.wait_indirect_dma semaphore(%arg13 : memref<!tpu.dma_semaphore, #tpu.memory_space<semaphore_mem>>) src(%dma_wait3A_517 : memref<10000x128xf32, #tpu.memory_space<hbm>>) dst(%arg10 : memref<128x128xf32, #tpu.memory_space<vmem>>)
      %dma_start3A_518 = arith.constant 14 : i32
      %dma_start3A_519 = arith.constant 0 : i32
      %dma_start3A_520 = tpu.memref_slice %arg9[%dma_start3A_518, %dma_start3A_519] : memref<16x128xi32, #tpu.memory_space<vmem>> -> memref<1x128xi32, #tpu.memory_space<vmem>>
      %dma_start3A_521 = tpu.memref_squeeze %dma_start3A_520 : memref<1x128xi32, #tpu.memory_space<vmem>> -> memref<128xi32, #tpu.memory_space<vmem>>
      %dma_start3A_522 = arith.constant 0 : i32
      %dma_start3A_523 = arith.constant 0 : i32
      %dma_start3A_524 = tpu.memref_slice %arg12[%dma_start3A_522, %dma_start3A_523] : memref<10240x128xf32, #tpu.memory_space<vmem_shared>> -> memref<10240x128xf32, #tpu.memory_space<vmem_shared>>
      tpu.enqueue_indirect_dma source(%arg10 : memref<128x128xf32, #tpu.memory_space<vmem>>) target(%dma_start3A_524 : memref<10240x128xf32, #tpu.memory_space<vmem_shared>>) offsets(%dma_start3A_521 : memref<128xi32, #tpu.memory_space<vmem>>) semaphore(%arg15 : memref<!tpu.dma_semaphore, #tpu.memory_space<semaphore_mem>>) {add = true}
      %scan3A_525 = arith.constant 0 : i32
      %scan3A_526 = arith.constant 0 : i32
      %scan3A_527 = arith.constant 8 : i32
      %scan3A_528 = arith.addi %scan3A_526, %scan3A_527 : i32
      %scan3A_529 = arith.constant 1 : i32
      scf.for %scan3A_565 = %scan3A_526 to %scan3A_528 step %scan3A_529  : i32 {
        %mul3A_566 = arith.constant 16 : i32
        %mul3A_567 = arith.muli %scan3A_565, %mul3A_566 : i32
        %get3A = arith.constant 14 : i32
        %get3A_568 = arith.index_cast %get3A : i32 to index
        %get3A_569 = arith.index_cast %mul3A_567 : i32 to index
        %get3A_570 = tpu.vector_load %arg9[%get3A_568, %get3A_569] {strides = array<i32>} : memref<16x128xi32, #tpu.memory_space<vmem>>, vector<16xi32>,
        tpu.vector_store_idx %arg17[%get3A_570], %broadcast_in_dim3A_10 {add = true} : memref<10240xf32, #tpu.memory_space<vmem>>[vector<16xi32>], vector<16xf32>,
      }
      %scan3A_530 = arith.constant 8 : i32
      %dma_wait3A_531 = arith.constant 14 : i32
      %dma_wait3A_532 = arith.constant 0 : i32
      %dma_wait3A_533 = tpu.memref_slice %arg9[%dma_wait3A_531, %dma_wait3A_532] : memref<16x128xi32, #tpu.memory_space<vmem>> -> memref<1x128xi32, #tpu.memory_space<vmem>>
      %dma_wait3A_534 = tpu.memref_squeeze %dma_wait3A_533 : memref<1x128xi32, #tpu.memory_space<vmem>> -> memref<128xi32, #tpu.memory_space<vmem>>
      %dma_wait3A_535 = arith.constant 0 : i32
      %dma_wait3A_536 = arith.constant 0 : i32
      %dma_wait3A_537 = tpu.memref_slice %arg12[%dma_wait3A_535, %dma_wait3A_536] : memref<10240x128xf32, #tpu.memory_space<vmem_shared>> -> memref<10240x128xf32, #tpu.memory_space<vmem_shared>>
      tpu.wait_indirect_dma semaphore(%arg15 : memref<!tpu.dma_semaphore, #tpu.memory_space<semaphore_mem>>) src(%arg10 : memref<128x128xf32, #tpu.memory_space<vmem>>) dst(%dma_wait3A_537 : memref<10240x128xf32, #tpu.memory_space<vmem_shared>>)
      %dma_wait3A_538 = arith.constant 15 : i32
      %dma_wait3A_539 = arith.constant 0 : i32
      %dma_wait3A_540 = tpu.memref_slice %arg8[%dma_wait3A_538, %dma_wait3A_539] : memref<16x128xi32, #tpu.memory_space<vmem>> -> memref<1x128xi32, #tpu.memory_space<vmem>>
      %dma_wait3A_541 = tpu.memref_squeeze %dma_wait3A_540 : memref<1x128xi32, #tpu.memory_space<vmem>> -> memref<128xi32, #tpu.memory_space<vmem>>
      %dma_wait3A_542 = arith.constant 0 : i32
      %dma_wait3A_543 = arith.constant 0 : i32
      %dma_wait3A_544 = tpu.memref_slice %arg2[%dma_wait3A_542, %dma_wait3A_543] : memref<10000x128xf32, #tpu.memory_space<hbm>> -> memref<10000x128xf32, #tpu.memory_space<hbm>>
      tpu.wait_indirect_dma semaphore(%arg14 : memref<!tpu.dma_semaphore, #tpu.memory_space<semaphore_mem>>) src(%dma_wait3A_544 : memref<10000x128xf32, #tpu.memory_space<hbm>>) dst(%arg11 : memref<128x128xf32, #tpu.memory_space<vmem>>)
      %dma_start3A_545 = arith.constant 15 : i32
      %dma_start3A_546 = arith.constant 0 : i32
      %dma_start3A_547 = tpu.memref_slice %arg9[%dma_start3A_545, %dma_start3A_546] : memref<16x128xi32, #tpu.memory_space<vmem>> -> memref<1x128xi32, #tpu.memory_space<vmem>>
      %dma_start3A_548 = tpu.memref_squeeze %dma_start3A_547 : memref<1x128xi32, #tpu.memory_space<vmem>> -> memref<128xi32, #tpu.memory_space<vmem>>
      %dma_start3A_549 = arith.constant 0 : i32
      %dma_start3A_550 = arith.constant 0 : i32
      %dma_start3A_551 = tpu.memref_slice %arg12[%dma_start3A_549, %dma_start3A_550] : memref<10240x128xf32, #tpu.memory_space<vmem_shared>> -> memref<10240x128xf32, #tpu.memory_space<vmem_shared>>
      tpu.enqueue_indirect_dma source(%arg11 : memref<128x128xf32, #tpu.memory_space<vmem>>) target(%dma_start3A_551 : memref<10240x128xf32, #tpu.memory_space<vmem_shared>>) offsets(%dma_start3A_548 : memref<128xi32, #tpu.memory_space<vmem>>) semaphore(%arg16 : memref<!tpu.dma_semaphore, #tpu.memory_space<semaphore_mem>>) {add = true}
      %scan3A_552 = arith.constant 0 : i32
      %scan3A_553 = arith.constant 0 : i32
      %scan3A_554 = arith.constant 8 : i32
      %scan3A_555 = arith.addi %scan3A_553, %scan3A_554 : i32
      %scan3A_556 = arith.constant 1 : i32
      scf.for %scan3A_565 = %scan3A_553 to %scan3A_555 step %scan3A_556  : i32 {
        %mul3A_566 = arith.constant 16 : i32
        %mul3A_567 = arith.muli %scan3A_565, %mul3A_566 : i32
        %get3A = arith.constant 15 : i32
        %get3A_568 = arith.index_cast %get3A : i32 to index
        %get3A_569 = arith.index_cast %mul3A_567 : i32 to index
        %get3A_570 = tpu.vector_load %arg9[%get3A_568, %get3A_569] {strides = array<i32>} : memref<16x128xi32, #tpu.memory_space<vmem>>, vector<16xi32>,
        tpu.vector_store_idx %arg17[%get3A_570], %broadcast_in_dim3A_10 {add = true} : memref<10240xf32, #tpu.memory_space<vmem>>[vector<16xi32>], vector<16xf32>,
      }
      %scan3A_557 = arith.constant 8 : i32
      %dma_wait3A_558 = arith.constant 15 : i32
      %dma_wait3A_559 = arith.constant 0 : i32
      %dma_wait3A_560 = tpu.memref_slice %arg9[%dma_wait3A_558, %dma_wait3A_559] : memref<16x128xi32, #tpu.memory_space<vmem>> -> memref<1x128xi32, #tpu.memory_space<vmem>>
      %dma_wait3A_561 = tpu.memref_squeeze %dma_wait3A_560 : memref<1x128xi32, #tpu.memory_space<vmem>> -> memref<128xi32, #tpu.memory_space<vmem>>
      %dma_wait3A_562 = arith.constant 0 : i32
      %dma_wait3A_563 = arith.constant 0 : i32
      %dma_wait3A_564 = tpu.memref_slice %arg12[%dma_wait3A_562, %dma_wait3A_563] : memref<10240x128xf32, #tpu.memory_space<vmem_shared>> -> memref<10240x128xf32, #tpu.memory_space<vmem_shared>>
      tpu.wait_indirect_dma semaphore(%arg16 : memref<!tpu.dma_semaphore, #tpu.memory_space<semaphore_mem>>) src(%arg11 : memref<128x128xf32, #tpu.memory_space<vmem>>) dst(%dma_wait3A_564 : memref<10240x128xf32, #tpu.memory_space<vmem_shared>>)
    }
    %scan3A_16 = arith.constant 10 : i32
    %barrier3A_17 = arith.constant 0 : index
    tpu.barrier barrier_id(%barrier3A_17)
    "tpu.region"() ({
      %run_scoped3A = tpu.sem_alloc : memref<!tpu.dma_semaphore, #tpu.memory_space<semaphore_mem>>
      %dma_start3A = arith.constant 0 : i32
      %dma_start3A_18 = arith.constant 0 : i32
      %dma_start3A_19 = tpu.memref_slice %arg6[%arg0, %dma_start3A, %dma_start3A_18] : memref<2x10240x128xf32, #tpu.memory_space<hbm>> -> memref<1x10240x128xf32, #tpu.memory_space<hbm>>
      %dma_start3A_20 = tpu.memref_squeeze %dma_start3A_19 : memref<1x10240x128xf32, #tpu.memory_space<hbm>> -> memref<10240x128xf32, #tpu.memory_space<hbm>>
      %dma_start3A_21 = arith.constant 0 : i32
      %dma_start3A_22 = tpu.memref_slice %dma_start3A_20[%mul3A_2, %dma_start3A_21] : memref<10240x128xf32, #tpu.memory_space<hbm>> -> memref<640x128xf32, #tpu.memory_space<hbm>>
      %dma_start3A_23 = arith.constant 0 : i32
      %dma_start3A_24 = tpu.memref_slice %arg12[%mul3A_2, %dma_start3A_23] : memref<10240x128xf32, #tpu.memory_space<vmem_shared>> -> memref<640x128xf32, #tpu.memory_space<vmem_shared>>
      tpu.enqueue_dma source(%dma_start3A_24 : memref<640x128xf32, #tpu.memory_space<vmem_shared>>) target(%dma_start3A_22 : memref<640x128xf32, #tpu.memory_space<hbm>>) target_semaphore(%run_scoped3A : memref<!tpu.dma_semaphore, #tpu.memory_space<semaphore_mem>>)
      %dma_wait3A = arith.constant 0 : i32
      %dma_wait3A_25 = arith.constant 0 : i32
      %dma_wait3A_26 = tpu.memref_slice %arg6[%arg0, %dma_wait3A, %dma_wait3A_25] : memref<2x10240x128xf32, #tpu.memory_space<hbm>> -> memref<1x10240x128xf32, #tpu.memory_space<hbm>>
      %dma_wait3A_27 = tpu.memref_squeeze %dma_wait3A_26 : memref<1x10240x128xf32, #tpu.memory_space<hbm>> -> memref<10240x128xf32, #tpu.memory_space<hbm>>
      %dma_wait3A_28 = arith.constant 0 : i32
      %dma_wait3A_29 = tpu.memref_slice %dma_wait3A_27[%mul3A_2, %dma_wait3A_28] : memref<10240x128xf32, #tpu.memory_space<hbm>> -> memref<640x128xf32, #tpu.memory_space<hbm>>
      %dma_wait3A_30 = arith.constant 0 : i32
      %dma_wait3A_31 = tpu.memref_slice %arg12[%mul3A_2, %dma_wait3A_30] : memref<10240x128xf32, #tpu.memory_space<vmem_shared>> -> memref<640x128xf32, #tpu.memory_space<vmem_shared>>
      tpu.wait_dma2 semaphore(%run_scoped3A : memref<!tpu.dma_semaphore, #tpu.memory_space<semaphore_mem>>) src(%dma_wait3A_31 : memref<640x128xf32, #tpu.memory_space<vmem_shared>>) dst(%dma_wait3A_29 : memref<640x128xf32, #tpu.memory_space<hbm>>)
      tpu.yield
    }) : () -> ()
    "tpu.region"() ({
      %run_scoped3A = tpu.sem_alloc : memref<!tpu.dma_semaphore, #tpu.memory_space<semaphore_mem>>
      %dma_start3A = arith.constant 0 : i32
      %dma_start3A_18 = tpu.memref_slice %arg7[%add3A, %dma_start3A] : memref<32x10240xf32, #tpu.memory_space<hbm>> -> memref<1x10240xf32, #tpu.memory_space<hbm>>
      %dma_start3A_19 = tpu.memref_squeeze %dma_start3A_18 : memref<1x10240xf32, #tpu.memory_space<hbm>> -> memref<10240xf32, #tpu.memory_space<hbm>>
      %dma_start3A_20 = arith.constant 0 : i32
      %dma_start3A_21 = tpu.memref_slice %arg7[%add3A, %dma_start3A_20] : memref<32x10240xf32, #tpu.memory_space<hbm>> -> memref<1x10240xf32, #tpu.memory_space<hbm>>
      %dma_start3A_22 = tpu.memref_squeeze %dma_start3A_21 : memref<1x10240xf32, #tpu.memory_space<hbm>> -> memref<10240xf32, #tpu.memory_space<hbm>>
      tpu.enqueue_dma source(%arg17 : memref<10240xf32, #tpu.memory_space<vmem>>) target(%dma_start3A_22 : memref<10240xf32, #tpu.memory_space<hbm>>) target_semaphore(%run_scoped3A : memref<!tpu.dma_semaphore, #tpu.memory_space<semaphore_mem>>)
      %dma_wait3A = arith.constant 0 : i32
      %dma_wait3A_23 = tpu.memref_slice %arg7[%add3A, %dma_wait3A] : memref<32x10240xf32, #tpu.memory_space<hbm>> -> memref<1x10240xf32, #tpu.memory_space<hbm>>
      %dma_wait3A_24 = tpu.memref_squeeze %dma_wait3A_23 : memref<1x10240xf32, #tpu.memory_space<hbm>> -> memref<10240xf32, #tpu.memory_space<hbm>>
      %dma_wait3A_25 = arith.constant 0 : i32
      %dma_wait3A_26 = tpu.memref_slice %arg7[%add3A, %dma_wait3A_25] : memref<32x10240xf32, #tpu.memory_space<hbm>> -> memref<1x10240xf32, #tpu.memory_space<hbm>>
      %dma_wait3A_27 = tpu.memref_squeeze %dma_wait3A_26 : memref<1x10240xf32, #tpu.memory_space<hbm>> -> memref<10240xf32, #tpu.memory_space<hbm>>
      tpu.wait_dma2 semaphore(%run_scoped3A : memref<!tpu.dma_semaphore, #tpu.memory_space<semaphore_mem>>) src(%arg17 : memref<10240xf32, #tpu.memory_space<vmem>>) dst(%dma_wait3A_27 : memref<10240xf32, #tpu.memory_space<hbm>>)
      tpu.yield
    }) : () -> ()
    return
  }
}

#map = affine_map<(d0, d1) -> (0, 0)>
#map1 = affine_map<(d0, d1) -> (0, 0, 0)>
module attributes {stable_mosaic.version = 14 : i64} {
  func.func @body(%arg0: i32, %arg1: i32, %arg2: memref<10000x128xf32, #tpu.memory_space<hbm>>, %arg3: memref<32x160x128xi32, #tpu.memory_space<hbm>>, %arg4: memref<32x160x128xi32, #tpu.memory_space<hbm>>, %arg5: memref<640x128xf32, #tpu.memory_space<hbm>>, %arg6: memref<2x10240x128xf32, #tpu.memory_space<hbm>>, %arg7: memref<16x128xi32, #tpu.memory_space<vmem>>, %arg8: memref<16x128xi32, #tpu.memory_space<vmem>>, %arg9: memref<128x128xf32, #tpu.memory_space<vmem>>, %arg10: memref<128x128xf32, #tpu.memory_space<vmem>>, %arg11: memref<10240x128xf32, #tpu.memory_space<vmem_shared>>, %arg12: memref<!tpu.dma_semaphore, #tpu.memory_space<semaphore_mem>>, %arg13: memref<!tpu.dma_semaphore, #tpu.memory_space<semaphore_mem>>, %arg14: memref<!tpu.dma_semaphore, #tpu.memory_space<semaphore_mem>>, %arg15: memref<!tpu.dma_semaphore, #tpu.memory_space<semaphore_mem>>) attributes {dimension_semantics = [#tpu.dimension_semantics<core_parallel>, #tpu.dimension_semantics<subcore_parallel>], iteration_bounds = array<i64: 2, 16>, scalar_prefetch = 0 : i64, scratch_operands = 9 : i64, tpu.core_type = #tpu.core_type<sc_vector_subcore>, window_params = [{transform_indices = #map}, {transform_indices = #map1}, {transform_indices = #map1}, {transform_indices = #map}, {transform_indices = #map1}]} {
    %mul3A = arith.constant 2 : i32
    %mul3A_0 = arith.muli %arg1, %mul3A : i32
    %add3A = arith.addi %mul3A_0, %arg0 : i32
    %mul3A_1 = arith.constant 640 : i32
    %mul3A_2 = arith.muli %arg1, %mul3A_1 : i32
    "tpu.region"() ({
      %run_scoped3A = tpu.sem_alloc : memref<!tpu.dma_semaphore, #tpu.memory_space<semaphore_mem>>
      %dma_start3A = arith.constant 0 : i32
      %dma_start3A_10 = tpu.memref_slice %arg11[%mul3A_2, %dma_start3A] : memref<10240x128xf32, #tpu.memory_space<vmem_shared>> -> memref<640x128xf32, #tpu.memory_space<vmem_shared>>
      tpu.enqueue_dma source(%arg5 : memref<640x128xf32, #tpu.memory_space<hbm>>) target(%dma_start3A_10 : memref<640x128xf32, #tpu.memory_space<vmem_shared>>) target_semaphore(%run_scoped3A : memref<!tpu.dma_semaphore, #tpu.memory_space<semaphore_mem>>)
      %dma_wait3A = arith.constant 0 : i32
      %dma_wait3A_11 = tpu.memref_slice %arg11[%mul3A_2, %dma_wait3A] : memref<10240x128xf32, #tpu.memory_space<vmem_shared>> -> memref<640x128xf32, #tpu.memory_space<vmem_shared>>
      tpu.wait_dma2 semaphore(%run_scoped3A : memref<!tpu.dma_semaphore, #tpu.memory_space<semaphore_mem>>) src(%arg5 : memref<640x128xf32, #tpu.memory_space<hbm>>) dst(%dma_wait3A_11 : memref<640x128xf32, #tpu.memory_space<vmem_shared>>)
      tpu.yield
    }) : () -> ()
    %barrier3A = arith.constant 0 : index
    tpu.barrier barrier_id(%barrier3A)
    %broadcast_in_dim3A = arith.constant 1.000000e+00 : f32
    %broadcast_in_dim3A_3 = vector.broadcast %broadcast_in_dim3A : f32 to vector<16xf32>
    %scan3A = arith.constant 0 : i32
    %scan3A_4 = arith.constant 0 : i32
    %scan3A_5 = arith.constant 10 : i32
    %scan3A_6 = arith.addi %scan3A_4, %scan3A_5 : i32
    %scan3A_7 = arith.constant 1 : i32
    scf.for %scan3A_10 = %scan3A_4 to %scan3A_6 step %scan3A_7  : i32 {
      %mul3A_11 = arith.constant 16 : i32
      %mul3A_12 = arith.muli %scan3A_10, %mul3A_11 : i32
      "tpu.region"() ({
        %run_scoped3A = tpu.sem_alloc : memref<!tpu.dma_semaphore, #tpu.memory_space<semaphore_mem>>
        %dma_start3A_461 = arith.constant 0 : i32
        %dma_start3A_462 = arith.constant 0 : i32
        %dma_start3A_463 = tpu.memref_slice %arg3[%add3A, %dma_start3A_461, %dma_start3A_462] : memref<32x160x128xi32, #tpu.memory_space<hbm>> -> memref<1x160x128xi32, #tpu.memory_space<hbm>>
        %dma_start3A_464 = tpu.memref_squeeze %dma_start3A_463 : memref<1x160x128xi32, #tpu.memory_space<hbm>> -> memref<160x128xi32, #tpu.memory_space<hbm>>
        %dma_start3A_465 = arith.constant 0 : i32
        %dma_start3A_466 = tpu.memref_slice %dma_start3A_464[%mul3A_12, %dma_start3A_465] : memref<160x128xi32, #tpu.memory_space<hbm>> -> memref<16x128xi32, #tpu.memory_space<hbm>>
        %dma_start3A_467 = arith.constant 0 : i32
        %dma_start3A_468 = arith.constant 0 : i32
        %dma_start3A_469 = tpu.memref_slice %arg3[%add3A, %dma_start3A_467, %dma_start3A_468] : memref<32x160x128xi32, #tpu.memory_space<hbm>> -> memref<1x160x128xi32, #tpu.memory_space<hbm>>
        %dma_start3A_470 = tpu.memref_squeeze %dma_start3A_469 : memref<1x160x128xi32, #tpu.memory_space<hbm>> -> memref<160x128xi32, #tpu.memory_space<hbm>>
        %dma_start3A_471 = arith.constant 0 : i32
        %dma_start3A_472 = tpu.memref_slice %dma_start3A_470[%mul3A_12, %dma_start3A_471] : memref<160x128xi32, #tpu.memory_space<hbm>> -> memref<16x128xi32, #tpu.memory_space<hbm>>
        tpu.enqueue_dma source(%dma_start3A_472 : memref<16x128xi32, #tpu.memory_space<hbm>>) target(%arg7 : memref<16x128xi32, #tpu.memory_space<vmem>>) target_semaphore(%run_scoped3A : memref<!tpu.dma_semaphore, #tpu.memory_space<semaphore_mem>>)
        %dma_wait3A_473 = arith.constant 0 : i32
        %dma_wait3A_474 = arith.constant 0 : i32
        %dma_wait3A_475 = tpu.memref_slice %arg3[%add3A, %dma_wait3A_473, %dma_wait3A_474] : memref<32x160x128xi32, #tpu.memory_space<hbm>> -> memref<1x160x128xi32, #tpu.memory_space<hbm>>
        %dma_wait3A_476 = tpu.memref_squeeze %dma_wait3A_475 : memref<1x160x128xi32, #tpu.memory_space<hbm>> -> memref<160x128xi32, #tpu.memory_space<hbm>>
        %dma_wait3A_477 = arith.constant 0 : i32
        %dma_wait3A_478 = tpu.memref_slice %dma_wait3A_476[%mul3A_12, %dma_wait3A_477] : memref<160x128xi32, #tpu.memory_space<hbm>> -> memref<16x128xi32, #tpu.memory_space<hbm>>
        %dma_wait3A_479 = arith.constant 0 : i32
        %dma_wait3A_480 = arith.constant 0 : i32
        %dma_wait3A_481 = tpu.memref_slice %arg3[%add3A, %dma_wait3A_479, %dma_wait3A_480] : memref<32x160x128xi32, #tpu.memory_space<hbm>> -> memref<1x160x128xi32, #tpu.memory_space<hbm>>
        %dma_wait3A_482 = tpu.memref_squeeze %dma_wait3A_481 : memref<1x160x128xi32, #tpu.memory_space<hbm>> -> memref<160x128xi32, #tpu.memory_space<hbm>>
        %dma_wait3A_483 = arith.constant 0 : i32
        %dma_wait3A_484 = tpu.memref_slice %dma_wait3A_482[%mul3A_12, %dma_wait3A_483] : memref<160x128xi32, #tpu.memory_space<hbm>> -> memref<16x128xi32, #tpu.memory_space<hbm>>
        tpu.wait_dma2 semaphore(%run_scoped3A : memref<!tpu.dma_semaphore, #tpu.memory_space<semaphore_mem>>) src(%dma_wait3A_484 : memref<16x128xi32, #tpu.memory_space<hbm>>) dst(%arg7 : memref<16x128xi32, #tpu.memory_space<vmem>>)
        tpu.yield
      }) : () -> ()
      %mul3A_13 = arith.constant 16 : i32
      %mul3A_14 = arith.muli %scan3A_10, %mul3A_13 : i32
      "tpu.region"() ({
        %run_scoped3A = tpu.sem_alloc : memref<!tpu.dma_semaphore, #tpu.memory_space<semaphore_mem>>
        %dma_start3A_461 = arith.constant 0 : i32
        %dma_start3A_462 = arith.constant 0 : i32
        %dma_start3A_463 = tpu.memref_slice %arg4[%add3A, %dma_start3A_461, %dma_start3A_462] : memref<32x160x128xi32, #tpu.memory_space<hbm>> -> memref<1x160x128xi32, #tpu.memory_space<hbm>>
        %dma_start3A_464 = tpu.memref_squeeze %dma_start3A_463 : memref<1x160x128xi32, #tpu.memory_space<hbm>> -> memref<160x128xi32, #tpu.memory_space<hbm>>
        %dma_start3A_465 = arith.constant 0 : i32
        %dma_start3A_466 = tpu.memref_slice %dma_start3A_464[%mul3A_14, %dma_start3A_465] : memref<160x128xi32, #tpu.memory_space<hbm>> -> memref<16x128xi32, #tpu.memory_space<hbm>>
        %dma_start3A_467 = arith.constant 0 : i32
        %dma_start3A_468 = arith.constant 0 : i32
        %dma_start3A_469 = tpu.memref_slice %arg4[%add3A, %dma_start3A_467, %dma_start3A_468] : memref<32x160x128xi32, #tpu.memory_space<hbm>> -> memref<1x160x128xi32, #tpu.memory_space<hbm>>
        %dma_start3A_470 = tpu.memref_squeeze %dma_start3A_469 : memref<1x160x128xi32, #tpu.memory_space<hbm>> -> memref<160x128xi32, #tpu.memory_space<hbm>>
        %dma_start3A_471 = arith.constant 0 : i32
        %dma_start3A_472 = tpu.memref_slice %dma_start3A_470[%mul3A_14, %dma_start3A_471] : memref<160x128xi32, #tpu.memory_space<hbm>> -> memref<16x128xi32, #tpu.memory_space<hbm>>
        tpu.enqueue_dma source(%dma_start3A_472 : memref<16x128xi32, #tpu.memory_space<hbm>>) target(%arg8 : memref<16x128xi32, #tpu.memory_space<vmem>>) target_semaphore(%run_scoped3A : memref<!tpu.dma_semaphore, #tpu.memory_space<semaphore_mem>>)
        %dma_wait3A_473 = arith.constant 0 : i32
        %dma_wait3A_474 = arith.constant 0 : i32
        %dma_wait3A_475 = tpu.memref_slice %arg4[%add3A, %dma_wait3A_473, %dma_wait3A_474] : memref<32x160x128xi32, #tpu.memory_space<hbm>> -> memref<1x160x128xi32, #tpu.memory_space<hbm>>
        %dma_wait3A_476 = tpu.memref_squeeze %dma_wait3A_475 : memref<1x160x128xi32, #tpu.memory_space<hbm>> -> memref<160x128xi32, #tpu.memory_space<hbm>>
        %dma_wait3A_477 = arith.constant 0 : i32
        %dma_wait3A_478 = tpu.memref_slice %dma_wait3A_476[%mul3A_14, %dma_wait3A_477] : memref<160x128xi32, #tpu.memory_space<hbm>> -> memref<16x128xi32, #tpu.memory_space<hbm>>
        %dma_wait3A_479 = arith.constant 0 : i32
        %dma_wait3A_480 = arith.constant 0 : i32
        %dma_wait3A_481 = tpu.memref_slice %arg4[%add3A, %dma_wait3A_479, %dma_wait3A_480] : memref<32x160x128xi32, #tpu.memory_space<hbm>> -> memref<1x160x128xi32, #tpu.memory_space<hbm>>
        %dma_wait3A_482 = tpu.memref_squeeze %dma_wait3A_481 : memref<1x160x128xi32, #tpu.memory_space<hbm>> -> memref<160x128xi32, #tpu.memory_space<hbm>>
        %dma_wait3A_483 = arith.constant 0 : i32
        %dma_wait3A_484 = tpu.memref_slice %dma_wait3A_482[%mul3A_14, %dma_wait3A_483] : memref<160x128xi32, #tpu.memory_space<hbm>> -> memref<16x128xi32, #tpu.memory_space<hbm>>
        tpu.wait_dma2 semaphore(%run_scoped3A : memref<!tpu.dma_semaphore, #tpu.memory_space<semaphore_mem>>) src(%dma_wait3A_484 : memref<16x128xi32, #tpu.memory_space<hbm>>) dst(%arg8 : memref<16x128xi32, #tpu.memory_space<vmem>>)
        tpu.yield
      }) : () -> ()
      %dma_start3A = arith.constant 0 : i32
      %dma_start3A_15 = arith.constant 0 : i32
      %dma_start3A_16 = tpu.memref_slice %arg7[%dma_start3A, %dma_start3A_15] : memref<16x128xi32, #tpu.memory_space<vmem>> -> memref<1x128xi32, #tpu.memory_space<vmem>>
      %dma_start3A_17 = tpu.memref_squeeze %dma_start3A_16 : memref<1x128xi32, #tpu.memory_space<vmem>> -> memref<128xi32, #tpu.memory_space<vmem>>
      %dma_start3A_18 = arith.constant 0 : i32
      %dma_start3A_19 = arith.constant 0 : i32
      %dma_start3A_20 = tpu.memref_slice %arg2[%dma_start3A_18, %dma_start3A_19] : memref<10000x128xf32, #tpu.memory_space<hbm>> -> memref<10000x128xf32, #tpu.memory_space<hbm>>
      tpu.enqueue_indirect_dma source(%dma_start3A_20 : memref<10000x128xf32, #tpu.memory_space<hbm>>) target(%arg9 : memref<128x128xf32, #tpu.memory_space<vmem>>) offsets(%dma_start3A_17 : memref<128xi32, #tpu.memory_space<vmem>>) semaphore(%arg12 : memref<!tpu.dma_semaphore, #tpu.memory_space<semaphore_mem>>)
      %dma_start3A_21 = arith.constant 1 : i32
      %dma_start3A_22 = arith.constant 0 : i32
      %dma_start3A_23 = tpu.memref_slice %arg7[%dma_start3A_21, %dma_start3A_22] : memref<16x128xi32, #tpu.memory_space<vmem>> -> memref<1x128xi32, #tpu.memory_space<vmem>>
      %dma_start3A_24 = tpu.memref_squeeze %dma_start3A_23 : memref<1x128xi32, #tpu.memory_space<vmem>> -> memref<128xi32, #tpu.memory_space<vmem>>
      %dma_start3A_25 = arith.constant 0 : i32
      %dma_start3A_26 = arith.constant 0 : i32
      %dma_start3A_27 = tpu.memref_slice %arg2[%dma_start3A_25, %dma_start3A_26] : memref<10000x128xf32, #tpu.memory_space<hbm>> -> memref<10000x128xf32, #tpu.memory_space<hbm>>
      tpu.enqueue_indirect_dma source(%dma_start3A_27 : memref<10000x128xf32, #tpu.memory_space<hbm>>) target(%arg10 : memref<128x128xf32, #tpu.memory_space<vmem>>) offsets(%dma_start3A_24 : memref<128xi32, #tpu.memory_space<vmem>>) semaphore(%arg13 : memref<!tpu.dma_semaphore, #tpu.memory_space<semaphore_mem>>)
      %dma_wait3A = arith.constant 0 : i32
      %dma_wait3A_28 = arith.constant 0 : i32
      %dma_wait3A_29 = tpu.memref_slice %arg7[%dma_wait3A, %dma_wait3A_28] : memref<16x128xi32, #tpu.memory_space<vmem>> -> memref<1x128xi32, #tpu.memory_space<vmem>>
      %dma_wait3A_30 = tpu.memref_squeeze %dma_wait3A_29 : memref<1x128xi32, #tpu.memory_space<vmem>> -> memref<128xi32, #tpu.memory_space<vmem>>
      %dma_wait3A_31 = arith.constant 0 : i32
      %dma_wait3A_32 = arith.constant 0 : i32
      %dma_wait3A_33 = tpu.memref_slice %arg2[%dma_wait3A_31, %dma_wait3A_32] : memref<10000x128xf32, #tpu.memory_space<hbm>> -> memref<10000x128xf32, #tpu.memory_space<hbm>>
      tpu.wait_indirect_dma semaphore(%arg12 : memref<!tpu.dma_semaphore, #tpu.memory_space<semaphore_mem>>) src(%dma_wait3A_33 : memref<10000x128xf32, #tpu.memory_space<hbm>>) dst(%arg9 : memref<128x128xf32, #tpu.memory_space<vmem>>)
      %dma_start3A_34 = arith.constant 0 : i32
      %dma_start3A_35 = arith.constant 0 : i32
      %dma_start3A_36 = tpu.memref_slice %arg8[%dma_start3A_34, %dma_start3A_35] : memref<16x128xi32, #tpu.memory_space<vmem>> -> memref<1x128xi32, #tpu.memory_space<vmem>>
      %dma_start3A_37 = tpu.memref_squeeze %dma_start3A_36 : memref<1x128xi32, #tpu.memory_space<vmem>> -> memref<128xi32, #tpu.memory_space<vmem>>
      %dma_start3A_38 = arith.constant 0 : i32
      %dma_start3A_39 = arith.constant 0 : i32
      %dma_start3A_40 = tpu.memref_slice %arg11[%dma_start3A_38, %dma_start3A_39] : memref<10240x128xf32, #tpu.memory_space<vmem_shared>> -> memref<10240x128xf32, #tpu.memory_space<vmem_shared>>
      tpu.enqueue_indirect_dma source(%arg9 : memref<128x128xf32, #tpu.memory_space<vmem>>) target(%dma_start3A_40 : memref<10240x128xf32, #tpu.memory_space<vmem_shared>>) offsets(%dma_start3A_37 : memref<128xi32, #tpu.memory_space<vmem>>) semaphore(%arg14 : memref<!tpu.dma_semaphore, #tpu.memory_space<semaphore_mem>>) {add = true}
      %dma_wait3A_41 = arith.constant 0 : i32
      %dma_wait3A_42 = arith.constant 0 : i32
      %dma_wait3A_43 = tpu.memref_slice %arg8[%dma_wait3A_41, %dma_wait3A_42] : memref<16x128xi32, #tpu.memory_space<vmem>> -> memref<1x128xi32, #tpu.memory_space<vmem>>
      %dma_wait3A_44 = tpu.memref_squeeze %dma_wait3A_43 : memref<1x128xi32, #tpu.memory_space<vmem>> -> memref<128xi32, #tpu.memory_space<vmem>>
      %dma_wait3A_45 = arith.constant 0 : i32
      %dma_wait3A_46 = arith.constant 0 : i32
      %dma_wait3A_47 = tpu.memref_slice %arg11[%dma_wait3A_45, %dma_wait3A_46] : memref<10240x128xf32, #tpu.memory_space<vmem_shared>> -> memref<10240x128xf32, #tpu.memory_space<vmem_shared>>
      tpu.wait_indirect_dma semaphore(%arg14 : memref<!tpu.dma_semaphore, #tpu.memory_space<semaphore_mem>>) src(%arg9 : memref<128x128xf32, #tpu.memory_space<vmem>>) dst(%dma_wait3A_47 : memref<10240x128xf32, #tpu.memory_space<vmem_shared>>)
      %dma_start3A_48 = arith.constant 2 : i32
      %dma_start3A_49 = arith.constant 0 : i32
      %dma_start3A_50 = tpu.memref_slice %arg7[%dma_start3A_48, %dma_start3A_49] : memref<16x128xi32, #tpu.memory_space<vmem>> -> memref<1x128xi32, #tpu.memory_space<vmem>>
      %dma_start3A_51 = tpu.memref_squeeze %dma_start3A_50 : memref<1x128xi32, #tpu.memory_space<vmem>> -> memref<128xi32, #tpu.memory_space<vmem>>
      %dma_start3A_52 = arith.constant 0 : i32
      %dma_start3A_53 = arith.constant 0 : i32
      %dma_start3A_54 = tpu.memref_slice %arg2[%dma_start3A_52, %dma_start3A_53] : memref<10000x128xf32, #tpu.memory_space<hbm>> -> memref<10000x128xf32, #tpu.memory_space<hbm>>
      tpu.enqueue_indirect_dma source(%dma_start3A_54 : memref<10000x128xf32, #tpu.memory_space<hbm>>) target(%arg9 : memref<128x128xf32, #tpu.memory_space<vmem>>) offsets(%dma_start3A_51 : memref<128xi32, #tpu.memory_space<vmem>>) semaphore(%arg12 : memref<!tpu.dma_semaphore, #tpu.memory_space<semaphore_mem>>)
      %dma_wait3A_55 = arith.constant 1 : i32
      %dma_wait3A_56 = arith.constant 0 : i32
      %dma_wait3A_57 = tpu.memref_slice %arg7[%dma_wait3A_55, %dma_wait3A_56] : memref<16x128xi32, #tpu.memory_space<vmem>> -> memref<1x128xi32, #tpu.memory_space<vmem>>
      %dma_wait3A_58 = tpu.memref_squeeze %dma_wait3A_57 : memref<1x128xi32, #tpu.memory_space<vmem>> -> memref<128xi32, #tpu.memory_space<vmem>>
      %dma_wait3A_59 = arith.constant 0 : i32
      %dma_wait3A_60 = arith.constant 0 : i32
      %dma_wait3A_61 = tpu.memref_slice %arg2[%dma_wait3A_59, %dma_wait3A_60] : memref<10000x128xf32, #tpu.memory_space<hbm>> -> memref<10000x128xf32, #tpu.memory_space<hbm>>
      tpu.wait_indirect_dma semaphore(%arg13 : memref<!tpu.dma_semaphore, #tpu.memory_space<semaphore_mem>>) src(%dma_wait3A_61 : memref<10000x128xf32, #tpu.memory_space<hbm>>) dst(%arg10 : memref<128x128xf32, #tpu.memory_space<vmem>>)
      %dma_start3A_62 = arith.constant 1 : i32
      %dma_start3A_63 = arith.constant 0 : i32
      %dma_start3A_64 = tpu.memref_slice %arg8[%dma_start3A_62, %dma_start3A_63] : memref<16x128xi32, #tpu.memory_space<vmem>> -> memref<1x128xi32, #tpu.memory_space<vmem>>
      %dma_start3A_65 = tpu.memref_squeeze %dma_start3A_64 : memref<1x128xi32, #tpu.memory_space<vmem>> -> memref<128xi32, #tpu.memory_space<vmem>>
      %dma_start3A_66 = arith.constant 0 : i32
      %dma_start3A_67 = arith.constant 0 : i32
      %dma_start3A_68 = tpu.memref_slice %arg11[%dma_start3A_66, %dma_start3A_67] : memref<10240x128xf32, #tpu.memory_space<vmem_shared>> -> memref<10240x128xf32, #tpu.memory_space<vmem_shared>>
      tpu.enqueue_indirect_dma source(%arg10 : memref<128x128xf32, #tpu.memory_space<vmem>>) target(%dma_start3A_68 : memref<10240x128xf32, #tpu.memory_space<vmem_shared>>) offsets(%dma_start3A_65 : memref<128xi32, #tpu.memory_space<vmem>>) semaphore(%arg15 : memref<!tpu.dma_semaphore, #tpu.memory_space<semaphore_mem>>) {add = true}
      %dma_wait3A_69 = arith.constant 1 : i32
      %dma_wait3A_70 = arith.constant 0 : i32
      %dma_wait3A_71 = tpu.memref_slice %arg8[%dma_wait3A_69, %dma_wait3A_70] : memref<16x128xi32, #tpu.memory_space<vmem>> -> memref<1x128xi32, #tpu.memory_space<vmem>>
      %dma_wait3A_72 = tpu.memref_squeeze %dma_wait3A_71 : memref<1x128xi32, #tpu.memory_space<vmem>> -> memref<128xi32, #tpu.memory_space<vmem>>
      %dma_wait3A_73 = arith.constant 0 : i32
      %dma_wait3A_74 = arith.constant 0 : i32
      %dma_wait3A_75 = tpu.memref_slice %arg11[%dma_wait3A_73, %dma_wait3A_74] : memref<10240x128xf32, #tpu.memory_space<vmem_shared>> -> memref<10240x128xf32, #tpu.memory_space<vmem_shared>>
      tpu.wait_indirect_dma semaphore(%arg15 : memref<!tpu.dma_semaphore, #tpu.memory_space<semaphore_mem>>) src(%arg10 : memref<128x128xf32, #tpu.memory_space<vmem>>) dst(%dma_wait3A_75 : memref<10240x128xf32, #tpu.memory_space<vmem_shared>>)
      %dma_start3A_76 = arith.constant 3 : i32
      %dma_start3A_77 = arith.constant 0 : i32
      %dma_start3A_78 = tpu.memref_slice %arg7[%dma_start3A_76, %dma_start3A_77] : memref<16x128xi32, #tpu.memory_space<vmem>> -> memref<1x128xi32, #tpu.memory_space<vmem>>
      %dma_start3A_79 = tpu.memref_squeeze %dma_start3A_78 : memref<1x128xi32, #tpu.memory_space<vmem>> -> memref<128xi32, #tpu.memory_space<vmem>>
      %dma_start3A_80 = arith.constant 0 : i32
      %dma_start3A_81 = arith.constant 0 : i32
      %dma_start3A_82 = tpu.memref_slice %arg2[%dma_start3A_80, %dma_start3A_81] : memref<10000x128xf32, #tpu.memory_space<hbm>> -> memref<10000x128xf32, #tpu.memory_space<hbm>>
      tpu.enqueue_indirect_dma source(%dma_start3A_82 : memref<10000x128xf32, #tpu.memory_space<hbm>>) target(%arg10 : memref<128x128xf32, #tpu.memory_space<vmem>>) offsets(%dma_start3A_79 : memref<128xi32, #tpu.memory_space<vmem>>) semaphore(%arg13 : memref<!tpu.dma_semaphore, #tpu.memory_space<semaphore_mem>>)
      %dma_wait3A_83 = arith.constant 2 : i32
      %dma_wait3A_84 = arith.constant 0 : i32
      %dma_wait3A_85 = tpu.memref_slice %arg7[%dma_wait3A_83, %dma_wait3A_84] : memref<16x128xi32, #tpu.memory_space<vmem>> -> memref<1x128xi32, #tpu.memory_space<vmem>>
      %dma_wait3A_86 = tpu.memref_squeeze %dma_wait3A_85 : memref<1x128xi32, #tpu.memory_space<vmem>> -> memref<128xi32, #tpu.memory_space<vmem>>
      %dma_wait3A_87 = arith.constant 0 : i32
      %dma_wait3A_88 = arith.constant 0 : i32
      %dma_wait3A_89 = tpu.memref_slice %arg2[%dma_wait3A_87, %dma_wait3A_88] : memref<10000x128xf32, #tpu.memory_space<hbm>> -> memref<10000x128xf32, #tpu.memory_space<hbm>>
      tpu.wait_indirect_dma semaphore(%arg12 : memref<!tpu.dma_semaphore, #tpu.memory_space<semaphore_mem>>) src(%dma_wait3A_89 : memref<10000x128xf32, #tpu.memory_space<hbm>>) dst(%arg9 : memref<128x128xf32, #tpu.memory_space<vmem>>)
      %dma_start3A_90 = arith.constant 2 : i32
      %dma_start3A_91 = arith.constant 0 : i32
      %dma_start3A_92 = tpu.memref_slice %arg8[%dma_start3A_90, %dma_start3A_91] : memref<16x128xi32, #tpu.memory_space<vmem>> -> memref<1x128xi32, #tpu.memory_space<vmem>>
      %dma_start3A_93 = tpu.memref_squeeze %dma_start3A_92 : memref<1x128xi32, #tpu.memory_space<vmem>> -> memref<128xi32, #tpu.memory_space<vmem>>
      %dma_start3A_94 = arith.constant 0 : i32
      %dma_start3A_95 = arith.constant 0 : i32
      %dma_start3A_96 = tpu.memref_slice %arg11[%dma_start3A_94, %dma_start3A_95] : memref<10240x128xf32, #tpu.memory_space<vmem_shared>> -> memref<10240x128xf32, #tpu.memory_space<vmem_shared>>
      tpu.enqueue_indirect_dma source(%arg9 : memref<128x128xf32, #tpu.memory_space<vmem>>) target(%dma_start3A_96 : memref<10240x128xf32, #tpu.memory_space<vmem_shared>>) offsets(%dma_start3A_93 : memref<128xi32, #tpu.memory_space<vmem>>) semaphore(%arg14 : memref<!tpu.dma_semaphore, #tpu.memory_space<semaphore_mem>>) {add = true}
      %dma_wait3A_97 = arith.constant 2 : i32
      %dma_wait3A_98 = arith.constant 0 : i32
      %dma_wait3A_99 = tpu.memref_slice %arg8[%dma_wait3A_97, %dma_wait3A_98] : memref<16x128xi32, #tpu.memory_space<vmem>> -> memref<1x128xi32, #tpu.memory_space<vmem>>
      %dma_wait3A_100 = tpu.memref_squeeze %dma_wait3A_99 : memref<1x128xi32, #tpu.memory_space<vmem>> -> memref<128xi32, #tpu.memory_space<vmem>>
      %dma_wait3A_101 = arith.constant 0 : i32
      %dma_wait3A_102 = arith.constant 0 : i32
      %dma_wait3A_103 = tpu.memref_slice %arg11[%dma_wait3A_101, %dma_wait3A_102] : memref<10240x128xf32, #tpu.memory_space<vmem_shared>> -> memref<10240x128xf32, #tpu.memory_space<vmem_shared>>
      tpu.wait_indirect_dma semaphore(%arg14 : memref<!tpu.dma_semaphore, #tpu.memory_space<semaphore_mem>>) src(%arg9 : memref<128x128xf32, #tpu.memory_space<vmem>>) dst(%dma_wait3A_103 : memref<10240x128xf32, #tpu.memory_space<vmem_shared>>)
      %dma_start3A_104 = arith.constant 4 : i32
      %dma_start3A_105 = arith.constant 0 : i32
      %dma_start3A_106 = tpu.memref_slice %arg7[%dma_start3A_104, %dma_start3A_105] : memref<16x128xi32, #tpu.memory_space<vmem>> -> memref<1x128xi32, #tpu.memory_space<vmem>>
      %dma_start3A_107 = tpu.memref_squeeze %dma_start3A_106 : memref<1x128xi32, #tpu.memory_space<vmem>> -> memref<128xi32, #tpu.memory_space<vmem>>
      %dma_start3A_108 = arith.constant 0 : i32
      %dma_start3A_109 = arith.constant 0 : i32
      %dma_start3A_110 = tpu.memref_slice %arg2[%dma_start3A_108, %dma_start3A_109] : memref<10000x128xf32, #tpu.memory_space<hbm>> -> memref<10000x128xf32, #tpu.memory_space<hbm>>
      tpu.enqueue_indirect_dma source(%dma_start3A_110 : memref<10000x128xf32, #tpu.memory_space<hbm>>) target(%arg9 : memref<128x128xf32, #tpu.memory_space<vmem>>) offsets(%dma_start3A_107 : memref<128xi32, #tpu.memory_space<vmem>>) semaphore(%arg12 : memref<!tpu.dma_semaphore, #tpu.memory_space<semaphore_mem>>)
      %dma_wait3A_111 = arith.constant 3 : i32
      %dma_wait3A_112 = arith.constant 0 : i32
      %dma_wait3A_113 = tpu.memref_slice %arg7[%dma_wait3A_111, %dma_wait3A_112] : memref<16x128xi32, #tpu.memory_space<vmem>> -> memref<1x128xi32, #tpu.memory_space<vmem>>
      %dma_wait3A_114 = tpu.memref_squeeze %dma_wait3A_113 : memref<1x128xi32, #tpu.memory_space<vmem>> -> memref<128xi32, #tpu.memory_space<vmem>>
      %dma_wait3A_115 = arith.constant 0 : i32
      %dma_wait3A_116 = arith.constant 0 : i32
      %dma_wait3A_117 = tpu.memref_slice %arg2[%dma_wait3A_115, %dma_wait3A_116] : memref<10000x128xf32, #tpu.memory_space<hbm>> -> memref<10000x128xf32, #tpu.memory_space<hbm>>
      tpu.wait_indirect_dma semaphore(%arg13 : memref<!tpu.dma_semaphore, #tpu.memory_space<semaphore_mem>>) src(%dma_wait3A_117 : memref<10000x128xf32, #tpu.memory_space<hbm>>) dst(%arg10 : memref<128x128xf32, #tpu.memory_space<vmem>>)
      %dma_start3A_118 = arith.constant 3 : i32
      %dma_start3A_119 = arith.constant 0 : i32
      %dma_start3A_120 = tpu.memref_slice %arg8[%dma_start3A_118, %dma_start3A_119] : memref<16x128xi32, #tpu.memory_space<vmem>> -> memref<1x128xi32, #tpu.memory_space<vmem>>
      %dma_start3A_121 = tpu.memref_squeeze %dma_start3A_120 : memref<1x128xi32, #tpu.memory_space<vmem>> -> memref<128xi32, #tpu.memory_space<vmem>>
      %dma_start3A_122 = arith.constant 0 : i32
      %dma_start3A_123 = arith.constant 0 : i32
      %dma_start3A_124 = tpu.memref_slice %arg11[%dma_start3A_122, %dma_start3A_123] : memref<10240x128xf32, #tpu.memory_space<vmem_shared>> -> memref<10240x128xf32, #tpu.memory_space<vmem_shared>>
      tpu.enqueue_indirect_dma source(%arg10 : memref<128x128xf32, #tpu.memory_space<vmem>>) target(%dma_start3A_124 : memref<10240x128xf32, #tpu.memory_space<vmem_shared>>) offsets(%dma_start3A_121 : memref<128xi32, #tpu.memory_space<vmem>>) semaphore(%arg15 : memref<!tpu.dma_semaphore, #tpu.memory_space<semaphore_mem>>) {add = true}
      %dma_wait3A_125 = arith.constant 3 : i32
      %dma_wait3A_126 = arith.constant 0 : i32
      %dma_wait3A_127 = tpu.memref_slice %arg8[%dma_wait3A_125, %dma_wait3A_126] : memref<16x128xi32, #tpu.memory_space<vmem>> -> memref<1x128xi32, #tpu.memory_space<vmem>>
      %dma_wait3A_128 = tpu.memref_squeeze %dma_wait3A_127 : memref<1x128xi32, #tpu.memory_space<vmem>> -> memref<128xi32, #tpu.memory_space<vmem>>
      %dma_wait3A_129 = arith.constant 0 : i32
      %dma_wait3A_130 = arith.constant 0 : i32
      %dma_wait3A_131 = tpu.memref_slice %arg11[%dma_wait3A_129, %dma_wait3A_130] : memref<10240x128xf32, #tpu.memory_space<vmem_shared>> -> memref<10240x128xf32, #tpu.memory_space<vmem_shared>>
      tpu.wait_indirect_dma semaphore(%arg15 : memref<!tpu.dma_semaphore, #tpu.memory_space<semaphore_mem>>) src(%arg10 : memref<128x128xf32, #tpu.memory_space<vmem>>) dst(%dma_wait3A_131 : memref<10240x128xf32, #tpu.memory_space<vmem_shared>>)
      %dma_start3A_132 = arith.constant 5 : i32
      %dma_start3A_133 = arith.constant 0 : i32
      %dma_start3A_134 = tpu.memref_slice %arg7[%dma_start3A_132, %dma_start3A_133] : memref<16x128xi32, #tpu.memory_space<vmem>> -> memref<1x128xi32, #tpu.memory_space<vmem>>
      %dma_start3A_135 = tpu.memref_squeeze %dma_start3A_134 : memref<1x128xi32, #tpu.memory_space<vmem>> -> memref<128xi32, #tpu.memory_space<vmem>>
      %dma_start3A_136 = arith.constant 0 : i32
      %dma_start3A_137 = arith.constant 0 : i32
      %dma_start3A_138 = tpu.memref_slice %arg2[%dma_start3A_136, %dma_start3A_137] : memref<10000x128xf32, #tpu.memory_space<hbm>> -> memref<10000x128xf32, #tpu.memory_space<hbm>>
      tpu.enqueue_indirect_dma source(%dma_start3A_138 : memref<10000x128xf32, #tpu.memory_space<hbm>>) target(%arg10 : memref<128x128xf32, #tpu.memory_space<vmem>>) offsets(%dma_start3A_135 : memref<128xi32, #tpu.memory_space<vmem>>) semaphore(%arg13 : memref<!tpu.dma_semaphore, #tpu.memory_space<semaphore_mem>>)
      %dma_wait3A_139 = arith.constant 4 : i32
      %dma_wait3A_140 = arith.constant 0 : i32
      %dma_wait3A_141 = tpu.memref_slice %arg7[%dma_wait3A_139, %dma_wait3A_140] : memref<16x128xi32, #tpu.memory_space<vmem>> -> memref<1x128xi32, #tpu.memory_space<vmem>>
      %dma_wait3A_142 = tpu.memref_squeeze %dma_wait3A_141 : memref<1x128xi32, #tpu.memory_space<vmem>> -> memref<128xi32, #tpu.memory_space<vmem>>
      %dma_wait3A_143 = arith.constant 0 : i32
      %dma_wait3A_144 = arith.constant 0 : i32
      %dma_wait3A_145 = tpu.memref_slice %arg2[%dma_wait3A_143, %dma_wait3A_144] : memref<10000x128xf32, #tpu.memory_space<hbm>> -> memref<10000x128xf32, #tpu.memory_space<hbm>>
      tpu.wait_indirect_dma semaphore(%arg12 : memref<!tpu.dma_semaphore, #tpu.memory_space<semaphore_mem>>) src(%dma_wait3A_145 : memref<10000x128xf32, #tpu.memory_space<hbm>>) dst(%arg9 : memref<128x128xf32, #tpu.memory_space<vmem>>)
      %dma_start3A_146 = arith.constant 4 : i32
      %dma_start3A_147 = arith.constant 0 : i32
      %dma_start3A_148 = tpu.memref_slice %arg8[%dma_start3A_146, %dma_start3A_147] : memref<16x128xi32, #tpu.memory_space<vmem>> -> memref<1x128xi32, #tpu.memory_space<vmem>>
      %dma_start3A_149 = tpu.memref_squeeze %dma_start3A_148 : memref<1x128xi32, #tpu.memory_space<vmem>> -> memref<128xi32, #tpu.memory_space<vmem>>
      %dma_start3A_150 = arith.constant 0 : i32
      %dma_start3A_151 = arith.constant 0 : i32
      %dma_start3A_152 = tpu.memref_slice %arg11[%dma_start3A_150, %dma_start3A_151] : memref<10240x128xf32, #tpu.memory_space<vmem_shared>> -> memref<10240x128xf32, #tpu.memory_space<vmem_shared>>
      tpu.enqueue_indirect_dma source(%arg9 : memref<128x128xf32, #tpu.memory_space<vmem>>) target(%dma_start3A_152 : memref<10240x128xf32, #tpu.memory_space<vmem_shared>>) offsets(%dma_start3A_149 : memref<128xi32, #tpu.memory_space<vmem>>) semaphore(%arg14 : memref<!tpu.dma_semaphore, #tpu.memory_space<semaphore_mem>>) {add = true}
      %dma_wait3A_153 = arith.constant 4 : i32
      %dma_wait3A_154 = arith.constant 0 : i32
      %dma_wait3A_155 = tpu.memref_slice %arg8[%dma_wait3A_153, %dma_wait3A_154] : memref<16x128xi32, #tpu.memory_space<vmem>> -> memref<1x128xi32, #tpu.memory_space<vmem>>
      %dma_wait3A_156 = tpu.memref_squeeze %dma_wait3A_155 : memref<1x128xi32, #tpu.memory_space<vmem>> -> memref<128xi32, #tpu.memory_space<vmem>>
      %dma_wait3A_157 = arith.constant 0 : i32
      %dma_wait3A_158 = arith.constant 0 : i32
      %dma_wait3A_159 = tpu.memref_slice %arg11[%dma_wait3A_157, %dma_wait3A_158] : memref<10240x128xf32, #tpu.memory_space<vmem_shared>> -> memref<10240x128xf32, #tpu.memory_space<vmem_shared>>
      tpu.wait_indirect_dma semaphore(%arg14 : memref<!tpu.dma_semaphore, #tpu.memory_space<semaphore_mem>>) src(%arg9 : memref<128x128xf32, #tpu.memory_space<vmem>>) dst(%dma_wait3A_159 : memref<10240x128xf32, #tpu.memory_space<vmem_shared>>)
      %dma_start3A_160 = arith.constant 6 : i32
      %dma_start3A_161 = arith.constant 0 : i32
      %dma_start3A_162 = tpu.memref_slice %arg7[%dma_start3A_160, %dma_start3A_161] : memref<16x128xi32, #tpu.memory_space<vmem>> -> memref<1x128xi32, #tpu.memory_space<vmem>>
      %dma_start3A_163 = tpu.memref_squeeze %dma_start3A_162 : memref<1x128xi32, #tpu.memory_space<vmem>> -> memref<128xi32, #tpu.memory_space<vmem>>
      %dma_start3A_164 = arith.constant 0 : i32
      %dma_start3A_165 = arith.constant 0 : i32
      %dma_start3A_166 = tpu.memref_slice %arg2[%dma_start3A_164, %dma_start3A_165] : memref<10000x128xf32, #tpu.memory_space<hbm>> -> memref<10000x128xf32, #tpu.memory_space<hbm>>
      tpu.enqueue_indirect_dma source(%dma_start3A_166 : memref<10000x128xf32, #tpu.memory_space<hbm>>) target(%arg9 : memref<128x128xf32, #tpu.memory_space<vmem>>) offsets(%dma_start3A_163 : memref<128xi32, #tpu.memory_space<vmem>>) semaphore(%arg12 : memref<!tpu.dma_semaphore, #tpu.memory_space<semaphore_mem>>)
      %dma_wait3A_167 = arith.constant 5 : i32
      %dma_wait3A_168 = arith.constant 0 : i32
      %dma_wait3A_169 = tpu.memref_slice %arg7[%dma_wait3A_167, %dma_wait3A_168] : memref<16x128xi32, #tpu.memory_space<vmem>> -> memref<1x128xi32, #tpu.memory_space<vmem>>
      %dma_wait3A_170 = tpu.memref_squeeze %dma_wait3A_169 : memref<1x128xi32, #tpu.memory_space<vmem>> -> memref<128xi32, #tpu.memory_space<vmem>>
      %dma_wait3A_171 = arith.constant 0 : i32
      %dma_wait3A_172 = arith.constant 0 : i32
      %dma_wait3A_173 = tpu.memref_slice %arg2[%dma_wait3A_171, %dma_wait3A_172] : memref<10000x128xf32, #tpu.memory_space<hbm>> -> memref<10000x128xf32, #tpu.memory_space<hbm>>
      tpu.wait_indirect_dma semaphore(%arg13 : memref<!tpu.dma_semaphore, #tpu.memory_space<semaphore_mem>>) src(%dma_wait3A_173 : memref<10000x128xf32, #tpu.memory_space<hbm>>) dst(%arg10 : memref<128x128xf32, #tpu.memory_space<vmem>>)
      %dma_start3A_174 = arith.constant 5 : i32
      %dma_start3A_175 = arith.constant 0 : i32
      %dma_start3A_176 = tpu.memref_slice %arg8[%dma_start3A_174, %dma_start3A_175] : memref<16x128xi32, #tpu.memory_space<vmem>> -> memref<1x128xi32, #tpu.memory_space<vmem>>
      %dma_start3A_177 = tpu.memref_squeeze %dma_start3A_176 : memref<1x128xi32, #tpu.memory_space<vmem>> -> memref<128xi32, #tpu.memory_space<vmem>>
      %dma_start3A_178 = arith.constant 0 : i32
      %dma_start3A_179 = arith.constant 0 : i32
      %dma_start3A_180 = tpu.memref_slice %arg11[%dma_start3A_178, %dma_start3A_179] : memref<10240x128xf32, #tpu.memory_space<vmem_shared>> -> memref<10240x128xf32, #tpu.memory_space<vmem_shared>>
      tpu.enqueue_indirect_dma source(%arg10 : memref<128x128xf32, #tpu.memory_space<vmem>>) target(%dma_start3A_180 : memref<10240x128xf32, #tpu.memory_space<vmem_shared>>) offsets(%dma_start3A_177 : memref<128xi32, #tpu.memory_space<vmem>>) semaphore(%arg15 : memref<!tpu.dma_semaphore, #tpu.memory_space<semaphore_mem>>) {add = true}
      %dma_wait3A_181 = arith.constant 5 : i32
      %dma_wait3A_182 = arith.constant 0 : i32
      %dma_wait3A_183 = tpu.memref_slice %arg8[%dma_wait3A_181, %dma_wait3A_182] : memref<16x128xi32, #tpu.memory_space<vmem>> -> memref<1x128xi32, #tpu.memory_space<vmem>>
      %dma_wait3A_184 = tpu.memref_squeeze %dma_wait3A_183 : memref<1x128xi32, #tpu.memory_space<vmem>> -> memref<128xi32, #tpu.memory_space<vmem>>
      %dma_wait3A_185 = arith.constant 0 : i32
      %dma_wait3A_186 = arith.constant 0 : i32
      %dma_wait3A_187 = tpu.memref_slice %arg11[%dma_wait3A_185, %dma_wait3A_186] : memref<10240x128xf32, #tpu.memory_space<vmem_shared>> -> memref<10240x128xf32, #tpu.memory_space<vmem_shared>>
      tpu.wait_indirect_dma semaphore(%arg15 : memref<!tpu.dma_semaphore, #tpu.memory_space<semaphore_mem>>) src(%arg10 : memref<128x128xf32, #tpu.memory_space<vmem>>) dst(%dma_wait3A_187 : memref<10240x128xf32, #tpu.memory_space<vmem_shared>>)
      %dma_start3A_188 = arith.constant 7 : i32
      %dma_start3A_189 = arith.constant 0 : i32
      %dma_start3A_190 = tpu.memref_slice %arg7[%dma_start3A_188, %dma_start3A_189] : memref<16x128xi32, #tpu.memory_space<vmem>> -> memref<1x128xi32, #tpu.memory_space<vmem>>
      %dma_start3A_191 = tpu.memref_squeeze %dma_start3A_190 : memref<1x128xi32, #tpu.memory_space<vmem>> -> memref<128xi32, #tpu.memory_space<vmem>>
      %dma_start3A_192 = arith.constant 0 : i32
      %dma_start3A_193 = arith.constant 0 : i32
      %dma_start3A_194 = tpu.memref_slice %arg2[%dma_start3A_192, %dma_start3A_193] : memref<10000x128xf32, #tpu.memory_space<hbm>> -> memref<10000x128xf32, #tpu.memory_space<hbm>>
      tpu.enqueue_indirect_dma source(%dma_start3A_194 : memref<10000x128xf32, #tpu.memory_space<hbm>>) target(%arg10 : memref<128x128xf32, #tpu.memory_space<vmem>>) offsets(%dma_start3A_191 : memref<128xi32, #tpu.memory_space<vmem>>) semaphore(%arg13 : memref<!tpu.dma_semaphore, #tpu.memory_space<semaphore_mem>>)
      %dma_wait3A_195 = arith.constant 6 : i32
      %dma_wait3A_196 = arith.constant 0 : i32
      %dma_wait3A_197 = tpu.memref_slice %arg7[%dma_wait3A_195, %dma_wait3A_196] : memref<16x128xi32, #tpu.memory_space<vmem>> -> memref<1x128xi32, #tpu.memory_space<vmem>>
      %dma_wait3A_198 = tpu.memref_squeeze %dma_wait3A_197 : memref<1x128xi32, #tpu.memory_space<vmem>> -> memref<128xi32, #tpu.memory_space<vmem>>
      %dma_wait3A_199 = arith.constant 0 : i32
      %dma_wait3A_200 = arith.constant 0 : i32
      %dma_wait3A_201 = tpu.memref_slice %arg2[%dma_wait3A_199, %dma_wait3A_200] : memref<10000x128xf32, #tpu.memory_space<hbm>> -> memref<10000x128xf32, #tpu.memory_space<hbm>>
      tpu.wait_indirect_dma semaphore(%arg12 : memref<!tpu.dma_semaphore, #tpu.memory_space<semaphore_mem>>) src(%dma_wait3A_201 : memref<10000x128xf32, #tpu.memory_space<hbm>>) dst(%arg9 : memref<128x128xf32, #tpu.memory_space<vmem>>)
      %dma_start3A_202 = arith.constant 6 : i32
      %dma_start3A_203 = arith.constant 0 : i32
      %dma_start3A_204 = tpu.memref_slice %arg8[%dma_start3A_202, %dma_start3A_203] : memref<16x128xi32, #tpu.memory_space<vmem>> -> memref<1x128xi32, #tpu.memory_space<vmem>>
      %dma_start3A_205 = tpu.memref_squeeze %dma_start3A_204 : memref<1x128xi32, #tpu.memory_space<vmem>> -> memref<128xi32, #tpu.memory_space<vmem>>
      %dma_start3A_206 = arith.constant 0 : i32
      %dma_start3A_207 = arith.constant 0 : i32
      %dma_start3A_208 = tpu.memref_slice %arg11[%dma_start3A_206, %dma_start3A_207] : memref<10240x128xf32, #tpu.memory_space<vmem_shared>> -> memref<10240x128xf32, #tpu.memory_space<vmem_shared>>
      tpu.enqueue_indirect_dma source(%arg9 : memref<128x128xf32, #tpu.memory_space<vmem>>) target(%dma_start3A_208 : memref<10240x128xf32, #tpu.memory_space<vmem_shared>>) offsets(%dma_start3A_205 : memref<128xi32, #tpu.memory_space<vmem>>) semaphore(%arg14 : memref<!tpu.dma_semaphore, #tpu.memory_space<semaphore_mem>>) {add = true}
      %dma_wait3A_209 = arith.constant 6 : i32
      %dma_wait3A_210 = arith.constant 0 : i32
      %dma_wait3A_211 = tpu.memref_slice %arg8[%dma_wait3A_209, %dma_wait3A_210] : memref<16x128xi32, #tpu.memory_space<vmem>> -> memref<1x128xi32, #tpu.memory_space<vmem>>
      %dma_wait3A_212 = tpu.memref_squeeze %dma_wait3A_211 : memref<1x128xi32, #tpu.memory_space<vmem>> -> memref<128xi32, #tpu.memory_space<vmem>>
      %dma_wait3A_213 = arith.constant 0 : i32
      %dma_wait3A_214 = arith.constant 0 : i32
      %dma_wait3A_215 = tpu.memref_slice %arg11[%dma_wait3A_213, %dma_wait3A_214] : memref<10240x128xf32, #tpu.memory_space<vmem_shared>> -> memref<10240x128xf32, #tpu.memory_space<vmem_shared>>
      tpu.wait_indirect_dma semaphore(%arg14 : memref<!tpu.dma_semaphore, #tpu.memory_space<semaphore_mem>>) src(%arg9 : memref<128x128xf32, #tpu.memory_space<vmem>>) dst(%dma_wait3A_215 : memref<10240x128xf32, #tpu.memory_space<vmem_shared>>)
      %dma_start3A_216 = arith.constant 8 : i32
      %dma_start3A_217 = arith.constant 0 : i32
      %dma_start3A_218 = tpu.memref_slice %arg7[%dma_start3A_216, %dma_start3A_217] : memref<16x128xi32, #tpu.memory_space<vmem>> -> memref<1x128xi32, #tpu.memory_space<vmem>>
      %dma_start3A_219 = tpu.memref_squeeze %dma_start3A_218 : memref<1x128xi32, #tpu.memory_space<vmem>> -> memref<128xi32, #tpu.memory_space<vmem>>
      %dma_start3A_220 = arith.constant 0 : i32
      %dma_start3A_221 = arith.constant 0 : i32
      %dma_start3A_222 = tpu.memref_slice %arg2[%dma_start3A_220, %dma_start3A_221] : memref<10000x128xf32, #tpu.memory_space<hbm>> -> memref<10000x128xf32, #tpu.memory_space<hbm>>
      tpu.enqueue_indirect_dma source(%dma_start3A_222 : memref<10000x128xf32, #tpu.memory_space<hbm>>) target(%arg9 : memref<128x128xf32, #tpu.memory_space<vmem>>) offsets(%dma_start3A_219 : memref<128xi32, #tpu.memory_space<vmem>>) semaphore(%arg12 : memref<!tpu.dma_semaphore, #tpu.memory_space<semaphore_mem>>)
      %dma_wait3A_223 = arith.constant 7 : i32
      %dma_wait3A_224 = arith.constant 0 : i32
      %dma_wait3A_225 = tpu.memref_slice %arg7[%dma_wait3A_223, %dma_wait3A_224] : memref<16x128xi32, #tpu.memory_space<vmem>> -> memref<1x128xi32, #tpu.memory_space<vmem>>
      %dma_wait3A_226 = tpu.memref_squeeze %dma_wait3A_225 : memref<1x128xi32, #tpu.memory_space<vmem>> -> memref<128xi32, #tpu.memory_space<vmem>>
      %dma_wait3A_227 = arith.constant 0 : i32
      %dma_wait3A_228 = arith.constant 0 : i32
      %dma_wait3A_229 = tpu.memref_slice %arg2[%dma_wait3A_227, %dma_wait3A_228] : memref<10000x128xf32, #tpu.memory_space<hbm>> -> memref<10000x128xf32, #tpu.memory_space<hbm>>
      tpu.wait_indirect_dma semaphore(%arg13 : memref<!tpu.dma_semaphore, #tpu.memory_space<semaphore_mem>>) src(%dma_wait3A_229 : memref<10000x128xf32, #tpu.memory_space<hbm>>) dst(%arg10 : memref<128x128xf32, #tpu.memory_space<vmem>>)
      %dma_start3A_230 = arith.constant 7 : i32
      %dma_start3A_231 = arith.constant 0 : i32
      %dma_start3A_232 = tpu.memref_slice %arg8[%dma_start3A_230, %dma_start3A_231] : memref<16x128xi32, #tpu.memory_space<vmem>> -> memref<1x128xi32, #tpu.memory_space<vmem>>
      %dma_start3A_233 = tpu.memref_squeeze %dma_start3A_232 : memref<1x128xi32, #tpu.memory_space<vmem>> -> memref<128xi32, #tpu.memory_space<vmem>>
      %dma_start3A_234 = arith.constant 0 : i32
      %dma_start3A_235 = arith.constant 0 : i32
      %dma_start3A_236 = tpu.memref_slice %arg11[%dma_start3A_234, %dma_start3A_235] : memref<10240x128xf32, #tpu.memory_space<vmem_shared>> -> memref<10240x128xf32, #tpu.memory_space<vmem_shared>>
      tpu.enqueue_indirect_dma source(%arg10 : memref<128x128xf32, #tpu.memory_space<vmem>>) target(%dma_start3A_236 : memref<10240x128xf32, #tpu.memory_space<vmem_shared>>) offsets(%dma_start3A_233 : memref<128xi32, #tpu.memory_space<vmem>>) semaphore(%arg15 : memref<!tpu.dma_semaphore, #tpu.memory_space<semaphore_mem>>) {add = true}
      %dma_wait3A_237 = arith.constant 7 : i32
      %dma_wait3A_238 = arith.constant 0 : i32
      %dma_wait3A_239 = tpu.memref_slice %arg8[%dma_wait3A_237, %dma_wait3A_238] : memref<16x128xi32, #tpu.memory_space<vmem>> -> memref<1x128xi32, #tpu.memory_space<vmem>>
      %dma_wait3A_240 = tpu.memref_squeeze %dma_wait3A_239 : memref<1x128xi32, #tpu.memory_space<vmem>> -> memref<128xi32, #tpu.memory_space<vmem>>
      %dma_wait3A_241 = arith.constant 0 : i32
      %dma_wait3A_242 = arith.constant 0 : i32
      %dma_wait3A_243 = tpu.memref_slice %arg11[%dma_wait3A_241, %dma_wait3A_242] : memref<10240x128xf32, #tpu.memory_space<vmem_shared>> -> memref<10240x128xf32, #tpu.memory_space<vmem_shared>>
      tpu.wait_indirect_dma semaphore(%arg15 : memref<!tpu.dma_semaphore, #tpu.memory_space<semaphore_mem>>) src(%arg10 : memref<128x128xf32, #tpu.memory_space<vmem>>) dst(%dma_wait3A_243 : memref<10240x128xf32, #tpu.memory_space<vmem_shared>>)
      %dma_start3A_244 = arith.constant 9 : i32
      %dma_start3A_245 = arith.constant 0 : i32
      %dma_start3A_246 = tpu.memref_slice %arg7[%dma_start3A_244, %dma_start3A_245] : memref<16x128xi32, #tpu.memory_space<vmem>> -> memref<1x128xi32, #tpu.memory_space<vmem>>
      %dma_start3A_247 = tpu.memref_squeeze %dma_start3A_246 : memref<1x128xi32, #tpu.memory_space<vmem>> -> memref<128xi32, #tpu.memory_space<vmem>>
      %dma_start3A_248 = arith.constant 0 : i32
      %dma_start3A_249 = arith.constant 0 : i32
      %dma_start3A_250 = tpu.memref_slice %arg2[%dma_start3A_248, %dma_start3A_249] : memref<10000x128xf32, #tpu.memory_space<hbm>> -> memref<10000x128xf32, #tpu.memory_space<hbm>>
      tpu.enqueue_indirect_dma source(%dma_start3A_250 : memref<10000x128xf32, #tpu.memory_space<hbm>>) target(%arg10 : memref<128x128xf32, #tpu.memory_space<vmem>>) offsets(%dma_start3A_247 : memref<128xi32, #tpu.memory_space<vmem>>) semaphore(%arg13 : memref<!tpu.dma_semaphore, #tpu.memory_space<semaphore_mem>>)
      %dma_wait3A_251 = arith.constant 8 : i32
      %dma_wait3A_252 = arith.constant 0 : i32
      %dma_wait3A_253 = tpu.memref_slice %arg7[%dma_wait3A_251, %dma_wait3A_252] : memref<16x128xi32, #tpu.memory_space<vmem>> -> memref<1x128xi32, #tpu.memory_space<vmem>>
      %dma_wait3A_254 = tpu.memref_squeeze %dma_wait3A_253 : memref<1x128xi32, #tpu.memory_space<vmem>> -> memref<128xi32, #tpu.memory_space<vmem>>
      %dma_wait3A_255 = arith.constant 0 : i32
      %dma_wait3A_256 = arith.constant 0 : i32
      %dma_wait3A_257 = tpu.memref_slice %arg2[%dma_wait3A_255, %dma_wait3A_256] : memref<10000x128xf32, #tpu.memory_space<hbm>> -> memref<10000x128xf32, #tpu.memory_space<hbm>>
      tpu.wait_indirect_dma semaphore(%arg12 : memref<!tpu.dma_semaphore, #tpu.memory_space<semaphore_mem>>) src(%dma_wait3A_257 : memref<10000x128xf32, #tpu.memory_space<hbm>>) dst(%arg9 : memref<128x128xf32, #tpu.memory_space<vmem>>)
      %dma_start3A_258 = arith.constant 8 : i32
      %dma_start3A_259 = arith.constant 0 : i32
      %dma_start3A_260 = tpu.memref_slice %arg8[%dma_start3A_258, %dma_start3A_259] : memref<16x128xi32, #tpu.memory_space<vmem>> -> memref<1x128xi32, #tpu.memory_space<vmem>>
      %dma_start3A_261 = tpu.memref_squeeze %dma_start3A_260 : memref<1x128xi32, #tpu.memory_space<vmem>> -> memref<128xi32, #tpu.memory_space<vmem>>
      %dma_start3A_262 = arith.constant 0 : i32
      %dma_start3A_263 = arith.constant 0 : i32
      %dma_start3A_264 = tpu.memref_slice %arg11[%dma_start3A_262, %dma_start3A_263] : memref<10240x128xf32, #tpu.memory_space<vmem_shared>> -> memref<10240x128xf32, #tpu.memory_space<vmem_shared>>
      tpu.enqueue_indirect_dma source(%arg9 : memref<128x128xf32, #tpu.memory_space<vmem>>) target(%dma_start3A_264 : memref<10240x128xf32, #tpu.memory_space<vmem_shared>>) offsets(%dma_start3A_261 : memref<128xi32, #tpu.memory_space<vmem>>) semaphore(%arg14 : memref<!tpu.dma_semaphore, #tpu.memory_space<semaphore_mem>>) {add = true}
      %dma_wait3A_265 = arith.constant 8 : i32
      %dma_wait3A_266 = arith.constant 0 : i32
      %dma_wait3A_267 = tpu.memref_slice %arg8[%dma_wait3A_265, %dma_wait3A_266] : memref<16x128xi32, #tpu.memory_space<vmem>> -> memref<1x128xi32, #tpu.memory_space<vmem>>
      %dma_wait3A_268 = tpu.memref_squeeze %dma_wait3A_267 : memref<1x128xi32, #tpu.memory_space<vmem>> -> memref<128xi32, #tpu.memory_space<vmem>>
      %dma_wait3A_269 = arith.constant 0 : i32
      %dma_wait3A_270 = arith.constant 0 : i32
      %dma_wait3A_271 = tpu.memref_slice %arg11[%dma_wait3A_269, %dma_wait3A_270] : memref<10240x128xf32, #tpu.memory_space<vmem_shared>> -> memref<10240x128xf32, #tpu.memory_space<vmem_shared>>
      tpu.wait_indirect_dma semaphore(%arg14 : memref<!tpu.dma_semaphore, #tpu.memory_space<semaphore_mem>>) src(%arg9 : memref<128x128xf32, #tpu.memory_space<vmem>>) dst(%dma_wait3A_271 : memref<10240x128xf32, #tpu.memory_space<vmem_shared>>)
      %dma_start3A_272 = arith.constant 10 : i32
      %dma_start3A_273 = arith.constant 0 : i32
      %dma_start3A_274 = tpu.memref_slice %arg7[%dma_start3A_272, %dma_start3A_273] : memref<16x128xi32, #tpu.memory_space<vmem>> -> memref<1x128xi32, #tpu.memory_space<vmem>>
      %dma_start3A_275 = tpu.memref_squeeze %dma_start3A_274 : memref<1x128xi32, #tpu.memory_space<vmem>> -> memref<128xi32, #tpu.memory_space<vmem>>
      %dma_start3A_276 = arith.constant 0 : i32
      %dma_start3A_277 = arith.constant 0 : i32
      %dma_start3A_278 = tpu.memref_slice %arg2[%dma_start3A_276, %dma_start3A_277] : memref<10000x128xf32, #tpu.memory_space<hbm>> -> memref<10000x128xf32, #tpu.memory_space<hbm>>
      tpu.enqueue_indirect_dma source(%dma_start3A_278 : memref<10000x128xf32, #tpu.memory_space<hbm>>) target(%arg9 : memref<128x128xf32, #tpu.memory_space<vmem>>) offsets(%dma_start3A_275 : memref<128xi32, #tpu.memory_space<vmem>>) semaphore(%arg12 : memref<!tpu.dma_semaphore, #tpu.memory_space<semaphore_mem>>)
      %dma_wait3A_279 = arith.constant 9 : i32
      %dma_wait3A_280 = arith.constant 0 : i32
      %dma_wait3A_281 = tpu.memref_slice %arg7[%dma_wait3A_279, %dma_wait3A_280] : memref<16x128xi32, #tpu.memory_space<vmem>> -> memref<1x128xi32, #tpu.memory_space<vmem>>
      %dma_wait3A_282 = tpu.memref_squeeze %dma_wait3A_281 : memref<1x128xi32, #tpu.memory_space<vmem>> -> memref<128xi32, #tpu.memory_space<vmem>>
      %dma_wait3A_283 = arith.constant 0 : i32
      %dma_wait3A_284 = arith.constant 0 : i32
      %dma_wait3A_285 = tpu.memref_slice %arg2[%dma_wait3A_283, %dma_wait3A_284] : memref<10000x128xf32, #tpu.memory_space<hbm>> -> memref<10000x128xf32, #tpu.memory_space<hbm>>
      tpu.wait_indirect_dma semaphore(%arg13 : memref<!tpu.dma_semaphore, #tpu.memory_space<semaphore_mem>>) src(%dma_wait3A_285 : memref<10000x128xf32, #tpu.memory_space<hbm>>) dst(%arg10 : memref<128x128xf32, #tpu.memory_space<vmem>>)
      %dma_start3A_286 = arith.constant 9 : i32
      %dma_start3A_287 = arith.constant 0 : i32
      %dma_start3A_288 = tpu.memref_slice %arg8[%dma_start3A_286, %dma_start3A_287] : memref<16x128xi32, #tpu.memory_space<vmem>> -> memref<1x128xi32, #tpu.memory_space<vmem>>
      %dma_start3A_289 = tpu.memref_squeeze %dma_start3A_288 : memref<1x128xi32, #tpu.memory_space<vmem>> -> memref<128xi32, #tpu.memory_space<vmem>>
      %dma_start3A_290 = arith.constant 0 : i32
      %dma_start3A_291 = arith.constant 0 : i32
      %dma_start3A_292 = tpu.memref_slice %arg11[%dma_start3A_290, %dma_start3A_291] : memref<10240x128xf32, #tpu.memory_space<vmem_shared>> -> memref<10240x128xf32, #tpu.memory_space<vmem_shared>>
      tpu.enqueue_indirect_dma source(%arg10 : memref<128x128xf32, #tpu.memory_space<vmem>>) target(%dma_start3A_292 : memref<10240x128xf32, #tpu.memory_space<vmem_shared>>) offsets(%dma_start3A_289 : memref<128xi32, #tpu.memory_space<vmem>>) semaphore(%arg15 : memref<!tpu.dma_semaphore, #tpu.memory_space<semaphore_mem>>) {add = true}
      %dma_wait3A_293 = arith.constant 9 : i32
      %dma_wait3A_294 = arith.constant 0 : i32
      %dma_wait3A_295 = tpu.memref_slice %arg8[%dma_wait3A_293, %dma_wait3A_294] : memref<16x128xi32, #tpu.memory_space<vmem>> -> memref<1x128xi32, #tpu.memory_space<vmem>>
      %dma_wait3A_296 = tpu.memref_squeeze %dma_wait3A_295 : memref<1x128xi32, #tpu.memory_space<vmem>> -> memref<128xi32, #tpu.memory_space<vmem>>
      %dma_wait3A_297 = arith.constant 0 : i32
      %dma_wait3A_298 = arith.constant 0 : i32
      %dma_wait3A_299 = tpu.memref_slice %arg11[%dma_wait3A_297, %dma_wait3A_298] : memref<10240x128xf32, #tpu.memory_space<vmem_shared>> -> memref<10240x128xf32, #tpu.memory_space<vmem_shared>>
      tpu.wait_indirect_dma semaphore(%arg15 : memref<!tpu.dma_semaphore, #tpu.memory_space<semaphore_mem>>) src(%arg10 : memref<128x128xf32, #tpu.memory_space<vmem>>) dst(%dma_wait3A_299 : memref<10240x128xf32, #tpu.memory_space<vmem_shared>>)
      %dma_start3A_300 = arith.constant 11 : i32
      %dma_start3A_301 = arith.constant 0 : i32
      %dma_start3A_302 = tpu.memref_slice %arg7[%dma_start3A_300, %dma_start3A_301] : memref<16x128xi32, #tpu.memory_space<vmem>> -> memref<1x128xi32, #tpu.memory_space<vmem>>
      %dma_start3A_303 = tpu.memref_squeeze %dma_start3A_302 : memref<1x128xi32, #tpu.memory_space<vmem>> -> memref<128xi32, #tpu.memory_space<vmem>>
      %dma_start3A_304 = arith.constant 0 : i32
      %dma_start3A_305 = arith.constant 0 : i32
      %dma_start3A_306 = tpu.memref_slice %arg2[%dma_start3A_304, %dma_start3A_305] : memref<10000x128xf32, #tpu.memory_space<hbm>> -> memref<10000x128xf32, #tpu.memory_space<hbm>>
      tpu.enqueue_indirect_dma source(%dma_start3A_306 : memref<10000x128xf32, #tpu.memory_space<hbm>>) target(%arg10 : memref<128x128xf32, #tpu.memory_space<vmem>>) offsets(%dma_start3A_303 : memref<128xi32, #tpu.memory_space<vmem>>) semaphore(%arg13 : memref<!tpu.dma_semaphore, #tpu.memory_space<semaphore_mem>>)
      %dma_wait3A_307 = arith.constant 10 : i32
      %dma_wait3A_308 = arith.constant 0 : i32
      %dma_wait3A_309 = tpu.memref_slice %arg7[%dma_wait3A_307, %dma_wait3A_308] : memref<16x128xi32, #tpu.memory_space<vmem>> -> memref<1x128xi32, #tpu.memory_space<vmem>>
      %dma_wait3A_310 = tpu.memref_squeeze %dma_wait3A_309 : memref<1x128xi32, #tpu.memory_space<vmem>> -> memref<128xi32, #tpu.memory_space<vmem>>
      %dma_wait3A_311 = arith.constant 0 : i32
      %dma_wait3A_312 = arith.constant 0 : i32
      %dma_wait3A_313 = tpu.memref_slice %arg2[%dma_wait3A_311, %dma_wait3A_312] : memref<10000x128xf32, #tpu.memory_space<hbm>> -> memref<10000x128xf32, #tpu.memory_space<hbm>>
      tpu.wait_indirect_dma semaphore(%arg12 : memref<!tpu.dma_semaphore, #tpu.memory_space<semaphore_mem>>) src(%dma_wait3A_313 : memref<10000x128xf32, #tpu.memory_space<hbm>>) dst(%arg9 : memref<128x128xf32, #tpu.memory_space<vmem>>)
      %dma_start3A_314 = arith.constant 10 : i32
      %dma_start3A_315 = arith.constant 0 : i32
      %dma_start3A_316 = tpu.memref_slice %arg8[%dma_start3A_314, %dma_start3A_315] : memref<16x128xi32, #tpu.memory_space<vmem>> -> memref<1x128xi32, #tpu.memory_space<vmem>>
      %dma_start3A_317 = tpu.memref_squeeze %dma_start3A_316 : memref<1x128xi32, #tpu.memory_space<vmem>> -> memref<128xi32, #tpu.memory_space<vmem>>
      %dma_start3A_318 = arith.constant 0 : i32
      %dma_start3A_319 = arith.constant 0 : i32
      %dma_start3A_320 = tpu.memref_slice %arg11[%dma_start3A_318, %dma_start3A_319] : memref<10240x128xf32, #tpu.memory_space<vmem_shared>> -> memref<10240x128xf32, #tpu.memory_space<vmem_shared>>
      tpu.enqueue_indirect_dma source(%arg9 : memref<128x128xf32, #tpu.memory_space<vmem>>) target(%dma_start3A_320 : memref<10240x128xf32, #tpu.memory_space<vmem_shared>>) offsets(%dma_start3A_317 : memref<128xi32, #tpu.memory_space<vmem>>) semaphore(%arg14 : memref<!tpu.dma_semaphore, #tpu.memory_space<semaphore_mem>>) {add = true}
      %dma_wait3A_321 = arith.constant 10 : i32
      %dma_wait3A_322 = arith.constant 0 : i32
      %dma_wait3A_323 = tpu.memref_slice %arg8[%dma_wait3A_321, %dma_wait3A_322] : memref<16x128xi32, #tpu.memory_space<vmem>> -> memref<1x128xi32, #tpu.memory_space<vmem>>
      %dma_wait3A_324 = tpu.memref_squeeze %dma_wait3A_323 : memref<1x128xi32, #tpu.memory_space<vmem>> -> memref<128xi32, #tpu.memory_space<vmem>>
      %dma_wait3A_325 = arith.constant 0 : i32
      %dma_wait3A_326 = arith.constant 0 : i32
      %dma_wait3A_327 = tpu.memref_slice %arg11[%dma_wait3A_325, %dma_wait3A_326] : memref<10240x128xf32, #tpu.memory_space<vmem_shared>> -> memref<10240x128xf32, #tpu.memory_space<vmem_shared>>
      tpu.wait_indirect_dma semaphore(%arg14 : memref<!tpu.dma_semaphore, #tpu.memory_space<semaphore_mem>>) src(%arg9 : memref<128x128xf32, #tpu.memory_space<vmem>>) dst(%dma_wait3A_327 : memref<10240x128xf32, #tpu.memory_space<vmem_shared>>)
      %dma_start3A_328 = arith.constant 12 : i32
      %dma_start3A_329 = arith.constant 0 : i32
      %dma_start3A_330 = tpu.memref_slice %arg7[%dma_start3A_328, %dma_start3A_329] : memref<16x128xi32, #tpu.memory_space<vmem>> -> memref<1x128xi32, #tpu.memory_space<vmem>>
      %dma_start3A_331 = tpu.memref_squeeze %dma_start3A_330 : memref<1x128xi32, #tpu.memory_space<vmem>> -> memref<128xi32, #tpu.memory_space<vmem>>
      %dma_start3A_332 = arith.constant 0 : i32
      %dma_start3A_333 = arith.constant 0 : i32
      %dma_start3A_334 = tpu.memref_slice %arg2[%dma_start3A_332, %dma_start3A_333] : memref<10000x128xf32, #tpu.memory_space<hbm>> -> memref<10000x128xf32, #tpu.memory_space<hbm>>
      tpu.enqueue_indirect_dma source(%dma_start3A_334 : memref<10000x128xf32, #tpu.memory_space<hbm>>) target(%arg9 : memref<128x128xf32, #tpu.memory_space<vmem>>) offsets(%dma_start3A_331 : memref<128xi32, #tpu.memory_space<vmem>>) semaphore(%arg12 : memref<!tpu.dma_semaphore, #tpu.memory_space<semaphore_mem>>)
      %dma_wait3A_335 = arith.constant 11 : i32
      %dma_wait3A_336 = arith.constant 0 : i32
      %dma_wait3A_337 = tpu.memref_slice %arg7[%dma_wait3A_335, %dma_wait3A_336] : memref<16x128xi32, #tpu.memory_space<vmem>> -> memref<1x128xi32, #tpu.memory_space<vmem>>
      %dma_wait3A_338 = tpu.memref_squeeze %dma_wait3A_337 : memref<1x128xi32, #tpu.memory_space<vmem>> -> memref<128xi32, #tpu.memory_space<vmem>>
      %dma_wait3A_339 = arith.constant 0 : i32
      %dma_wait3A_340 = arith.constant 0 : i32
      %dma_wait3A_341 = tpu.memref_slice %arg2[%dma_wait3A_339, %dma_wait3A_340] : memref<10000x128xf32, #tpu.memory_space<hbm>> -> memref<10000x128xf32, #tpu.memory_space<hbm>>
      tpu.wait_indirect_dma semaphore(%arg13 : memref<!tpu.dma_semaphore, #tpu.memory_space<semaphore_mem>>) src(%dma_wait3A_341 : memref<10000x128xf32, #tpu.memory_space<hbm>>) dst(%arg10 : memref<128x128xf32, #tpu.memory_space<vmem>>)
      %dma_start3A_342 = arith.constant 11 : i32
      %dma_start3A_343 = arith.constant 0 : i32
      %dma_start3A_344 = tpu.memref_slice %arg8[%dma_start3A_342, %dma_start3A_343] : memref<16x128xi32, #tpu.memory_space<vmem>> -> memref<1x128xi32, #tpu.memory_space<vmem>>
      %dma_start3A_345 = tpu.memref_squeeze %dma_start3A_344 : memref<1x128xi32, #tpu.memory_space<vmem>> -> memref<128xi32, #tpu.memory_space<vmem>>
      %dma_start3A_346 = arith.constant 0 : i32
      %dma_start3A_347 = arith.constant 0 : i32
      %dma_start3A_348 = tpu.memref_slice %arg11[%dma_start3A_346, %dma_start3A_347] : memref<10240x128xf32, #tpu.memory_space<vmem_shared>> -> memref<10240x128xf32, #tpu.memory_space<vmem_shared>>
      tpu.enqueue_indirect_dma source(%arg10 : memref<128x128xf32, #tpu.memory_space<vmem>>) target(%dma_start3A_348 : memref<10240x128xf32, #tpu.memory_space<vmem_shared>>) offsets(%dma_start3A_345 : memref<128xi32, #tpu.memory_space<vmem>>) semaphore(%arg15 : memref<!tpu.dma_semaphore, #tpu.memory_space<semaphore_mem>>) {add = true}
      %dma_wait3A_349 = arith.constant 11 : i32
      %dma_wait3A_350 = arith.constant 0 : i32
      %dma_wait3A_351 = tpu.memref_slice %arg8[%dma_wait3A_349, %dma_wait3A_350] : memref<16x128xi32, #tpu.memory_space<vmem>> -> memref<1x128xi32, #tpu.memory_space<vmem>>
      %dma_wait3A_352 = tpu.memref_squeeze %dma_wait3A_351 : memref<1x128xi32, #tpu.memory_space<vmem>> -> memref<128xi32, #tpu.memory_space<vmem>>
      %dma_wait3A_353 = arith.constant 0 : i32
      %dma_wait3A_354 = arith.constant 0 : i32
      %dma_wait3A_355 = tpu.memref_slice %arg11[%dma_wait3A_353, %dma_wait3A_354] : memref<10240x128xf32, #tpu.memory_space<vmem_shared>> -> memref<10240x128xf32, #tpu.memory_space<vmem_shared>>
      tpu.wait_indirect_dma semaphore(%arg15 : memref<!tpu.dma_semaphore, #tpu.memory_space<semaphore_mem>>) src(%arg10 : memref<128x128xf32, #tpu.memory_space<vmem>>) dst(%dma_wait3A_355 : memref<10240x128xf32, #tpu.memory_space<vmem_shared>>)
      %dma_start3A_356 = arith.constant 13 : i32
      %dma_start3A_357 = arith.constant 0 : i32
      %dma_start3A_358 = tpu.memref_slice %arg7[%dma_start3A_356, %dma_start3A_357] : memref<16x128xi32, #tpu.memory_space<vmem>> -> memref<1x128xi32, #tpu.memory_space<vmem>>
      %dma_start3A_359 = tpu.memref_squeeze %dma_start3A_358 : memref<1x128xi32, #tpu.memory_space<vmem>> -> memref<128xi32, #tpu.memory_space<vmem>>
      %dma_start3A_360 = arith.constant 0 : i32
      %dma_start3A_361 = arith.constant 0 : i32
      %dma_start3A_362 = tpu.memref_slice %arg2[%dma_start3A_360, %dma_start3A_361] : memref<10000x128xf32, #tpu.memory_space<hbm>> -> memref<10000x128xf32, #tpu.memory_space<hbm>>
      tpu.enqueue_indirect_dma source(%dma_start3A_362 : memref<10000x128xf32, #tpu.memory_space<hbm>>) target(%arg10 : memref<128x128xf32, #tpu.memory_space<vmem>>) offsets(%dma_start3A_359 : memref<128xi32, #tpu.memory_space<vmem>>) semaphore(%arg13 : memref<!tpu.dma_semaphore, #tpu.memory_space<semaphore_mem>>)
      %dma_wait3A_363 = arith.constant 12 : i32
      %dma_wait3A_364 = arith.constant 0 : i32
      %dma_wait3A_365 = tpu.memref_slice %arg7[%dma_wait3A_363, %dma_wait3A_364] : memref<16x128xi32, #tpu.memory_space<vmem>> -> memref<1x128xi32, #tpu.memory_space<vmem>>
      %dma_wait3A_366 = tpu.memref_squeeze %dma_wait3A_365 : memref<1x128xi32, #tpu.memory_space<vmem>> -> memref<128xi32, #tpu.memory_space<vmem>>
      %dma_wait3A_367 = arith.constant 0 : i32
      %dma_wait3A_368 = arith.constant 0 : i32
      %dma_wait3A_369 = tpu.memref_slice %arg2[%dma_wait3A_367, %dma_wait3A_368] : memref<10000x128xf32, #tpu.memory_space<hbm>> -> memref<10000x128xf32, #tpu.memory_space<hbm>>
      tpu.wait_indirect_dma semaphore(%arg12 : memref<!tpu.dma_semaphore, #tpu.memory_space<semaphore_mem>>) src(%dma_wait3A_369 : memref<10000x128xf32, #tpu.memory_space<hbm>>) dst(%arg9 : memref<128x128xf32, #tpu.memory_space<vmem>>)
      %dma_start3A_370 = arith.constant 12 : i32
      %dma_start3A_371 = arith.constant 0 : i32
      %dma_start3A_372 = tpu.memref_slice %arg8[%dma_start3A_370, %dma_start3A_371] : memref<16x128xi32, #tpu.memory_space<vmem>> -> memref<1x128xi32, #tpu.memory_space<vmem>>
      %dma_start3A_373 = tpu.memref_squeeze %dma_start3A_372 : memref<1x128xi32, #tpu.memory_space<vmem>> -> memref<128xi32, #tpu.memory_space<vmem>>
      %dma_start3A_374 = arith.constant 0 : i32
      %dma_start3A_375 = arith.constant 0 : i32
      %dma_start3A_376 = tpu.memref_slice %arg11[%dma_start3A_374, %dma_start3A_375] : memref<10240x128xf32, #tpu.memory_space<vmem_shared>> -> memref<10240x128xf32, #tpu.memory_space<vmem_shared>>
      tpu.enqueue_indirect_dma source(%arg9 : memref<128x128xf32, #tpu.memory_space<vmem>>) target(%dma_start3A_376 : memref<10240x128xf32, #tpu.memory_space<vmem_shared>>) offsets(%dma_start3A_373 : memref<128xi32, #tpu.memory_space<vmem>>) semaphore(%arg14 : memref<!tpu.dma_semaphore, #tpu.memory_space<semaphore_mem>>) {add = true}
      %dma_wait3A_377 = arith.constant 12 : i32
      %dma_wait3A_378 = arith.constant 0 : i32
      %dma_wait3A_379 = tpu.memref_slice %arg8[%dma_wait3A_377, %dma_wait3A_378] : memref<16x128xi32, #tpu.memory_space<vmem>> -> memref<1x128xi32, #tpu.memory_space<vmem>>
      %dma_wait3A_380 = tpu.memref_squeeze %dma_wait3A_379 : memref<1x128xi32, #tpu.memory_space<vmem>> -> memref<128xi32, #tpu.memory_space<vmem>>
      %dma_wait3A_381 = arith.constant 0 : i32
      %dma_wait3A_382 = arith.constant 0 : i32
      %dma_wait3A_383 = tpu.memref_slice %arg11[%dma_wait3A_381, %dma_wait3A_382] : memref<10240x128xf32, #tpu.memory_space<vmem_shared>> -> memref<10240x128xf32, #tpu.memory_space<vmem_shared>>
      tpu.wait_indirect_dma semaphore(%arg14 : memref<!tpu.dma_semaphore, #tpu.memory_space<semaphore_mem>>) src(%arg9 : memref<128x128xf32, #tpu.memory_space<vmem>>) dst(%dma_wait3A_383 : memref<10240x128xf32, #tpu.memory_space<vmem_shared>>)
      %dma_start3A_384 = arith.constant 14 : i32
      %dma_start3A_385 = arith.constant 0 : i32
      %dma_start3A_386 = tpu.memref_slice %arg7[%dma_start3A_384, %dma_start3A_385] : memref<16x128xi32, #tpu.memory_space<vmem>> -> memref<1x128xi32, #tpu.memory_space<vmem>>
      %dma_start3A_387 = tpu.memref_squeeze %dma_start3A_386 : memref<1x128xi32, #tpu.memory_space<vmem>> -> memref<128xi32, #tpu.memory_space<vmem>>
      %dma_start3A_388 = arith.constant 0 : i32
      %dma_start3A_389 = arith.constant 0 : i32
      %dma_start3A_390 = tpu.memref_slice %arg2[%dma_start3A_388, %dma_start3A_389] : memref<10000x128xf32, #tpu.memory_space<hbm>> -> memref<10000x128xf32, #tpu.memory_space<hbm>>
      tpu.enqueue_indirect_dma source(%dma_start3A_390 : memref<10000x128xf32, #tpu.memory_space<hbm>>) target(%arg9 : memref<128x128xf32, #tpu.memory_space<vmem>>) offsets(%dma_start3A_387 : memref<128xi32, #tpu.memory_space<vmem>>) semaphore(%arg12 : memref<!tpu.dma_semaphore, #tpu.memory_space<semaphore_mem>>)
      %dma_wait3A_391 = arith.constant 13 : i32
      %dma_wait3A_392 = arith.constant 0 : i32
      %dma_wait3A_393 = tpu.memref_slice %arg7[%dma_wait3A_391, %dma_wait3A_392] : memref<16x128xi32, #tpu.memory_space<vmem>> -> memref<1x128xi32, #tpu.memory_space<vmem>>
      %dma_wait3A_394 = tpu.memref_squeeze %dma_wait3A_393 : memref<1x128xi32, #tpu.memory_space<vmem>> -> memref<128xi32, #tpu.memory_space<vmem>>
      %dma_wait3A_395 = arith.constant 0 : i32
      %dma_wait3A_396 = arith.constant 0 : i32
      %dma_wait3A_397 = tpu.memref_slice %arg2[%dma_wait3A_395, %dma_wait3A_396] : memref<10000x128xf32, #tpu.memory_space<hbm>> -> memref<10000x128xf32, #tpu.memory_space<hbm>>
      tpu.wait_indirect_dma semaphore(%arg13 : memref<!tpu.dma_semaphore, #tpu.memory_space<semaphore_mem>>) src(%dma_wait3A_397 : memref<10000x128xf32, #tpu.memory_space<hbm>>) dst(%arg10 : memref<128x128xf32, #tpu.memory_space<vmem>>)
      %dma_start3A_398 = arith.constant 13 : i32
      %dma_start3A_399 = arith.constant 0 : i32
      %dma_start3A_400 = tpu.memref_slice %arg8[%dma_start3A_398, %dma_start3A_399] : memref<16x128xi32, #tpu.memory_space<vmem>> -> memref<1x128xi32, #tpu.memory_space<vmem>>
      %dma_start3A_401 = tpu.memref_squeeze %dma_start3A_400 : memref<1x128xi32, #tpu.memory_space<vmem>> -> memref<128xi32, #tpu.memory_space<vmem>>
      %dma_start3A_402 = arith.constant 0 : i32
      %dma_start3A_403 = arith.constant 0 : i32
      %dma_start3A_404 = tpu.memref_slice %arg11[%dma_start3A_402, %dma_start3A_403] : memref<10240x128xf32, #tpu.memory_space<vmem_shared>> -> memref<10240x128xf32, #tpu.memory_space<vmem_shared>>
      tpu.enqueue_indirect_dma source(%arg10 : memref<128x128xf32, #tpu.memory_space<vmem>>) target(%dma_start3A_404 : memref<10240x128xf32, #tpu.memory_space<vmem_shared>>) offsets(%dma_start3A_401 : memref<128xi32, #tpu.memory_space<vmem>>) semaphore(%arg15 : memref<!tpu.dma_semaphore, #tpu.memory_space<semaphore_mem>>) {add = true}
      %dma_wait3A_405 = arith.constant 13 : i32
      %dma_wait3A_406 = arith.constant 0 : i32
      %dma_wait3A_407 = tpu.memref_slice %arg8[%dma_wait3A_405, %dma_wait3A_406] : memref<16x128xi32, #tpu.memory_space<vmem>> -> memref<1x128xi32, #tpu.memory_space<vmem>>
      %dma_wait3A_408 = tpu.memref_squeeze %dma_wait3A_407 : memref<1x128xi32, #tpu.memory_space<vmem>> -> memref<128xi32, #tpu.memory_space<vmem>>
      %dma_wait3A_409 = arith.constant 0 : i32
      %dma_wait3A_410 = arith.constant 0 : i32
      %dma_wait3A_411 = tpu.memref_slice %arg11[%dma_wait3A_409, %dma_wait3A_410] : memref<10240x128xf32, #tpu.memory_space<vmem_shared>> -> memref<10240x128xf32, #tpu.memory_space<vmem_shared>>
      tpu.wait_indirect_dma semaphore(%arg15 : memref<!tpu.dma_semaphore, #tpu.memory_space<semaphore_mem>>) src(%arg10 : memref<128x128xf32, #tpu.memory_space<vmem>>) dst(%dma_wait3A_411 : memref<10240x128xf32, #tpu.memory_space<vmem_shared>>)
      %dma_start3A_412 = arith.constant 15 : i32
      %dma_start3A_413 = arith.constant 0 : i32
      %dma_start3A_414 = tpu.memref_slice %arg7[%dma_start3A_412, %dma_start3A_413] : memref<16x128xi32, #tpu.memory_space<vmem>> -> memref<1x128xi32, #tpu.memory_space<vmem>>
      %dma_start3A_415 = tpu.memref_squeeze %dma_start3A_414 : memref<1x128xi32, #tpu.memory_space<vmem>> -> memref<128xi32, #tpu.memory_space<vmem>>
      %dma_start3A_416 = arith.constant 0 : i32
      %dma_start3A_417 = arith.constant 0 : i32
      %dma_start3A_418 = tpu.memref_slice %arg2[%dma_start3A_416, %dma_start3A_417] : memref<10000x128xf32, #tpu.memory_space<hbm>> -> memref<10000x128xf32, #tpu.memory_space<hbm>>
      tpu.enqueue_indirect_dma source(%dma_start3A_418 : memref<10000x128xf32, #tpu.memory_space<hbm>>) target(%arg10 : memref<128x128xf32, #tpu.memory_space<vmem>>) offsets(%dma_start3A_415 : memref<128xi32, #tpu.memory_space<vmem>>) semaphore(%arg13 : memref<!tpu.dma_semaphore, #tpu.memory_space<semaphore_mem>>)
      %dma_wait3A_419 = arith.constant 14 : i32
      %dma_wait3A_420 = arith.constant 0 : i32
      %dma_wait3A_421 = tpu.memref_slice %arg7[%dma_wait3A_419, %dma_wait3A_420] : memref<16x128xi32, #tpu.memory_space<vmem>> -> memref<1x128xi32, #tpu.memory_space<vmem>>
      %dma_wait3A_422 = tpu.memref_squeeze %dma_wait3A_421 : memref<1x128xi32, #tpu.memory_space<vmem>> -> memref<128xi32, #tpu.memory_space<vmem>>
      %dma_wait3A_423 = arith.constant 0 : i32
      %dma_wait3A_424 = arith.constant 0 : i32
      %dma_wait3A_425 = tpu.memref_slice %arg2[%dma_wait3A_423, %dma_wait3A_424] : memref<10000x128xf32, #tpu.memory_space<hbm>> -> memref<10000x128xf32, #tpu.memory_space<hbm>>
      tpu.wait_indirect_dma semaphore(%arg12 : memref<!tpu.dma_semaphore, #tpu.memory_space<semaphore_mem>>) src(%dma_wait3A_425 : memref<10000x128xf32, #tpu.memory_space<hbm>>) dst(%arg9 : memref<128x128xf32, #tpu.memory_space<vmem>>)
      %dma_start3A_426 = arith.constant 14 : i32
      %dma_start3A_427 = arith.constant 0 : i32
      %dma_start3A_428 = tpu.memref_slice %arg8[%dma_start3A_426, %dma_start3A_427] : memref<16x128xi32, #tpu.memory_space<vmem>> -> memref<1x128xi32, #tpu.memory_space<vmem>>
      %dma_start3A_429 = tpu.memref_squeeze %dma_start3A_428 : memref<1x128xi32, #tpu.memory_space<vmem>> -> memref<128xi32, #tpu.memory_space<vmem>>
      %dma_start3A_430 = arith.constant 0 : i32
      %dma_start3A_431 = arith.constant 0 : i32
      %dma_start3A_432 = tpu.memref_slice %arg11[%dma_start3A_430, %dma_start3A_431] : memref<10240x128xf32, #tpu.memory_space<vmem_shared>> -> memref<10240x128xf32, #tpu.memory_space<vmem_shared>>
      tpu.enqueue_indirect_dma source(%arg9 : memref<128x128xf32, #tpu.memory_space<vmem>>) target(%dma_start3A_432 : memref<10240x128xf32, #tpu.memory_space<vmem_shared>>) offsets(%dma_start3A_429 : memref<128xi32, #tpu.memory_space<vmem>>) semaphore(%arg14 : memref<!tpu.dma_semaphore, #tpu.memory_space<semaphore_mem>>) {add = true}
      %dma_wait3A_433 = arith.constant 14 : i32
      %dma_wait3A_434 = arith.constant 0 : i32
      %dma_wait3A_435 = tpu.memref_slice %arg8[%dma_wait3A_433, %dma_wait3A_434] : memref<16x128xi32, #tpu.memory_space<vmem>> -> memref<1x128xi32, #tpu.memory_space<vmem>>
      %dma_wait3A_436 = tpu.memref_squeeze %dma_wait3A_435 : memref<1x128xi32, #tpu.memory_space<vmem>> -> memref<128xi32, #tpu.memory_space<vmem>>
      %dma_wait3A_437 = arith.constant 0 : i32
      %dma_wait3A_438 = arith.constant 0 : i32
      %dma_wait3A_439 = tpu.memref_slice %arg11[%dma_wait3A_437, %dma_wait3A_438] : memref<10240x128xf32, #tpu.memory_space<vmem_shared>> -> memref<10240x128xf32, #tpu.memory_space<vmem_shared>>
      tpu.wait_indirect_dma semaphore(%arg14 : memref<!tpu.dma_semaphore, #tpu.memory_space<semaphore_mem>>) src(%arg9 : memref<128x128xf32, #tpu.memory_space<vmem>>) dst(%dma_wait3A_439 : memref<10240x128xf32, #tpu.memory_space<vmem_shared>>)
      %dma_wait3A_440 = arith.constant 15 : i32
      %dma_wait3A_441 = arith.constant 0 : i32
      %dma_wait3A_442 = tpu.memref_slice %arg7[%dma_wait3A_440, %dma_wait3A_441] : memref<16x128xi32, #tpu.memory_space<vmem>> -> memref<1x128xi32, #tpu.memory_space<vmem>>
      %dma_wait3A_443 = tpu.memref_squeeze %dma_wait3A_442 : memref<1x128xi32, #tpu.memory_space<vmem>> -> memref<128xi32, #tpu.memory_space<vmem>>
      %dma_wait3A_444 = arith.constant 0 : i32
      %dma_wait3A_445 = arith.constant 0 : i32
      %dma_wait3A_446 = tpu.memref_slice %arg2[%dma_wait3A_444, %dma_wait3A_445] : memref<10000x128xf32, #tpu.memory_space<hbm>> -> memref<10000x128xf32, #tpu.memory_space<hbm>>
      tpu.wait_indirect_dma semaphore(%arg13 : memref<!tpu.dma_semaphore, #tpu.memory_space<semaphore_mem>>) src(%dma_wait3A_446 : memref<10000x128xf32, #tpu.memory_space<hbm>>) dst(%arg10 : memref<128x128xf32, #tpu.memory_space<vmem>>)
      %dma_start3A_447 = arith.constant 15 : i32
      %dma_start3A_448 = arith.constant 0 : i32
      %dma_start3A_449 = tpu.memref_slice %arg8[%dma_start3A_447, %dma_start3A_448] : memref<16x128xi32, #tpu.memory_space<vmem>> -> memref<1x128xi32, #tpu.memory_space<vmem>>
      %dma_start3A_450 = tpu.memref_squeeze %dma_start3A_449 : memref<1x128xi32, #tpu.memory_space<vmem>> -> memref<128xi32, #tpu.memory_space<vmem>>
      %dma_start3A_451 = arith.constant 0 : i32
      %dma_start3A_452 = arith.constant 0 : i32
      %dma_start3A_453 = tpu.memref_slice %arg11[%dma_start3A_451, %dma_start3A_452] : memref<10240x128xf32, #tpu.memory_space<vmem_shared>> -> memref<10240x128xf32, #tpu.memory_space<vmem_shared>>
      tpu.enqueue_indirect_dma source(%arg10 : memref<128x128xf32, #tpu.memory_space<vmem>>) target(%dma_start3A_453 : memref<10240x128xf32, #tpu.memory_space<vmem_shared>>) offsets(%dma_start3A_450 : memref<128xi32, #tpu.memory_space<vmem>>) semaphore(%arg15 : memref<!tpu.dma_semaphore, #tpu.memory_space<semaphore_mem>>) {add = true}
      %dma_wait3A_454 = arith.constant 15 : i32
      %dma_wait3A_455 = arith.constant 0 : i32
      %dma_wait3A_456 = tpu.memref_slice %arg8[%dma_wait3A_454, %dma_wait3A_455] : memref<16x128xi32, #tpu.memory_space<vmem>> -> memref<1x128xi32, #tpu.memory_space<vmem>>
      %dma_wait3A_457 = tpu.memref_squeeze %dma_wait3A_456 : memref<1x128xi32, #tpu.memory_space<vmem>> -> memref<128xi32, #tpu.memory_space<vmem>>
      %dma_wait3A_458 = arith.constant 0 : i32
      %dma_wait3A_459 = arith.constant 0 : i32
      %dma_wait3A_460 = tpu.memref_slice %arg11[%dma_wait3A_458, %dma_wait3A_459] : memref<10240x128xf32, #tpu.memory_space<vmem_shared>> -> memref<10240x128xf32, #tpu.memory_space<vmem_shared>>
      tpu.wait_indirect_dma semaphore(%arg15 : memref<!tpu.dma_semaphore, #tpu.memory_space<semaphore_mem>>) src(%arg10 : memref<128x128xf32, #tpu.memory_space<vmem>>) dst(%dma_wait3A_460 : memref<10240x128xf32, #tpu.memory_space<vmem_shared>>)
    }
    %scan3A_8 = arith.constant 10 : i32
    %barrier3A_9 = arith.constant 0 : index
    tpu.barrier barrier_id(%barrier3A_9)
    "tpu.region"() ({
      %run_scoped3A = tpu.sem_alloc : memref<!tpu.dma_semaphore, #tpu.memory_space<semaphore_mem>>
      %dma_start3A = arith.constant 0 : i32
      %dma_start3A_10 = arith.constant 0 : i32
      %dma_start3A_11 = tpu.memref_slice %arg6[%arg0, %dma_start3A, %dma_start3A_10] : memref<2x10240x128xf32, #tpu.memory_space<hbm>> -> memref<1x10240x128xf32, #tpu.memory_space<hbm>>
      %dma_start3A_12 = tpu.memref_squeeze %dma_start3A_11 : memref<1x10240x128xf32, #tpu.memory_space<hbm>> -> memref<10240x128xf32, #tpu.memory_space<hbm>>
      %dma_start3A_13 = arith.constant 0 : i32
      %dma_start3A_14 = tpu.memref_slice %dma_start3A_12[%mul3A_2, %dma_start3A_13] : memref<10240x128xf32, #tpu.memory_space<hbm>> -> memref<640x128xf32, #tpu.memory_space<hbm>>
      %dma_start3A_15 = arith.constant 0 : i32
      %dma_start3A_16 = tpu.memref_slice %arg11[%mul3A_2, %dma_start3A_15] : memref<10240x128xf32, #tpu.memory_space<vmem_shared>> -> memref<640x128xf32, #tpu.memory_space<vmem_shared>>
      tpu.enqueue_dma source(%dma_start3A_16 : memref<640x128xf32, #tpu.memory_space<vmem_shared>>) target(%dma_start3A_14 : memref<640x128xf32, #tpu.memory_space<hbm>>) target_semaphore(%run_scoped3A : memref<!tpu.dma_semaphore, #tpu.memory_space<semaphore_mem>>)
      %dma_wait3A = arith.constant 0 : i32
      %dma_wait3A_17 = arith.constant 0 : i32
      %dma_wait3A_18 = tpu.memref_slice %arg6[%arg0, %dma_wait3A, %dma_wait3A_17] : memref<2x10240x128xf32, #tpu.memory_space<hbm>> -> memref<1x10240x128xf32, #tpu.memory_space<hbm>>
      %dma_wait3A_19 = tpu.memref_squeeze %dma_wait3A_18 : memref<1x10240x128xf32, #tpu.memory_space<hbm>> -> memref<10240x128xf32, #tpu.memory_space<hbm>>
      %dma_wait3A_20 = arith.constant 0 : i32
      %dma_wait3A_21 = tpu.memref_slice %dma_wait3A_19[%mul3A_2, %dma_wait3A_20] : memref<10240x128xf32, #tpu.memory_space<hbm>> -> memref<640x128xf32, #tpu.memory_space<hbm>>
      %dma_wait3A_22 = arith.constant 0 : i32
      %dma_wait3A_23 = tpu.memref_slice %arg11[%mul3A_2, %dma_wait3A_22] : memref<10240x128xf32, #tpu.memory_space<vmem_shared>> -> memref<640x128xf32, #tpu.memory_space<vmem_shared>>
      tpu.wait_dma2 semaphore(%run_scoped3A : memref<!tpu.dma_semaphore, #tpu.memory_space<semaphore_mem>>) src(%dma_wait3A_23 : memref<640x128xf32, #tpu.memory_space<vmem_shared>>) dst(%dma_wait3A_21 : memref<640x128xf32, #tpu.memory_space<hbm>>)
      tpu.yield
    }) : () -> ()
    return
  }
}

module attributes {stable_mosaic.version = 14 : i64} {
  func.func @body(%arg0: i32, %arg1: memref<2x1000x128xf32, #tpu.memory_space<vmem>>, %arg2: memref<1000x32xf32, #tpu.memory_space<vmem>>, %arg3: memref<1000x128xf32, #tpu.memory_space<vmem>>, %arg4: memref<128x128xf32, #tpu.memory_space<vmem>>, %arg5: memref<128x128xf32, #tpu.memory_space<vmem>>, %arg6: memref<1x128xf32, #tpu.memory_space<vmem>>, %arg7: memref<1000x128xf32, #tpu.memory_space<vmem>>) attributes {dimension_semantics = [#tpu.dimension_semantics<arbitrary>], iteration_bounds = array<i64: 10>, scalar_prefetch = 0 : i64, scratch_operands = 0 : i64, tpu.core_type = #tpu.core_type<tc>, window_params = [{transform_indices = @transform_0, window_bounds = array<i64: 2, 1000, 128>}, {transform_indices = @transform_1, window_bounds = array<i64: 1000, 32>}, {transform_indices = @transform_2, window_bounds = array<i64: 1000, 128>}, {pipeline_mode = #tpu.pipeline_mode<synchronous>, transform_indices = @transform_3, window_bounds = array<i64: 128, 128>}, {pipeline_mode = #tpu.pipeline_mode<synchronous>, transform_indices = @transform_4, window_bounds = array<i64: 128, 128>}, {pipeline_mode = #tpu.pipeline_mode<synchronous>, transform_indices = @transform_5, window_bounds = array<i64: 1, 128>}, {transform_indices = @transform_6, window_bounds = array<i64: 1000, 128>}]} {
    %get3A = arith.constant 0 : index
    %get3A_0 = arith.constant 0 : index
    %get3A_1 = arith.constant 0 : index
    %get3A_2 = vector.load %arg1[%get3A, %get3A_0, %get3A_1] : memref<2x1000x128xf32, #tpu.memory_space<vmem>>, vector<1x1000x128xf32>
    %get3A_3 = vector.shape_cast %get3A_2 : vector<1x1000x128xf32> to vector<1000x128xf32>
    %get3A_4 = arith.constant 1 : index
    %get3A_5 = arith.constant 0 : index
    %get3A_6 = arith.constant 0 : index
    %get3A_7 = vector.load %arg1[%get3A_4, %get3A_5, %get3A_6] : memref<2x1000x128xf32, #tpu.memory_space<vmem>>, vector<1x1000x128xf32>
    %get3A_8 = vector.shape_cast %get3A_7 : vector<1x1000x128xf32> to vector<1000x128xf32>
    %add3A = arith.addf %get3A_3, %get3A_8 : vector<1000x128xf32>
    %get3A_9 = arith.constant 0 : index
    %get3A_10 = arith.constant 0 : index
    %get3A_11 = vector.load %arg2[%get3A_9, %get3A_10] : memref<1000x32xf32, #tpu.memory_space<vmem>>, vector<1000x32xf32>
    %reduce_sum3A = arith.constant dense<0.000000e+00> : vector<1000xf32>
    %reduce_sum3A_12 = vector.multi_reduction <add>, %get3A_11, %reduce_sum3A [1] : vector<1000x32xf32> to vector<1000xf32>
    %broadcast_in_dim3A = vector.shape_cast %reduce_sum3A_12 : vector<1000xf32> to vector<1000x1xf32>
    %max3A = arith.constant 1.000000e+00 : f32
    %max3A_13 = vector.broadcast %max3A : f32 to vector<1000x1xf32>
    %max3A_14 = arith.maximumf %broadcast_in_dim3A, %max3A_13 : vector<1000x1xf32>
    %div3A = vector.broadcast %max3A_14 : vector<1000x1xf32> to vector<1000x128xf32>
    %div3A_15 = arith.divf %add3A, %div3A : vector<1000x128xf32>
    %get3A_16 = arith.constant 0 : index
    %get3A_17 = arith.constant 0 : index
    %get3A_18 = vector.load %arg4[%get3A_16, %get3A_17] : memref<128x128xf32, #tpu.memory_space<vmem>>, vector<128x128xf32>
    %dot_general3A = arith.constant dense<0.000000e+00> : vector<1000x128xf32>
    %dot_general3A_19 = tpu.matmul %div3A_15, %get3A_18, %dot_general3A {dimension_numbers = #tpu.dot_dimension_numbers<[1], [0], [0], [1], [0, 0, 1, 1], [], []>, transpose_lhs_hint = false} : vector<1000x128xf32>, vector<128x128xf32>, vector<1000x128xf32> -> vector<1000x128xf32>
    %get3A_20 = arith.constant 0 : index
    %get3A_21 = arith.constant 0 : index
    %get3A_22 = vector.load %arg3[%get3A_20, %get3A_21] : memref<1000x128xf32, #tpu.memory_space<vmem>>, vector<1000x128xf32>
    %get3A_23 = arith.constant 0 : index
    %get3A_24 = arith.constant 0 : index
    %get3A_25 = vector.load %arg5[%get3A_23, %get3A_24] : memref<128x128xf32, #tpu.memory_space<vmem>>, vector<128x128xf32>
    %dot_general3A_26 = arith.constant dense<0.000000e+00> : vector<1000x128xf32>
    %dot_general3A_27 = tpu.matmul %get3A_22, %get3A_25, %dot_general3A_26 {dimension_numbers = #tpu.dot_dimension_numbers<[1], [0], [0], [1], [0, 0, 1, 1], [], []>, transpose_lhs_hint = false} : vector<1000x128xf32>, vector<128x128xf32>, vector<1000x128xf32> -> vector<1000x128xf32>
    %add3A_28 = arith.addf %dot_general3A_19, %dot_general3A_27 : vector<1000x128xf32>
    %get3A_29 = arith.constant 0 : index
    %get3A_30 = arith.constant 0 : index
    %get3A_31 = vector.load %arg6[%get3A_29, %get3A_30] : memref<1x128xf32, #tpu.memory_space<vmem>>, vector<1x128xf32>
    %add3A_32 = vector.broadcast %get3A_31 : vector<1x128xf32> to vector<1000x128xf32>
    %add3A_33 = arith.addf %add3A_28, %add3A_32 : vector<1000x128xf32>
    %max3A_34 = arith.constant 0.000000e+00 : f32
    %max3A_35 = vector.broadcast %max3A_34 : f32 to vector<1000x128xf32>
    %max3A_36 = arith.maximumf %add3A_33, %max3A_35 : vector<1000x128xf32>
    %swap3A = arith.constant 0 : index
    %swap3A_37 = arith.constant 0 : index
    %swap3A_38 = vector.load %arg7[%swap3A, %swap3A_37] : memref<1000x128xf32, #tpu.memory_space<vmem>>, vector<1000x128xf32>
    tpu.vector_store %arg7[%swap3A, %swap3A_37], %max3A_36 {strides = array<i32>} : memref<1000x128xf32, #tpu.memory_space<vmem>>, vector<1000x128xf32>,
    return
  }
  func.func @transform_0(%arg0: i32) -> (i32, i32, i32) {
    %c0_i32 = arith.constant 0 : i32
    %c0_i32_0 = arith.constant 0 : i32
    %c0_i32_1 = arith.constant 0 : i32
    return %c0_i32, %arg0, %c0_i32_0 : i32, i32, i32
  }
  func.func @transform_1(%arg0: i32) -> (i32, i32) {
    %c0_i32 = arith.constant 0 : i32
    %c0_i32_0 = arith.constant 0 : i32
    return %arg0, %c0_i32 : i32, i32
  }
  func.func @transform_2(%arg0: i32) -> (i32, i32) {
    %c0_i32 = arith.constant 0 : i32
    %c0_i32_0 = arith.constant 0 : i32
    return %arg0, %c0_i32 : i32, i32
  }
  func.func @transform_3(%arg0: i32) -> (i32, i32) {
    %c0_i32 = arith.constant 0 : i32
    %c0_i32_0 = arith.constant 0 : i32
    %c0_i32_1 = arith.constant 0 : i32
    return %c0_i32, %c0_i32_0 : i32, i32
  }
  func.func @transform_4(%arg0: i32) -> (i32, i32) {
    %c0_i32 = arith.constant 0 : i32
    %c0_i32_0 = arith.constant 0 : i32
    %c0_i32_1 = arith.constant 0 : i32
    return %c0_i32, %c0_i32_0 : i32, i32
  }
  func.func @transform_5(%arg0: i32) -> (i32, i32) {
    %c0_i32 = arith.constant 0 : i32
    %c0_i32_0 = arith.constant 0 : i32
    %c0_i32_1 = arith.constant 0 : i32
    return %c0_i32, %c0_i32_0 : i32, i32
  }
  func.func @transform_6(%arg0: i32) -> (i32, i32) {
    %c0_i32 = arith.constant 0 : i32
    %c0_i32_0 = arith.constant 0 : i32
    return %arg0, %c0_i32 : i32, i32
  }
}

module attributes {stable_mosaic.version = 14 : i64} {
  func.func @body(%arg0: i32, %arg1: memref<2x1000x128xf32, #tpu.memory_space<vmem>>, %arg2: memref<1000x32xf32, #tpu.memory_space<vmem>>, %arg3: memref<1000x128xf32, #tpu.memory_space<vmem>>, %arg4: memref<128x128xf32, #tpu.memory_space<vmem>>, %arg5: memref<128x128xf32, #tpu.memory_space<vmem>>, %arg6: memref<1x128xf32, #tpu.memory_space<vmem>>, %arg7: memref<1000x128xf32, #tpu.memory_space<vmem>>) attributes {dimension_semantics = [#tpu.dimension_semantics<arbitrary>], iteration_bounds = array<i64: 10>, scalar_prefetch = 0 : i64, scratch_operands = 0 : i64, tpu.core_type = #tpu.core_type<tc>, window_params = [{transform_indices = @transform_0, window_bounds = array<i64: 2, 1000, 128>}, {transform_indices = @transform_1, window_bounds = array<i64: 1000, 32>}, {transform_indices = @transform_2, window_bounds = array<i64: 1000, 128>}, {pipeline_mode = #tpu.pipeline_mode<synchronous>, transform_indices = @transform_3, window_bounds = array<i64: 128, 128>}, {pipeline_mode = #tpu.pipeline_mode<synchronous>, transform_indices = @transform_4, window_bounds = array<i64: 128, 128>}, {pipeline_mode = #tpu.pipeline_mode<synchronous>, transform_indices = @transform_5, window_bounds = array<i64: 1, 128>}, {transform_indices = @transform_6, window_bounds = array<i64: 1000, 128>}]} {
    %get3A = arith.constant 0 : index
    %get3A_0 = arith.constant 0 : index
    %get3A_1 = arith.constant 0 : index
    %get3A_2 = vector.load %arg1[%get3A, %get3A_0, %get3A_1] : memref<2x1000x128xf32, #tpu.memory_space<vmem>>, vector<1x1000x128xf32>
    %get3A_3 = vector.shape_cast %get3A_2 : vector<1x1000x128xf32> to vector<1000x128xf32>
    %get3A_4 = arith.constant 1 : index
    %get3A_5 = arith.constant 0 : index
    %get3A_6 = arith.constant 0 : index
    %get3A_7 = vector.load %arg1[%get3A_4, %get3A_5, %get3A_6] : memref<2x1000x128xf32, #tpu.memory_space<vmem>>, vector<1x1000x128xf32>
    %get3A_8 = vector.shape_cast %get3A_7 : vector<1x1000x128xf32> to vector<1000x128xf32>
    %add3A = arith.addf %get3A_3, %get3A_8 : vector<1000x128xf32>
    %get3A_9 = arith.constant 0 : index
    %get3A_10 = arith.constant 0 : index
    %get3A_11 = vector.load %arg2[%get3A_9, %get3A_10] : memref<1000x32xf32, #tpu.memory_space<vmem>>, vector<1000x32xf32>
    %reduce_sum3A = arith.constant dense<0.000000e+00> : vector<1000xf32>
    %reduce_sum3A_12 = vector.multi_reduction <add>, %get3A_11, %reduce_sum3A [1] : vector<1000x32xf32> to vector<1000xf32>
    %broadcast_in_dim3A = vector.shape_cast %reduce_sum3A_12 : vector<1000xf32> to vector<1000x1xf32>
    %max3A = arith.constant 1.000000e+00 : f32
    %max3A_13 = vector.broadcast %max3A : f32 to vector<1000x1xf32>
    %max3A_14 = arith.maximumf %broadcast_in_dim3A, %max3A_13 : vector<1000x1xf32>
    %div3A = vector.broadcast %max3A_14 : vector<1000x1xf32> to vector<1000x128xf32>
    %div3A_15 = arith.divf %add3A, %div3A : vector<1000x128xf32>
    %get3A_16 = arith.constant 0 : index
    %get3A_17 = arith.constant 0 : index
    %get3A_18 = vector.load %arg4[%get3A_16, %get3A_17] : memref<128x128xf32, #tpu.memory_space<vmem>>, vector<128x128xf32>
    %dot_general3A = arith.constant dense<0.000000e+00> : vector<1000x128xf32>
    %dot_general3A_19 = tpu.matmul %div3A_15, %get3A_18, %dot_general3A {dimension_numbers = #tpu.dot_dimension_numbers<[1], [0], [0], [1], [0, 0, 1, 1], [], []>, transpose_lhs_hint = false} : vector<1000x128xf32>, vector<128x128xf32>, vector<1000x128xf32> -> vector<1000x128xf32>
    %get3A_20 = arith.constant 0 : index
    %get3A_21 = arith.constant 0 : index
    %get3A_22 = vector.load %arg3[%get3A_20, %get3A_21] : memref<1000x128xf32, #tpu.memory_space<vmem>>, vector<1000x128xf32>
    %get3A_23 = arith.constant 0 : index
    %get3A_24 = arith.constant 0 : index
    %get3A_25 = vector.load %arg5[%get3A_23, %get3A_24] : memref<128x128xf32, #tpu.memory_space<vmem>>, vector<128x128xf32>
    %dot_general3A_26 = arith.constant dense<0.000000e+00> : vector<1000x128xf32>
    %dot_general3A_27 = tpu.matmul %get3A_22, %get3A_25, %dot_general3A_26 {dimension_numbers = #tpu.dot_dimension_numbers<[1], [0], [0], [1], [0, 0, 1, 1], [], []>, transpose_lhs_hint = false} : vector<1000x128xf32>, vector<128x128xf32>, vector<1000x128xf32> -> vector<1000x128xf32>
    %add3A_28 = arith.addf %dot_general3A_19, %dot_general3A_27 : vector<1000x128xf32>
    %get3A_29 = arith.constant 0 : index
    %get3A_30 = arith.constant 0 : index
    %get3A_31 = vector.load %arg6[%get3A_29, %get3A_30] : memref<1x128xf32, #tpu.memory_space<vmem>>, vector<1x128xf32>
    %add3A_32 = vector.broadcast %get3A_31 : vector<1x128xf32> to vector<1000x128xf32>
    %add3A_33 = arith.addf %add3A_28, %add3A_32 : vector<1000x128xf32>
    %swap3A = arith.constant 0 : index
    %swap3A_34 = arith.constant 0 : index
    %swap3A_35 = vector.load %arg7[%swap3A, %swap3A_34] : memref<1000x128xf32, #tpu.memory_space<vmem>>, vector<1000x128xf32>
    tpu.vector_store %arg7[%swap3A, %swap3A_34], %add3A_33 {strides = array<i32>} : memref<1000x128xf32, #tpu.memory_space<vmem>>, vector<1000x128xf32>,
    return
  }
  func.func @transform_0(%arg0: i32) -> (i32, i32, i32) {
    %c0_i32 = arith.constant 0 : i32
    %c0_i32_0 = arith.constant 0 : i32
    %c0_i32_1 = arith.constant 0 : i32
    return %c0_i32, %arg0, %c0_i32_0 : i32, i32, i32
  }
  func.func @transform_1(%arg0: i32) -> (i32, i32) {
    %c0_i32 = arith.constant 0 : i32
    %c0_i32_0 = arith.constant 0 : i32
    return %arg0, %c0_i32 : i32, i32
  }
  func.func @transform_2(%arg0: i32) -> (i32, i32) {
    %c0_i32 = arith.constant 0 : i32
    %c0_i32_0 = arith.constant 0 : i32
    return %arg0, %c0_i32 : i32, i32
  }
  func.func @transform_3(%arg0: i32) -> (i32, i32) {
    %c0_i32 = arith.constant 0 : i32
    %c0_i32_0 = arith.constant 0 : i32
    %c0_i32_1 = arith.constant 0 : i32
    return %c0_i32, %c0_i32_0 : i32, i32
  }
  func.func @transform_4(%arg0: i32) -> (i32, i32) {
    %c0_i32 = arith.constant 0 : i32
    %c0_i32_0 = arith.constant 0 : i32
    %c0_i32_1 = arith.constant 0 : i32
    return %c0_i32, %c0_i32_0 : i32, i32
  }
  func.func @transform_5(%arg0: i32) -> (i32, i32) {
    %c0_i32 = arith.constant 0 : i32
    %c0_i32_0 = arith.constant 0 : i32
    %c0_i32_1 = arith.constant 0 : i32
    return %c0_i32, %c0_i32_0 : i32, i32
  }
  func.func @transform_6(%arg0: i32) -> (i32, i32) {
    %c0_i32 = arith.constant 0 : i32
    %c0_i32_0 = arith.constant 0 : i32
    return %arg0, %c0_i32 : i32, i32
  }
}

</mosaic_0001>

<sc_bundles>
// kernel: kernel.6.cloned.1.call-start
scs
__scs_entry_jumppad:
0x0: {  	(pc) =	sbr.rel $0x88, $3  }
0x1: {  	(tag) =	ssettag $0x0;
	lr =	simm.s32 $0x1  }
0x2: {  	[smem:$0x3F99] =	sst lr;
	_ =	strace $0xD0000000  }
0x3: {  	_ = 	snop  }
0x4: {  	_ = 	snop  }
0x5: {  	_ = 	snop  }
0x6: {  	_ = 	snop  }
0x7: {  	_ = 	snop  }
__scs_overlays_trampoline_lowered:
0x8: {  	[smem:$0x3FA8] =	sst s0  }
0x9: {  	[smem:$0x3FA9] =	sst s1  }
0xa: {  	[smem:$0x3FAA] =	sst s2  }
0xb: {  	[smem:$0x3FAB] =	sst s3  }
0xc: {  	[smem:$0x3FAC] =	sst s4  }
0xd: {  	[smem:$0x3FAD] =	sst s5  }
0xe: {  	[smem:$0x3FAE] =	sst s6  }
0xf: {  	[smem:$0x3FAF] =	sst s7  }
0x10: {  	[smem:$0x3FB0] =	sst s8  }
0x11: {  	[smem:$0x3FB1] =	sst s9;
	s0 =	simm.s32 @!p0 $0x0  }
0x12: {  	s1 =	sld [smem:$0x3F97];
	s0 =	simm.s32 @p0 $0x1  }
0x13: {  	[smem:$0x3FB2] =	sst s0;
	s0 =	simm.s32 @!p1 $0x0  }
0x14: {  	s2 =	sld [smem:$0x3F96];
	s0 =	simm.s32 @p1 $0x1  }
0x15: {  	[smem:$0x3FB3] =	sst s0;
	s0 =	simm.s32 @!p2 $0x0  }
0x16: {  	s3 =	sld [smem:$0x3FDB];
	s0 =	simm.s32 @p2 $0x1  }
0x17: {  	s4 =	simm.s32 $0x1BF5;
	[smem:$0x3FB5] =	sst s0  }
0x18: {  	s0 =	sld [smem:$0x3F98];
	_ =	swait.ge [sflag:s4], $0x0  }
0x19: {  	s7 =	sld [smem:$0x3F99]  }
0x1a: {  	s8 =	sadd.s32 $0xFFFFE003, lr  }
0x1b: {  	s9 =	sadd.s32 $0xFFFFFEF7, lr;
	s5 =	simm.s32 $0xFFFFFFFF;
	p2 =	slt.u32 s8, $0xFFFFF086  }
0x1c: {  	p1 =	slt.u32 s9, $0xF7A;
	s5 =	simm.s32 @!p2 $0x0  }
0x1d: {  	s5 =	simm.s32 @p1 $0x1;
	p0 =	seq.s32 s7, s2  }
0x1e: {  	s7 =	smul.u32 @!p0 $0xF7A, s2;
	p2 =	seq.s32 @!p0 s5, $0x0  }
0x1f: {  	s9 =	smul.u32 $0xF7A, s1;
	s8 =	simm.s32 @!p0 $0x1BF5;
	p2 =	por !p2, p0  }
0x20: {  	[sflag:s8] =	ssyncset.s32 @!p0 $0xFFFFF086;
	s6 =	sadd.s32 @!p0 s3, s7;
	s7 =	simm.s32 @!p0 $0x108  }
0x21: {  	s3 =	sadd.s32 s3, s9;
	s6 =	sadd.s32 @!p0 $0x88, s6;
	s7 =	simm.s32 @p2 $0x1082  }
0x22: {  	[simem:s7], [sflag:s8] =	dma.local @!p0 [hbm:s6], $0xF7A  }
0x23: {  	s9 =	sor.u32 $0xD0000000, s2;
	s6 =	simm.s32 $0x108;
	_ =	swait.ge @!p0 [sflag:s8], $0x0  }
0x24: {  	s3 =	sadd.s32 $0x88, s3;
	s6 =	simm.s32 @!p1 $0x1082;
	[sflag:s4] =	ssyncset.s32 $0xFFFFF086  }
0x25: {  	[simem:s6], [sflag:s4] =	dma.local [hbm:s3], $0xF7A  }
0x26: {  	[smem:$0x3F99] =	sst s1;
	(tag) =	ssettag s2;
	_ =	strace s9  }
0x27: {  	s1 =	sld [smem:$0x3FA9]  }
0x28: {  	s2 =	sld [smem:$0x3FAA]  }
0x29: {  	s4 =	sld [smem:$0x3FAC]  }
0x2a: {  	p0 =	seq.s32 s5, $0x0;
	s5 =	sld [smem:$0x3FAD]  }
0x2b: {  	s6 =	sld [smem:$0x3FAE]  }
0x2c: {  	s7 =	sld [smem:$0x3FAF]  }
0x2d: {  	s3 =	simm.s32 $0x108;
	s8 =	sld [smem:$0x3FB0]  }
0x2e: {  	s3 =	simm.s32 @!p0 $0x1082;
	s9 =	sld [smem:$0x3FB1]  }
0x2f: {  	lr =	sadd.s32 s0, s3;
	s0 =	sld [smem:$0x3FA8]  }
0x30: {  	s3 =	sld [smem:$0x3FAB]  }
0x31: {  	[smem:$0x3FB4] =	sst s10  }
0x32: {  	s10 =	sld [smem:$0x3FB2];
	_ =	sdelay $0x3  }
0x33: {  	p0 =	seq.s32 s10, $0x1;
	s10 =	sld [smem:$0x3FB4];
	_ =	sdelay $0x3  }
0x34: {  	[smem:$0x3FB4] =	sst s10  }
0x35: {  	s10 =	sld [smem:$0x3FB3];
	_ =	sdelay $0x3  }
0x36: {  	p1 =	seq.s32 s10, $0x1;
	s10 =	sld [smem:$0x3FB4];
	_ =	sdelay $0x3  }
0x37: {  	[smem:$0x3FB4] =	sst s10  }
0x38: {  	s10 =	sld [smem:$0x3FB5]  }
0x39: {  	_ = 	snop;
	(pc) =	sbr.ind lr, $3  }
0x3a: {  	_ = 	snop  }
0x3b: {  	_ = 	snop  }
0x3c: {  	p2 =	seq.s32 s10, $0x1;
	s10 =	sld [smem:$0x3FB4]  }
0x3d: {  	_ =	shalt  }
0x3e: {  	_ =	shalt  }
0x3f: {  	_ =	shalt  }
0x40: {  	_ =	shalt  }
0x41: {  	_ =	shalt  }
0x42: {  	_ =	shalt  }
0x43: {  	_ =	shalt  }
0x44: {  	_ =	shalt  }
0x45: {  	_ =	shalt  }
0x46: {  	_ =	shalt  }
0x47: {  	_ =	shalt  }
0x48: {  	_ =	shalt  }
0x49: {  	_ =	shalt  }
0x4a: {  	_ =	shalt  }
0x4b: {  	_ =	shalt  }
0x4c: {  	_ =	shalt  }
0x4d: {  	_ =	shalt  }
0x4e: {  	_ =	shalt  }
0x4f: {  	_ =	shalt  }
0x50: {  	_ =	shalt  }
0x51: {  	_ =	shalt  }
0x52: {  	_ =	shalt  }
0x53: {  	_ =	shalt  }
0x54: {  	_ =	shalt  }
0x55: {  	_ =	shalt  }
0x56: {  	_ =	shalt  }
0x57: {  	_ =	shalt  }
0x58: {  	_ =	shalt  }
0x59: {  	_ =	shalt  }
0x5a: {  	_ =	shalt  }
0x5b: {  	_ =	shalt  }
0x5c: {  	_ =	shalt  }
0x5d: {  	_ =	shalt  }
0x5e: {  	_ =	shalt  }
0x5f: {  	_ =	shalt  }
0x60: {  	_ =	shalt  }
0x61: {  	_ =	shalt  }
0x62: {  	_ =	shalt  }
0x63: {  	_ =	shalt  }
0x64: {  	_ =	shalt  }
0x65: {  	_ =	shalt  }
0x66: {  	_ =	shalt  }
0x67: {  	_ =	shalt  }
0x68: {  	_ =	shalt  }
0x69: {  	_ =	shalt  }
0x6a: {  	_ =	shalt  }
0x6b: {  	_ =	shalt  }
0x6c: {  	_ =	shalt  }
0x6d: {  	_ =	shalt  }
0x6e: {  	_ =	shalt  }
0x6f: {  	_ =	shalt  }
0x70: {  	_ =	shalt  }
0x71: {  	_ =	shalt  }
0x72: {  	_ =	shalt  }
0x73: {  	_ =	shalt  }
0x74: {  	_ =	shalt  }
0x75: {  	_ =	shalt  }
0x76: {  	_ =	shalt  }
0x77: {  	_ =	shalt  }
0x78: {  	_ =	shalt  }
0x79: {  	_ =	shalt  }
0x7a: {  	_ =	shalt  }
0x7b: {  	_ =	shalt  }
0x7c: {  	_ =	shalt  }
0x7d: {  	_ =	shalt  }
0x7e: {  	_ =	shalt  }
0x7f: {  	_ =	shalt  }
0x80: {  	_ =	shalt  }
0x81: {  	_ =	shalt  }
0x82: {  	_ =	shalt  }
0x83: {  	_ =	shalt  }
0x84: {  	_ =	shalt  }
0x85: {  	_ =	shalt  }
0x86: {  	_ =	shalt  }
0x87: {  	_ =	shalt  }
.Lfunc_end0:
.L_simem_size_0:
called_computation_lowered:
.L_overlay_start_0:
0x88: {  	s2 =	sld [smem:$0x3FD9]  }
0x89: {  	s3 =	sld [smem:$0x3FFE];
	_ =	sdelay $0x1  }
0x8a: {  	s1 =	srdreg.scid  }
0x8b: {  	s0 =	sand.u32 $0x1, s1  }
0x8c: {  	s17 =	sshll.u32 s0, $0xA;
	s2 =	sadd.s32 s3, s2  }
0x8d: {  	s2 =	sadd.s32 s2, s17  }
0x8e: {  	[smem:$0x3FC0] =	sst s2  }
0x8f: {  	_ = 	snop  }
0x90: {  	s2 =	sld [smem:$0x3FC9]  }
0x91: {  	s18 =	sld [smem:$0x3FD0];
	(tm) =	ssettm $0x1  }
0x92: {  	s4 =	sld [smem:$0x3FFB];
	_ =	sdelay $0x3  }
0x93: {  	_ =	strace s4  }
0x94: {  	s4 =	sld [smem:$0x3FFC];
	_ =	sdelay $0x3  }
0x95: {  	_ =	strace s4  }
0x96: {  	s4 =	sld [smem:$0x3FFD];
	_ =	sdelay $0x3  }
0x97: {  	_ =	strace s4  }
0x98: {  	_ =	strace $0x8FFFFFFF  }
0x99: {  	s19 =	sld [smem:$0x3FDB];
	_ =	sdelay $0x1  }
0x9a: {  	s5 =	simm.s32 $_scs_section_size  }
0x9b: {  	s6 =	simm.s32 $_size__tile_overlayer_lowered;
	s7 =	simm.s32 $_tile_overlayer_lowered  }
0x9c: {  	s22 =	simm.s32 $0x1BFF;
	s21 =	sshll.u32 s7, $0x1;
	s4 =	sadd.s32 s5, s19  }
0x9d: {  	s8 =	simm.s32 $0x0;
	s20 =	sshll.u32 s6, $0x1;
	s6 =	sadd.s32 s21, s4  }
0x9e: {  	[timem:s8], [sflag:s22] =	dma.local [hbm:s6], s20  }
0x9f: {  	_ =	swait.ge [sflag:s22], s20  }
0xa0: {  	s5 =	ssub.s32 $0x0, s20;
	[sflag:s22] =	ssyncset.done $0x0  }
0xa1: {  	[sflag:s22] =	ssyncadd.s32 s5;
	_ =	sdelay $0x1  }
0xa2: {  	s23 =	simm.s32 $0x1B8B  }
0xa3: {  	_ =	swait.ge [sflag:s23], $0x1  }
0xa4: {  	[sflag:s23] =	ssyncset.done $0x0  }
0xa5: {  	s25 =	simm.s32 $0x1B8E;
	s24 =	sld [smem:$0x3FFE];
	[sflag:s23] =	ssyncadd.s32 $0xFFFFFFFF  }
0xa6: {  	s26 =	simm.s32 $execute0_lowered;
	[smem:$0x3FD2] =	sst s25  }
0xa7: {  	s6 =	sshll.u32 s26, $0x1;
	_ =	strace $0x80000046;
	[dreg:$0x1] =	wrdreg $0xFFFFFFFF  }
0xa8: {  	s28 =	simm.s32 $_size_execute0_lowered;
	s4 =	sadd.s32 s4, s6;
	[dreg:$0x0] =	wrdreg $0x0  }
0xa9: {  	s6 =	sshll.u32 s28, $0x1;
	[dreg:$0x2] =	wrdreg s4  }
0xaa: {  	[dreg:$0x3] =	wrdreg s6  }
0xab: {  	[dreg:$0x4] =	wrdreg $0xC0  }
0xac: {  	_ =	task [dreg:s8], $0x5FFFF  }
0xad: {  	[dreg:$0x1] =	wrdreg $0xFFFFFFFF  }
0xae: {  	[dreg:$0x0] =	wrdreg $0x60  }
0xaf: {  	[dreg:$0x2] =	wrdreg s2  }
0xb0: {  	[dreg:$0x3] =	wrdreg s24  }
0xb1: {  	[dreg:$0x4] =	wrdreg s18  }
0xb2: {  	[dreg:$0x5] =	wrdreg $0x90000  }
0xb3: {  	[dreg:$0x6] =	wrdreg $0x9  }
0xb4: {  	_ =	task.clear_ibuf [dreg:s8], $0x7FFFF;
	_ =	strace $0x90000046  }
0xb5: {  	s29 =	simm.s32 $0x9;
	_ =	strace $0x80000048  }
0xb6: {  	_ =	swait.ge [sflag:s29], $0x1  }
0xb7: {  	[sflag:s29] =	ssyncadd.s32 $0xFFFFFFFF  }
0xb8: {  	_ =	strace $0x90000048  }
0xb9: {  	_ =	sfence  }
0xba: {  	s30 =	sld [smem:$0x0];
	_ =	sdelay $0x2  }
0xbb: {  	s31 =	sshll.u32 s1, $0xD;
	s1 =	sshrl.u32 s1, $0x2  }
0xbc: {  	s3 =	sand.u32 $0x4000, s31;
	s1 =	sadd.s32 s1, s30  }
0xbd: {  	s0 =	sor.u32 s3, s0;
	s1 =	sshll.u32 s1, $0x11  }
0xbe: {  	s0 =	sor.u32 s1, s0  }
0xbf: {  	s0 =	sadd.s32 $0x8F2B, s0  }
0xc0: {  	[sflag:s0] =	ssyncadd.remote.s32 $0x1  }
0xc1: {  	_ =	sfence.sel $0xFFFF  }
0xc2: {  	[dreg:$0x0] =	wrdreg $0xFFFFFFFF;
	(pc) =	sbr.abs _section_cstart, $3  }
0xc3: {  	[dreg:$0x1] =	wrdreg $0xFFFFFFFF  }
0xc4: {  	_ =	task.clear_ibuf [dreg:s8], $0x2FFFF;
	_ =	strace $0x9FFFFFFF  }
0xc5: {  	(tm) =	ssettm $0x7FFFFFFF  }
tec
execute0_lowered:
.L_overlay_start_1:
0x0: {  	(tag) =	ssettag $0x1  }
0x1: {  	s1 =	rddreg [dreg:$0x0]  }
0x2: {  	s0 =	rddreg [dreg:$0x1]  }
0x3: {  	s2 =	srdreg.scid;
	s5 =	rddreg [dreg:$0x2]  }
0x4: {  	s11 =	stileid.u32;
	s3 =	rddreg [dreg:$0x3];
	s12 =	simm.s32 $0x180  }
0x5: {  	s13 =	simm.s32 $0x900;
	s14 =	simm.s32 $0x200;
	s15 =	simm.s32 $0x980  }
0x6: {  	s16 =	simm.s32 $0x280;
	s17 =	simm.s32 $0xA00;
	s18 =	simm.s32 $0x300  }
0x7: {  	s19 =	simm.s32 $0xA80;
	s20 =	simm.s32 $0x380;
	s21 =	simm.s32 $0xB00  }
0x8: {  	s28 =	simm.s32 $0xD80;
	s2 =	sand.u32 $0x1, s2;
	s4 =	sshll.u32 s11, $0x1  }
0x9: {  	s29 =	simm.s32 $0x680;
	s6 =	sor.u32 s2, s4;
	s4 =	simm.s32 $0x0  }
0xa: {  	s30 =	simm.s32 $0xE00;
	s10 =	sadd.s32 $0x2A800, s0;
	[smem:$0x7FF] =	sst s4  }
0xb: {  	s9 =	smul.u32 $0x50000, s11;
	_ =	strace $0x80000047;
	[dreg:$0x16] =	wrdreg s10  }
0xc: {  	s31 =	simm.s32 $0x700;
	s24 =	smul.u32 $0x2800, s11;
	[dreg:$0x9] =	wrdreg s12  }
0xd: {  	s26 =	sshll.u32 s11, $0x6;
	s8 =	smul.u32 $0x28000, s2;
	[dreg:$0xa] =	wrdreg s13  }
0xe: {  	s2 =	ssub.s32 $0x2, s2;
	s7 =	smul.u32 $0xA00, s6;
	[dreg:$0xb] =	wrdreg s14  }
0xf: {  	s22 =	sshrl.u32 s2, $0x1;
	s9 =	sshrl.u32 s9, $0x2;
	[dreg:$0xc] =	wrdreg s15  }
0x10: {  	s6 =	sshll.u32 s6, $0x7;
	s2 =	ssub.s32 s2, s22;
	[dreg:$0xd] =	wrdreg s16  }
0x11: {  	s23 =	sadd.s32 s9, s3;
	s9 =	sshrl.u32 s11, $0x2;
	[dreg:$0xe] =	wrdreg s17  }
0x12: {  	s6 =	sand.u32 $0x380, s6;
	s10 =	simm.s32 $0x100;
	[dreg:$0xf] =	wrdreg s18  }
0x13: {  	s11 =	simm.s32 $0x880;
	s12 =	simm.s32 $0x80;
	[dreg:$0x10] =	wrdreg s19  }
0x14: {  	s13 =	simm.s32 $0x1000;
	s14 =	simm.s32 $0x5000;
	[dreg:$0x11] =	wrdreg s20  }
0x15: {  	s15 =	simm.s32 $0x1;
	s16 =	simm.s32 $0x1D000;
	[dreg:$0x12] =	wrdreg s21  }
0x16: {  	s22 =	simm.s32 $0xB80;
	s17 =	simm.s32 $0x3;
	s18 =	simm.s32 $0x2  }
0x17: {  	s19 =	simm.s32 $0x4;
	s20 =	simm.s32 $0x400;
	[dreg:$0x7] =	wrdreg s10  }
0x18: {  	s21 =	simm.s32 $0x500;
	s7 =	sadd.s32 s7, s0;
	[dreg:$0x8] =	wrdreg s11  }
0x19: {  	s0 =	sadd.s32 s8, s0;
	s2 =	smax.u32 s2, $0x1;
	[dreg:$0x13] =	wrdreg s22  }
0x1a: {  	s10 =	simm.s32 $0x5;
	s25 =	sadd.s32 $0x2800, s7;
	[dreg:$0x18] =	wrdreg s2  }
0x1b: {  	s11 =	simm.s32 $0x800;
	s7 =	sadd.s32 $0x16800, s7;
	[dreg:$0x5] =	wrdreg s25  }
0x1c: {  	s22 =	simm.s32 $0xC80;
	s0 =	sadd.s32 $0x2D000, s0;
	[dreg:$0x6] =	wrdreg s7  }
0x1d: {  	s7 =	smul.u32 $0x14000, s9;
	s9 =	sshrl.u32 s23, $0x3;
	s23 =	simm.s32 $0x480  }
0x1e: {  	s25 =	sor.u32 $0x1C05, s26;
	s26 =	simm.s32 $0xC00;
	[dreg:$0x14] =	wrdreg s23  }
0x1f: {  	s8 =	simm.s32 $0x0;
	s0 =	sadd.s32 s24, s0;
	[dreg:$0x15] =	wrdreg s26  }
0x20: {  	s2 =	simm.s32 $0xE80;
	s23 =	simm.s32 $0x580;
	[dreg:$0x1b] =	wrdreg s0  }
0x21: {  	s24 =	smov.u32 s25;
	s25 =	simm.s32 $0xD00;
	s6 =	sor.u32 s7, s6  }
0x22: {  	s26 =	simm.s32 $0x600;
	[dreg:$0x1a] =	wrdreg s9;
	s6 =	sshrl.u32 s6, $0x3  }
0x23: {  	s0 =	simm.s32 $0x780;
	[dreg:$0x19] =	wrdreg s24;
	s5 =	sadd.s32 s5, s6  }
0x24: {  	v0 =	vimm.f32 $0.0e+00;
	v1 =	vimm.f32 $1.000000000e+00;
	s7 =	simm.s32 $0xF80;
	[dreg:$0x17] =	wrdreg s5;
	s5 =	simm.s32 $0xF00  }
.LBB2_1:
0x25: {  	s6 =	rddreg [dreg:$0x16]  }
0x26: {  	[spmem:s9], [sflag:s24] =	dma.local [hbm:s6], $0x2800  }
0x27: {  	_ =	swait.ge [sflag:s10], $0x2800  }
0x28: {  	[sflag:s10] =	ssyncset.done $0x0  }
0x29: {  	s24 =	simm.s32 $0x40;
	s6 =	simm.s32 $0x0;
	[sflag:s10] =	ssyncadd.s32 $0xFFFFD800  }
.LBB2_2:
0x2a: {  	p0 =	sne.s32 s24, $0x9FC0;
	[tilespmem:s6+$0x1D000] =	vst v0;
	s6 =	smov.u32 s24;
	s24 =	sadd.s32 $0x40, s24  }
.Ltmp0:
0x2b: {  	(pc) =	sbr.rel @p0 .LBB2_2-.Ltmp0, $2  }
0x2c: {  	_ =	sdelay $0x2  }
0x2d: {  	s6 =	sshra.s32 s6, $0x2  }
0x2e: {  	[tilespmem:s6+$0x1D000] =	vst v0  }
0x2f: {  	s24 =	simm.s32 $0x0;
	[bflag:$0x0] =	sbarrier.arrive $0xFFFF  }
.LBB2_4:
0x30: {  	s6 =	rddreg [dreg:$0x5]  }
0x31: {  	s6 =	sadd.s32 s24, s6  }
0x32: {  	[tilespmem:s4], [sflag:$0x5] =	stream.linear.gather [hbm4b:s6+s4], $0x800, $0x38;
	[tilespmem:$0x1F800] =	vst v63  }
0x33: {  	_ =	swait.ge [sflag:s10], $0x800  }
0x34: {  	s9 =	rddreg [dreg:$0x6];
	[sflag:s10] =	ssyncset.done $0x0  }
0x35: {  	[sflag:s10] =	ssyncadd.s32 $0xFFFFF800;
	s6 =	sadd.s32 s24, s9  }
0x36: {  	[tilespmem:s11], [sflag:$0x5] =	stream.linear.gather [hbm4b:s6+s4], $0x800, $0x38;
	[tilespmem:$0x1F800] =	vst v63  }
0x37: {  	_ =	swait.ge [sflag:s10], $0x800  }
0x38: {  	[sflag:s10] =	ssyncset.done $0x0  }
0x39: {  	[sflag:s10] =	ssyncadd.s32 $0xFFFFF800  }
0x3a: {  	[tilespmem:s13], [sflag:$0x1] =	stream.indirect.gather [hbm4b:s1+s12], $0x80, s4, s12, $0xb8;
	[tilespmem:$0x1F800] =	vst v63  }
0x3b: {  	_ = 	snop  }
0x3c: {  	[tilespmem:s14], [sflag:$0x2] =	stream.indirect.gather [hbm4b:s1+s12], $0x80, s12, s12, $0xb8;
	[tilespmem:$0x1F800] =	vst v63  }
0x3d: {  	_ =	swait.ge [sflag:s15], $0x4000  }
0x3e: {  	[sflag:s15] =	ssyncset.done $0x0  }
0x3f: {  	[sflag:s15] =	ssyncadd.s32 $0xFFFFC000  }
0x40: {  	[spmem:s3] =	stream.indirect.scatter.add.f32 [tilespmem:s13], [sflag:$0x3], $0x80, s11, s12, $0xb8;
	[tilespmem:$0x1F800] =	vst v63  }
0x41: {  	v2 =	vld [tilespmem:$0x800];
	_ =	sdelay $0x7  }
0x42: {  	[tilespmem:v2+s16+$0x0] =	vst.idx.add.f32.msk $0xffff, v1  }
0x43: {  	v2 =	vld [tilespmem:$0x810];
	_ =	sdelay $0x7  }
0x44: {  	[tilespmem:v2+s16+$0x0] =	vst.idx.add.f32.msk $0xffff, v1  }
0x45: {  	v2 =	vld [tilespmem:$0x820];
	_ =	sdelay $0x7  }
0x46: {  	[tilespmem:v2+s16+$0x0] =	vst.idx.add.f32.msk $0xffff, v1  }
0x47: {  	v2 =	vld [tilespmem:$0x830];
	_ =	sdelay $0x7  }
0x48: {  	[tilespmem:v2+s16+$0x0] =	vst.idx.add.f32.msk $0xffff, v1  }
0x49: {  	v2 =	vld [tilespmem:$0x840];
	_ =	sdelay $0x7  }
0x4a: {  	[tilespmem:v2+s16+$0x0] =	vst.idx.add.f32.msk $0xffff, v1  }
0x4b: {  	v2 =	vld [tilespmem:$0x850];
	_ =	sdelay $0x7  }
0x4c: {  	[tilespmem:v2+s16+$0x0] =	vst.idx.add.f32.msk $0xffff, v1  }
0x4d: {  	v2 =	vld [tilespmem:$0x860];
	_ =	sdelay $0x7  }
0x4e: {  	[tilespmem:v2+s16+$0x0] =	vst.idx.add.f32.msk $0xffff, v1  }
0x4f: {  	v2 =	vld [tilespmem:$0x870];
	_ =	sdelay $0x7  }
0x50: {  	[tilespmem:v2+s16+$0x0] =	vst.idx.add.f32.msk $0xffff, v1  }
0x51: {  	_ =	swait.ge [sflag:s17], $0x4000  }
0x52: {  	[sflag:s17] =	ssyncset.done $0x0  }
0x53: {  	s9 =	rddreg [dreg:$0x7];
	[sflag:s17] =	ssyncadd.s32 $0xFFFFC000  }
0x54: {  	[tilespmem:s13], [sflag:$0x1] =	stream.indirect.gather [hbm4b:s1+s12], $0x80, s9, s12, $0xb8;
	[tilespmem:$0x1F800] =	vst v63  }
0x55: {  	_ =	swait.ge [sflag:s18], $0x4000  }
0x56: {  	[sflag:s18] =	ssyncset.done $0x0  }
0x57: {  	s9 =	rddreg [dreg:$0x8];
	[sflag:s18] =	ssyncadd.s32 $0xFFFFC000  }
0x58: {  	[spmem:s3] =	stream.indirect.scatter.add.f32 [tilespmem:s14], [sflag:$0x4], $0x80, s9, s12, $0xb8;
	[tilespmem:$0x1F800] =	vst v63  }
0x59: {  	v2 =	vld [tilespmem:$0x880];
	_ =	sdelay $0x7  }
0x5a: {  	[tilespmem:v2+s16+$0x0] =	vst.idx.add.f32.msk $0xffff, v1  }
0x5b: {  	v2 =	vld [tilespmem:$0x890];
	_ =	sdelay $0x7  }
0x5c: {  	[tilespmem:v2+s16+$0x0] =	vst.idx.add.f32.msk $0xffff, v1  }
0x5d: {  	v2 =	vld [tilespmem:$0x8A0];
	_ =	sdelay $0x7  }
0x5e: {  	[tilespmem:v2+s16+$0x0] =	vst.idx.add.f32.msk $0xffff, v1  }
0x5f: {  	v2 =	vld [tilespmem:$0x8B0];
	_ =	sdelay $0x7  }
0x60: {  	[tilespmem:v2+s16+$0x0] =	vst.idx.add.f32.msk $0xffff, v1  }
0x61: {  	v2 =	vld [tilespmem:$0x8C0];
	_ =	sdelay $0x7  }
0x62: {  	[tilespmem:v2+s16+$0x0] =	vst.idx.add.f32.msk $0xffff, v1  }
0x63: {  	v2 =	vld [tilespmem:$0x8D0];
	_ =	sdelay $0x7  }
0x64: {  	[tilespmem:v2+s16+$0x0] =	vst.idx.add.f32.msk $0xffff, v1  }
0x65: {  	v2 =	vld [tilespmem:$0x8E0];
	_ =	sdelay $0x7  }
0x66: {  	[tilespmem:v2+s16+$0x0] =	vst.idx.add.f32.msk $0xffff, v1  }
0x67: {  	v2 =	vld [tilespmem:$0x8F0];
	_ =	sdelay $0x7  }
0x68: {  	[tilespmem:v2+s16+$0x0] =	vst.idx.add.f32.msk $0xffff, v1  }
0x69: {  	_ =	swait.ge [sflag:s19], $0x4000  }
0x6a: {  	[sflag:s19] =	ssyncset.done $0x0  }
0x6b: {  	s9 =	rddreg [dreg:$0x9];
	[sflag:s19] =	ssyncadd.s32 $0xFFFFC000  }
0x6c: {  	[tilespmem:s14], [sflag:$0x2] =	stream.indirect.gather [hbm4b:s1+s12], $0x80, s9, s12, $0xb8;
	[tilespmem:$0x1F800] =	vst v63  }
0x6d: {  	_ =	swait.ge [sflag:s15], $0x4000  }
0x6e: {  	[sflag:s15] =	ssyncset.done $0x0  }
0x6f: {  	s9 =	rddreg [dreg:$0xa];
	[sflag:s15] =	ssyncadd.s32 $0xFFFFC000  }
0x70: {  	[spmem:s3] =	stream.indirect.scatter.add.f32 [tilespmem:s13], [sflag:$0x3], $0x80, s9, s12, $0xb8;
	[tilespmem:$0x1F800] =	vst v63  }
0x71: {  	v2 =	vld [tilespmem:$0x900];
	_ =	sdelay $0x7  }
0x72: {  	[tilespmem:v2+s16+$0x0] =	vst.idx.add.f32.msk $0xffff, v1  }
0x73: {  	v2 =	vld [tilespmem:$0x910];
	_ =	sdelay $0x7  }
0x74: {  	[tilespmem:v2+s16+$0x0] =	vst.idx.add.f32.msk $0xffff, v1  }
0x75: {  	v2 =	vld [tilespmem:$0x920];
	_ =	sdelay $0x7  }
0x76: {  	[tilespmem:v2+s16+$0x0] =	vst.idx.add.f32.msk $0xffff, v1  }
0x77: {  	v2 =	vld [tilespmem:$0x930];
	_ =	sdelay $0x7  }
0x78: {  	[tilespmem:v2+s16+$0x0] =	vst.idx.add.f32.msk $0xffff, v1  }
0x79: {  	v2 =	vld [tilespmem:$0x940];
	_ =	sdelay $0x7  }
0x7a: {  	[tilespmem:v2+s16+$0x0] =	vst.idx.add.f32.msk $0xffff, v1  }
0x7b: {  	v2 =	vld [tilespmem:$0x950];
	_ =	sdelay $0x7  }
0x7c: {  	[tilespmem:v2+s16+$0x0] =	vst.idx.add.f32.msk $0xffff, v1  }
0x7d: {  	v2 =	vld [tilespmem:$0x960];
	_ =	sdelay $0x7  }
0x7e: {  	[tilespmem:v2+s16+$0x0] =	vst.idx.add.f32.msk $0xffff, v1  }
0x7f: {  	v2 =	vld [tilespmem:$0x970];
	_ =	sdelay $0x7  }
0x80: {  	[tilespmem:v2+s16+$0x0] =	vst.idx.add.f32.msk $0xffff, v1  }
0x81: {  	_ =	swait.ge [sflag:s17], $0x4000  }
0x82: {  	[sflag:s17] =	ssyncset.done $0x0  }
0x83: {  	s9 =	rddreg [dreg:$0xb];
	[sflag:s17] =	ssyncadd.s32 $0xFFFFC000  }
0x84: {  	[tilespmem:s13], [sflag:$0x1] =	stream.indirect.gather [hbm4b:s1+s12], $0x80, s9, s12, $0xb8;
	[tilespmem:$0x1F800] =	vst v63  }
0x85: {  	_ =	swait.ge [sflag:s18], $0x4000  }
0x86: {  	[sflag:s18] =	ssyncset.done $0x0  }
0x87: {  	s9 =	rddreg [dreg:$0xc];
	[sflag:s18] =	ssyncadd.s32 $0xFFFFC000  }
0x88: {  	[spmem:s3] =	stream.indirect.scatter.add.f32 [tilespmem:s14], [sflag:$0x4], $0x80, s9, s12, $0xb8;
	[tilespmem:$0x1F800] =	vst v63  }
0x89: {  	v2 =	vld [tilespmem:$0x980];
	_ =	sdelay $0x7  }
0x8a: {  	[tilespmem:v2+s16+$0x0] =	vst.idx.add.f32.msk $0xffff, v1  }
0x8b: {  	v2 =	vld [tilespmem:$0x990];
	_ =	sdelay $0x7  }
0x8c: {  	[tilespmem:v2+s16+$0x0] =	vst.idx.add.f32.msk $0xffff, v1  }
0x8d: {  	v2 =	vld [tilespmem:$0x9A0];
	_ =	sdelay $0x7  }
0x8e: {  	[tilespmem:v2+s16+$0x0] =	vst.idx.add.f32.msk $0xffff, v1  }
0x8f: {  	v2 =	vld [tilespmem:$0x9B0];
	_ =	sdelay $0x7  }
0x90: {  	[tilespmem:v2+s16+$0x0] =	vst.idx.add.f32.msk $0xffff, v1  }
0x91: {  	v2 =	vld [tilespmem:$0x9C0];
	_ =	sdelay $0x7  }
0x92: {  	[tilespmem:v2+s16+$0x0] =	vst.idx.add.f32.msk $0xffff, v1  }
0x93: {  	v2 =	vld [tilespmem:$0x9D0];
	_ =	sdelay $0x7  }
0x94: {  	[tilespmem:v2+s16+$0x0] =	vst.idx.add.f32.msk $0xffff, v1  }
0x95: {  	v2 =	vld [tilespmem:$0x9E0];
	_ =	sdelay $0x7  }
0x96: {  	[tilespmem:v2+s16+$0x0] =	vst.idx.add.f32.msk $0xffff, v1  }
0x97: {  	v2 =	vld [tilespmem:$0x9F0];
	_ =	sdelay $0x7  }
0x98: {  	[tilespmem:v2+s16+$0x0] =	vst.idx.add.f32.msk $0xffff, v1  }
0x99: {  	_ =	swait.ge [sflag:s19], $0x4000  }
0x9a: {  	[sflag:s19] =	ssyncset.done $0x0  }
0x9b: {  	s9 =	rddreg [dreg:$0xd];
	[sflag:s19] =	ssyncadd.s32 $0xFFFFC000  }
0x9c: {  	[tilespmem:s14], [sflag:$0x2] =	stream.indirect.gather [hbm4b:s1+s12], $0x80, s9, s12, $0xb8;
	[tilespmem:$0x1F800] =	vst v63  }
0x9d: {  	_ =	swait.ge [sflag:s15], $0x4000  }
0x9e: {  	[sflag:s15] =	ssyncset.done $0x0  }
0x9f: {  	s9 =	rddreg [dreg:$0xe];
	[sflag:s15] =	ssyncadd.s32 $0xFFFFC000  }
0xa0: {  	[spmem:s3] =	stream.indirect.scatter.add.f32 [tilespmem:s13], [sflag:$0x3], $0x80, s9, s12, $0xb8;
	[tilespmem:$0x1F800] =	vst v63  }
0xa1: {  	v2 =	vld [tilespmem:$0xA00];
	_ =	sdelay $0x7  }
0xa2: {  	[tilespmem:v2+s16+$0x0] =	vst.idx.add.f32.msk $0xffff, v1  }
0xa3: {  	v2 =	vld [tilespmem:$0xA10];
	_ =	sdelay $0x7  }
0xa4: {  	[tilespmem:v2+s16+$0x0] =	vst.idx.add.f32.msk $0xffff, v1  }
0xa5: {  	v2 =	vld [tilespmem:$0xA20];
	_ =	sdelay $0x7  }
0xa6: {  	[tilespmem:v2+s16+$0x0] =	vst.idx.add.f32.msk $0xffff, v1  }
0xa7: {  	v2 =	vld [tilespmem:$0xA30];
	_ =	sdelay $0x7  }
0xa8: {  	[tilespmem:v2+s16+$0x0] =	vst.idx.add.f32.msk $0xffff, v1  }
0xa9: {  	v2 =	vld [tilespmem:$0xA40];
	_ =	sdelay $0x7  }
0xaa: {  	[tilespmem:v2+s16+$0x0] =	vst.idx.add.f32.msk $0xffff, v1  }
0xab: {  	v2 =	vld [tilespmem:$0xA50];
	_ =	sdelay $0x7  }
0xac: {  	[tilespmem:v2+s16+$0x0] =	vst.idx.add.f32.msk $0xffff, v1  }
0xad: {  	v2 =	vld [tilespmem:$0xA60];
	_ =	sdelay $0x7  }
0xae: {  	[tilespmem:v2+s16+$0x0] =	vst.idx.add.f32.msk $0xffff, v1  }
0xaf: {  	v2 =	vld [tilespmem:$0xA70];
	_ =	sdelay $0x7  }
0xb0: {  	[tilespmem:v2+s16+$0x0] =	vst.idx.add.f32.msk $0xffff, v1  }
0xb1: {  	_ =	swait.ge [sflag:s17], $0x4000  }
0xb2: {  	[sflag:s17] =	ssyncset.done $0x0  }
0xb3: {  	s9 =	rddreg [dreg:$0xf];
	[sflag:s17] =	ssyncadd.s32 $0xFFFFC000  }
0xb4: {  	[tilespmem:s13], [sflag:$0x1] =	stream.indirect.gather [hbm4b:s1+s12], $0x80, s9, s12, $0xb8;
	[tilespmem:$0x1F800] =	vst v63  }
0xb5: {  	_ =	swait.ge [sflag:s18], $0x4000  }
0xb6: {  	[sflag:s18] =	ssyncset.done $0x0  }
0xb7: {  	s9 =	rddreg [dreg:$0x10];
	[sflag:s18] =	ssyncadd.s32 $0xFFFFC000  }
0xb8: {  	[spmem:s3] =	stream.indirect.scatter.add.f32 [tilespmem:s14], [sflag:$0x4], $0x80, s9, s12, $0xb8;
	[tilespmem:$0x1F800] =	vst v63  }
0xb9: {  	v2 =	vld [tilespmem:$0xA80];
	_ =	sdelay $0x7  }
0xba: {  	[tilespmem:v2+s16+$0x0] =	vst.idx.add.f32.msk $0xffff, v1  }
0xbb: {  	v2 =	vld [tilespmem:$0xA90];
	_ =	sdelay $0x7  }
0xbc: {  	[tilespmem:v2+s16+$0x0] =	vst.idx.add.f32.msk $0xffff, v1  }
0xbd: {  	v2 =	vld [tilespmem:$0xAA0];
	_ =	sdelay $0x7  }
0xbe: {  	[tilespmem:v2+s16+$0x0] =	vst.idx.add.f32.msk $0xffff, v1  }
0xbf: {  	v2 =	vld [tilespmem:$0xAB0];
	_ =	sdelay $0x7  }
0xc0: {  	[tilespmem:v2+s16+$0x0] =	vst.idx.add.f32.msk $0xffff, v1  }
0xc1: {  	v2 =	vld [tilespmem:$0xAC0];
	_ =	sdelay $0x7  }
0xc2: {  	[tilespmem:v2+s16+$0x0] =	vst.idx.add.f32.msk $0xffff, v1  }
0xc3: {  	v2 =	vld [tilespmem:$0xAD0];
	_ =	sdelay $0x7  }
0xc4: {  	[tilespmem:v2+s16+$0x0] =	vst.idx.add.f32.msk $0xffff, v1  }
0xc5: {  	v2 =	vld [tilespmem:$0xAE0];
	_ =	sdelay $0x7  }
0xc6: {  	[tilespmem:v2+s16+$0x0] =	vst.idx.add.f32.msk $0xffff, v1  }
0xc7: {  	v2 =	vld [tilespmem:$0xAF0];
	_ =	sdelay $0x7  }
0xc8: {  	[tilespmem:v2+s16+$0x0] =	vst.idx.add.f32.msk $0xffff, v1  }
0xc9: {  	_ =	swait.ge [sflag:s19], $0x4000  }
0xca: {  	[sflag:s19] =	ssyncset.done $0x0  }
0xcb: {  	s9 =	rddreg [dreg:$0x11];
	[sflag:s19] =	ssyncadd.s32 $0xFFFFC000  }
0xcc: {  	[tilespmem:s14], [sflag:$0x2] =	stream.indirect.gather [hbm4b:s1+s12], $0x80, s9, s12, $0xb8;
	[tilespmem:$0x1F800] =	vst v63  }
0xcd: {  	_ =	swait.ge [sflag:s15], $0x4000  }
0xce: {  	[sflag:s15] =	ssyncset.done $0x0  }
0xcf: {  	s9 =	rddreg [dreg:$0x12];
	[sflag:s15] =	ssyncadd.s32 $0xFFFFC000  }
0xd0: {  	[spmem:s3] =	stream.indirect.scatter.add.f32 [tilespmem:s13], [sflag:$0x3], $0x80, s9, s12, $0xb8;
	[tilespmem:$0x1F800] =	vst v63  }
0xd1: {  	v2 =	vld [tilespmem:$0xB00];
	_ =	sdelay $0x7  }
0xd2: {  	[tilespmem:v2+s16+$0x0] =	vst.idx.add.f32.msk $0xffff, v1  }
0xd3: {  	v2 =	vld [tilespmem:$0xB10];
	_ =	sdelay $0x7  }
0xd4: {  	[tilespmem:v2+s16+$0x0] =	vst.idx.add.f32.msk $0xffff, v1  }
0xd5: {  	v2 =	vld [tilespmem:$0xB20];
	_ =	sdelay $0x7  }
0xd6: {  	[tilespmem:v2+s16+$0x0] =	vst.idx.add.f32.msk $0xffff, v1  }
0xd7: {  	v2 =	vld [tilespmem:$0xB30];
	_ =	sdelay $0x7  }
0xd8: {  	[tilespmem:v2+s16+$0x0] =	vst.idx.add.f32.msk $0xffff, v1  }
0xd9: {  	v2 =	vld [tilespmem:$0xB40];
	_ =	sdelay $0x7  }
0xda: {  	[tilespmem:v2+s16+$0x0] =	vst.idx.add.f32.msk $0xffff, v1  }
0xdb: {  	v2 =	vld [tilespmem:$0xB50];
	_ =	sdelay $0x7  }
0xdc: {  	[tilespmem:v2+s16+$0x0] =	vst.idx.add.f32.msk $0xffff, v1  }
0xdd: {  	v2 =	vld [tilespmem:$0xB60];
	_ =	sdelay $0x7  }
0xde: {  	[tilespmem:v2+s16+$0x0] =	vst.idx.add.f32.msk $0xffff, v1  }
0xdf: {  	v2 =	vld [tilespmem:$0xB70];
	_ =	sdelay $0x7  }
0xe0: {  	[tilespmem:v2+s16+$0x0] =	vst.idx.add.f32.msk $0xffff, v1  }
0xe1: {  	_ =	swait.ge [sflag:s17], $0x4000  }
0xe2: {  	[sflag:s17] =	ssyncset.done $0x0  }
0xe3: {  	[sflag:s17] =	ssyncadd.s32 $0xFFFFC000  }
0xe4: {  	[tilespmem:s13], [sflag:$0x1] =	stream.indirect.gather [hbm4b:s1+s12], $0x80, s20, s12, $0xb8;
	[tilespmem:$0x1F800] =	vst v63  }
0xe5: {  	_ =	swait.ge [sflag:s18], $0x4000  }
0xe6: {  	[sflag:s18] =	ssyncset.done $0x0  }
0xe7: {  	s9 =	rddreg [dreg:$0x13];
	[sflag:s18] =	ssyncadd.s32 $0xFFFFC000  }
0xe8: {  	[spmem:s3] =	stream.indirect.scatter.add.f32 [tilespmem:s14], [sflag:$0x4], $0x80, s9, s12, $0xb8;
	[tilespmem:$0x1F800] =	vst v63  }
0xe9: {  	v2 =	vld [tilespmem:$0xB80];
	_ =	sdelay $0x7  }
0xea: {  	[tilespmem:v2+s16+$0x0] =	vst.idx.add.f32.msk $0xffff, v1  }
0xeb: {  	v2 =	vld [tilespmem:$0xB90];
	_ =	sdelay $0x7  }
0xec: {  	[tilespmem:v2+s16+$0x0] =	vst.idx.add.f32.msk $0xffff, v1  }
0xed: {  	v2 =	vld [tilespmem:$0xBA0];
	_ =	sdelay $0x7  }
0xee: {  	[tilespmem:v2+s16+$0x0] =	vst.idx.add.f32.msk $0xffff, v1  }
0xef: {  	v2 =	vld [tilespmem:$0xBB0];
	_ =	sdelay $0x7  }
0xf0: {  	[tilespmem:v2+s16+$0x0] =	vst.idx.add.f32.msk $0xffff, v1  }
0xf1: {  	v2 =	vld [tilespmem:$0xBC0];
	_ =	sdelay $0x7  }
0xf2: {  	[tilespmem:v2+s16+$0x0] =	vst.idx.add.f32.msk $0xffff, v1  }
0xf3: {  	v2 =	vld [tilespmem:$0xBD0];
	_ =	sdelay $0x7  }
0xf4: {  	[tilespmem:v2+s16+$0x0] =	vst.idx.add.f32.msk $0xffff, v1  }
0xf5: {  	v2 =	vld [tilespmem:$0xBE0];
	_ =	sdelay $0x7  }
0xf6: {  	[tilespmem:v2+s16+$0x0] =	vst.idx.add.f32.msk $0xffff, v1  }
0xf7: {  	v2 =	vld [tilespmem:$0xBF0];
	_ =	sdelay $0x7  }
0xf8: {  	[tilespmem:v2+s16+$0x0] =	vst.idx.add.f32.msk $0xffff, v1  }
0xf9: {  	_ =	swait.ge [sflag:s19], $0x4000  }
0xfa: {  	[sflag:s19] =	ssyncset.done $0x0  }
0xfb: {  	s9 =	rddreg [dreg:$0x14];
	[sflag:s19] =	ssyncadd.s32 $0xFFFFC000  }
0xfc: {  	[tilespmem:s14], [sflag:$0x2] =	stream.indirect.gather [hbm4b:s1+s12], $0x80, s9, s12, $0xb8;
	[tilespmem:$0x1F800] =	vst v63  }
0xfd: {  	_ =	swait.ge [sflag:s15], $0x4000  }
0xfe: {  	[sflag:s15] =	ssyncset.done $0x0  }
0xff: {  	s9 =	rddreg [dreg:$0x15];
	[sflag:s15] =	ssyncadd.s32 $0xFFFFC000  }
0x100: {  	[spmem:s3] =	stream.indirect.scatter.add.f32 [tilespmem:s13], [sflag:$0x3], $0x80, s9, s12, $0xb8;
	[tilespmem:$0x1F800] =	vst v63  }
0x101: {  	v2 =	vld [tilespmem:$0xC00];
	_ =	sdelay $0x7  }
0x102: {  	[tilespmem:v2+s16+$0x0] =	vst.idx.add.f32.msk $0xffff, v1  }
0x103: {  	v2 =	vld [tilespmem:$0xC10];
	_ =	sdelay $0x7  }
0x104: {  	[tilespmem:v2+s16+$0x0] =	vst.idx.add.f32.msk $0xffff, v1  }
0x105: {  	v2 =	vld [tilespmem:$0xC20];
	_ =	sdelay $0x7  }
0x106: {  	[tilespmem:v2+s16+$0x0] =	vst.idx.add.f32.msk $0xffff, v1  }
0x107: {  	v2 =	vld [tilespmem:$0xC30];
	_ =	sdelay $0x7  }
0x108: {  	[tilespmem:v2+s16+$0x0] =	vst.idx.add.f32.msk $0xffff, v1  }
0x109: {  	v2 =	vld [tilespmem:$0xC40];
	_ =	sdelay $0x7  }
0x10a: {  	[tilespmem:v2+s16+$0x0] =	vst.idx.add.f32.msk $0xffff, v1  }
0x10b: {  	v2 =	vld [tilespmem:$0xC50];
	_ =	sdelay $0x7  }
0x10c: {  	[tilespmem:v2+s16+$0x0] =	vst.idx.add.f32.msk $0xffff, v1  }
0x10d: {  	v2 =	vld [tilespmem:$0xC60];
	_ =	sdelay $0x7  }
0x10e: {  	[tilespmem:v2+s16+$0x0] =	vst.idx.add.f32.msk $0xffff, v1  }
0x10f: {  	v2 =	vld [tilespmem:$0xC70];
	_ =	sdelay $0x7  }
0x110: {  	[tilespmem:v2+s16+$0x0] =	vst.idx.add.f32.msk $0xffff, v1  }
0x111: {  	_ =	swait.ge [sflag:s17], $0x4000  }
0x112: {  	[sflag:s17] =	ssyncset.done $0x0  }
0x113: {  	[sflag:s17] =	ssyncadd.s32 $0xFFFFC000  }
0x114: {  	[tilespmem:s13], [sflag:$0x1] =	stream.indirect.gather [hbm4b:s1+s12], $0x80, s21, s12, $0xb8;
	[tilespmem:$0x1F800] =	vst v63  }
0x115: {  	_ =	swait.ge [sflag:s18], $0x4000  }
0x116: {  	[sflag:s18] =	ssyncset.done $0x0  }
0x117: {  	[sflag:s18] =	ssyncadd.s32 $0xFFFFC000  }
0x118: {  	[spmem:s3] =	stream.indirect.scatter.add.f32 [tilespmem:s14], [sflag:$0x4], $0x80, s22, s12, $0xb8;
	[tilespmem:$0x1F800] =	vst v63  }
0x119: {  	v2 =	vld [tilespmem:$0xC80];
	_ =	sdelay $0x7  }
0x11a: {  	[tilespmem:v2+s16+$0x0] =	vst.idx.add.f32.msk $0xffff, v1  }
0x11b: {  	v2 =	vld [tilespmem:$0xC90];
	_ =	sdelay $0x7  }
0x11c: {  	[tilespmem:v2+s16+$0x0] =	vst.idx.add.f32.msk $0xffff, v1  }
0x11d: {  	v2 =	vld [tilespmem:$0xCA0];
	_ =	sdelay $0x7  }
0x11e: {  	[tilespmem:v2+s16+$0x0] =	vst.idx.add.f32.msk $0xffff, v1  }
0x11f: {  	v2 =	vld [tilespmem:$0xCB0];
	_ =	sdelay $0x7  }
0x120: {  	[tilespmem:v2+s16+$0x0] =	vst.idx.add.f32.msk $0xffff, v1  }
0x121: {  	v2 =	vld [tilespmem:$0xCC0];
	_ =	sdelay $0x7  }
0x122: {  	[tilespmem:v2+s16+$0x0] =	vst.idx.add.f32.msk $0xffff, v1  }
0x123: {  	v2 =	vld [tilespmem:$0xCD0];
	_ =	sdelay $0x7  }
0x124: {  	[tilespmem:v2+s16+$0x0] =	vst.idx.add.f32.msk $0xffff, v1  }
0x125: {  	v2 =	vld [tilespmem:$0xCE0];
	_ =	sdelay $0x7  }
0x126: {  	[tilespmem:v2+s16+$0x0] =	vst.idx.add.f32.msk $0xffff, v1  }
0x127: {  	v2 =	vld [tilespmem:$0xCF0];
	_ =	sdelay $0x7  }
0x128: {  	[tilespmem:v2+s16+$0x0] =	vst.idx.add.f32.msk $0xffff, v1  }
0x129: {  	_ =	swait.ge [sflag:s19], $0x4000  }
0x12a: {  	[sflag:s19] =	ssyncset.done $0x0  }
0x12b: {  	[sflag:s19] =	ssyncadd.s32 $0xFFFFC000  }
0x12c: {  	[tilespmem:s14], [sflag:$0x2] =	stream.indirect.gather [hbm4b:s1+s12], $0x80, s23, s12, $0xb8;
	[tilespmem:$0x1F800] =	vst v63  }
0x12d: {  	_ =	swait.ge [sflag:s15], $0x4000  }
0x12e: {  	[sflag:s15] =	ssyncset.done $0x0  }
0x12f: {  	[sflag:s15] =	ssyncadd.s32 $0xFFFFC000  }
0x130: {  	[spmem:s3] =	stream.indirect.scatter.add.f32 [tilespmem:s13], [sflag:$0x3], $0x80, s25, s12, $0xb8;
	[tilespmem:$0x1F800] =	vst v63  }
0x131: {  	v2 =	vld [tilespmem:$0xD00];
	_ =	sdelay $0x7  }
0x132: {  	[tilespmem:v2+s16+$0x0] =	vst.idx.add.f32.msk $0xffff, v1  }
0x133: {  	v2 =	vld [tilespmem:$0xD10];
	_ =	sdelay $0x7  }
0x134: {  	[tilespmem:v2+s16+$0x0] =	vst.idx.add.f32.msk $0xffff, v1  }
0x135: {  	v2 =	vld [tilespmem:$0xD20];
	_ =	sdelay $0x7  }
0x136: {  	[tilespmem:v2+s16+$0x0] =	vst.idx.add.f32.msk $0xffff, v1  }
0x137: {  	v2 =	vld [tilespmem:$0xD30];
	_ =	sdelay $0x7  }
0x138: {  	[tilespmem:v2+s16+$0x0] =	vst.idx.add.f32.msk $0xffff, v1  }
0x139: {  	v2 =	vld [tilespmem:$0xD40];
	_ =	sdelay $0x7  }
0x13a: {  	[tilespmem:v2+s16+$0x0] =	vst.idx.add.f32.msk $0xffff, v1  }
0x13b: {  	v2 =	vld [tilespmem:$0xD50];
	_ =	sdelay $0x7  }
0x13c: {  	[tilespmem:v2+s16+$0x0] =	vst.idx.add.f32.msk $0xffff, v1  }
0x13d: {  	v2 =	vld [tilespmem:$0xD60];
	_ =	sdelay $0x7  }
0x13e: {  	[tilespmem:v2+s16+$0x0] =	vst.idx.add.f32.msk $0xffff, v1  }
0x13f: {  	v2 =	vld [tilespmem:$0xD70];
	_ =	sdelay $0x7  }
0x140: {  	[tilespmem:v2+s16+$0x0] =	vst.idx.add.f32.msk $0xffff, v1  }
0x141: {  	_ =	swait.ge [sflag:s17], $0x4000  }
0x142: {  	[sflag:s17] =	ssyncset.done $0x0  }
0x143: {  	[sflag:s17] =	ssyncadd.s32 $0xFFFFC000  }
0x144: {  	[tilespmem:s13], [sflag:$0x1] =	stream.indirect.gather [hbm4b:s1+s12], $0x80, s26, s12, $0xb8;
	[tilespmem:$0x1F800] =	vst v63  }
0x145: {  	_ =	swait.ge [sflag:s18], $0x4000  }
0x146: {  	[sflag:s18] =	ssyncset.done $0x0  }
0x147: {  	[sflag:s18] =	ssyncadd.s32 $0xFFFFC000  }
0x148: {  	[spmem:s3] =	stream.indirect.scatter.add.f32 [tilespmem:s14], [sflag:$0x4], $0x80, s28, s12, $0xb8;
	[tilespmem:$0x1F800] =	vst v63  }
0x149: {  	v2 =	vld [tilespmem:$0xD80];
	_ =	sdelay $0x7  }
0x14a: {  	[tilespmem:v2+s16+$0x0] =	vst.idx.add.f32.msk $0xffff, v1  }
0x14b: {  	v2 =	vld [tilespmem:$0xD90];
	_ =	sdelay $0x7  }
0x14c: {  	[tilespmem:v2+s16+$0x0] =	vst.idx.add.f32.msk $0xffff, v1  }
0x14d: {  	v2 =	vld [tilespmem:$0xDA0];
	_ =	sdelay $0x7  }
0x14e: {  	[tilespmem:v2+s16+$0x0] =	vst.idx.add.f32.msk $0xffff, v1  }
0x14f: {  	v2 =	vld [tilespmem:$0xDB0];
	_ =	sdelay $0x7  }
0x150: {  	[tilespmem:v2+s16+$0x0] =	vst.idx.add.f32.msk $0xffff, v1  }
0x151: {  	v2 =	vld [tilespmem:$0xDC0];
	_ =	sdelay $0x7  }
0x152: {  	[tilespmem:v2+s16+$0x0] =	vst.idx.add.f32.msk $0xffff, v1  }
0x153: {  	v2 =	vld [tilespmem:$0xDD0];
	_ =	sdelay $0x7  }
0x154: {  	[tilespmem:v2+s16+$0x0] =	vst.idx.add.f32.msk $0xffff, v1  }
0x155: {  	v2 =	vld [tilespmem:$0xDE0];
	_ =	sdelay $0x7  }
0x156: {  	[tilespmem:v2+s16+$0x0] =	vst.idx.add.f32.msk $0xffff, v1  }
0x157: {  	v2 =	vld [tilespmem:$0xDF0];
	_ =	sdelay $0x7  }
0x158: {  	[tilespmem:v2+s16+$0x0] =	vst.idx.add.f32.msk $0xffff, v1  }
0x159: {  	_ =	swait.ge [sflag:s19], $0x4000  }
0x15a: {  	[sflag:s19] =	ssyncset.done $0x0  }
0x15b: {  	[sflag:s19] =	ssyncadd.s32 $0xFFFFC000  }
0x15c: {  	[tilespmem:s14], [sflag:$0x2] =	stream.indirect.gather [hbm4b:s1+s12], $0x80, s29, s12, $0xb8;
	[tilespmem:$0x1F800] =	vst v63  }
0x15d: {  	_ =	swait.ge [sflag:s15], $0x4000  }
0x15e: {  	[sflag:s15] =	ssyncset.done $0x0  }
0x15f: {  	[sflag:s15] =	ssyncadd.s32 $0xFFFFC000  }
0x160: {  	[spmem:s3] =	stream.indirect.scatter.add.f32 [tilespmem:s13], [sflag:$0x3], $0x80, s30, s12, $0xb8;
	[tilespmem:$0x1F800] =	vst v63  }
0x161: {  	v2 =	vld [tilespmem:$0xE00];
	_ =	sdelay $0x7  }
0x162: {  	[tilespmem:v2+s16+$0x0] =	vst.idx.add.f32.msk $0xffff, v1  }
0x163: {  	v2 =	vld [tilespmem:$0xE10];
	_ =	sdelay $0x7  }
0x164: {  	[tilespmem:v2+s16+$0x0] =	vst.idx.add.f32.msk $0xffff, v1  }
0x165: {  	v2 =	vld [tilespmem:$0xE20];
	_ =	sdelay $0x7  }
0x166: {  	[tilespmem:v2+s16+$0x0] =	vst.idx.add.f32.msk $0xffff, v1  }
0x167: {  	v2 =	vld [tilespmem:$0xE30];
	_ =	sdelay $0x7  }
0x168: {  	[tilespmem:v2+s16+$0x0] =	vst.idx.add.f32.msk $0xffff, v1  }
0x169: {  	v2 =	vld [tilespmem:$0xE40];
	_ =	sdelay $0x7  }
0x16a: {  	[tilespmem:v2+s16+$0x0] =	vst.idx.add.f32.msk $0xffff, v1  }
0x16b: {  	v2 =	vld [tilespmem:$0xE50];
	_ =	sdelay $0x7  }
0x16c: {  	[tilespmem:v2+s16+$0x0] =	vst.idx.add.f32.msk $0xffff, v1  }
0x16d: {  	v2 =	vld [tilespmem:$0xE60];
	_ =	sdelay $0x7  }
0x16e: {  	[tilespmem:v2+s16+$0x0] =	vst.idx.add.f32.msk $0xffff, v1  }
0x16f: {  	v2 =	vld [tilespmem:$0xE70];
	_ =	sdelay $0x7  }
0x170: {  	[tilespmem:v2+s16+$0x0] =	vst.idx.add.f32.msk $0xffff, v1  }
0x171: {  	_ =	swait.ge [sflag:s17], $0x4000  }
0x172: {  	[sflag:s17] =	ssyncset.done $0x0  }
0x173: {  	[sflag:s17] =	ssyncadd.s32 $0xFFFFC000  }
0x174: {  	[tilespmem:s13], [sflag:$0x1] =	stream.indirect.gather [hbm4b:s1+s12], $0x80, s31, s12, $0xb8;
	[tilespmem:$0x1F800] =	vst v63  }
0x175: {  	_ =	swait.ge [sflag:s18], $0x4000  }
0x176: {  	[sflag:s18] =	ssyncset.done $0x0  }
0x177: {  	[sflag:s18] =	ssyncadd.s32 $0xFFFFC000  }
0x178: {  	[spmem:s3] =	stream.indirect.scatter.add.f32 [tilespmem:s14], [sflag:$0x4], $0x80, s2, s12, $0xb8;
	[tilespmem:$0x1F800] =	vst v63  }
0x179: {  	v2 =	vld [tilespmem:$0xE80];
	_ =	sdelay $0x7  }
0x17a: {  	[tilespmem:v2+s16+$0x0] =	vst.idx.add.f32.msk $0xffff, v1  }
0x17b: {  	v2 =	vld [tilespmem:$0xE90];
	_ =	sdelay $0x7  }
0x17c: {  	[tilespmem:v2+s16+$0x0] =	vst.idx.add.f32.msk $0xffff, v1  }
0x17d: {  	v2 =	vld [tilespmem:$0xEA0];
	_ =	sdelay $0x7  }
0x17e: {  	[tilespmem:v2+s16+$0x0] =	vst.idx.add.f32.msk $0xffff, v1  }
0x17f: {  	v2 =	vld [tilespmem:$0xEB0];
	_ =	sdelay $0x7  }
0x180: {  	[tilespmem:v2+s16+$0x0] =	vst.idx.add.f32.msk $0xffff, v1  }
0x181: {  	v2 =	vld [tilespmem:$0xEC0];
	_ =	sdelay $0x7  }
0x182: {  	[tilespmem:v2+s16+$0x0] =	vst.idx.add.f32.msk $0xffff, v1  }
0x183: {  	v2 =	vld [tilespmem:$0xED0];
	_ =	sdelay $0x7  }
0x184: {  	[tilespmem:v2+s16+$0x0] =	vst.idx.add.f32.msk $0xffff, v1  }
0x185: {  	v2 =	vld [tilespmem:$0xEE0];
	_ =	sdelay $0x7  }
0x186: {  	[tilespmem:v2+s16+$0x0] =	vst.idx.add.f32.msk $0xffff, v1  }
0x187: {  	v2 =	vld [tilespmem:$0xEF0];
	_ =	sdelay $0x7  }
0x188: {  	[tilespmem:v2+s16+$0x0] =	vst.idx.add.f32.msk $0xffff, v1  }
0x189: {  	_ =	swait.ge [sflag:s19], $0x4000  }
0x18a: {  	[sflag:s19] =	ssyncset.done $0x0  }
0x18b: {  	[sflag:s19] =	ssyncadd.s32 $0xFFFFC000  }
0x18c: {  	[tilespmem:s14], [sflag:$0x2] =	stream.indirect.gather [hbm4b:s1+s12], $0x80, s0, s12, $0xb8;
	[tilespmem:$0x1F800] =	vst v63  }
0x18d: {  	_ =	swait.ge [sflag:s15], $0x4000  }
0x18e: {  	[sflag:s15] =	ssyncset.done $0x0  }
0x18f: {  	[sflag:s15] =	ssyncadd.s32 $0xFFFFC000  }
0x190: {  	[spmem:s3] =	stream.indirect.scatter.add.f32 [tilespmem:s13], [sflag:$0x3], $0x80, s5, s12, $0xb8;
	[tilespmem:$0x1F800] =	vst v63  }
0x191: {  	v2 =	vld [tilespmem:$0xF00];
	_ =	sdelay $0x7  }
0x192: {  	[tilespmem:v2+s16+$0x0] =	vst.idx.add.f32.msk $0xffff, v1  }
0x193: {  	v2 =	vld [tilespmem:$0xF10];
	_ =	sdelay $0x7  }
0x194: {  	[tilespmem:v2+s16+$0x0] =	vst.idx.add.f32.msk $0xffff, v1  }
0x195: {  	v2 =	vld [tilespmem:$0xF20];
	_ =	sdelay $0x7  }
0x196: {  	[tilespmem:v2+s16+$0x0] =	vst.idx.add.f32.msk $0xffff, v1  }
0x197: {  	v2 =	vld [tilespmem:$0xF30];
	_ =	sdelay $0x7  }
0x198: {  	[tilespmem:v2+s16+$0x0] =	vst.idx.add.f32.msk $0xffff, v1  }
0x199: {  	v2 =	vld [tilespmem:$0xF40];
	_ =	sdelay $0x7  }
0x19a: {  	[tilespmem:v2+s16+$0x0] =	vst.idx.add.f32.msk $0xffff, v1  }
0x19b: {  	v2 =	vld [tilespmem:$0xF50];
	_ =	sdelay $0x7  }
0x19c: {  	[tilespmem:v2+s16+$0x0] =	vst.idx.add.f32.msk $0xffff, v1  }
0x19d: {  	v2 =	vld [tilespmem:$0xF60];
	_ =	sdelay $0x7  }
0x19e: {  	[tilespmem:v2+s16+$0x0] =	vst.idx.add.f32.msk $0xffff, v1  }
0x19f: {  	v2 =	vld [tilespmem:$0xF70];
	_ =	sdelay $0x7  }
0x1a0: {  	[tilespmem:v2+s16+$0x0] =	vst.idx.add.f32.msk $0xffff, v1  }
0x1a1: {  	_ =	swait.ge [sflag:s17], $0x4000  }
0x1a2: {  	[sflag:s17] =	ssyncset.done $0x0  }
0x1a3: {  	[sflag:s17] =	ssyncadd.s32 $0xFFFFC000  }
0x1a4: {  	_ =	swait.ge [sflag:s18], $0x4000  }
0x1a5: {  	[sflag:s18] =	ssyncset.done $0x0  }
0x1a6: {  	[sflag:s18] =	ssyncadd.s32 $0xFFFFC000  }
0x1a7: {  	[spmem:s3] =	stream.indirect.scatter.add.f32 [tilespmem:s14], [sflag:$0x4], $0x80, s7, s12, $0xb8;
	[tilespmem:$0x1F800] =	vst v63  }
0x1a8: {  	v2 =	vld [tilespmem:$0xF80];
	_ =	sdelay $0x7  }
0x1a9: {  	[tilespmem:v2+s16+$0x0] =	vst.idx.add.f32.msk $0xffff, v1  }
0x1aa: {  	v2 =	vld [tilespmem:$0xF90];
	_ =	sdelay $0x7  }
0x1ab: {  	[tilespmem:v2+s16+$0x0] =	vst.idx.add.f32.msk $0xffff, v1  }
0x1ac: {  	v2 =	vld [tilespmem:$0xFA0];
	_ =	sdelay $0x7  }
0x1ad: {  	[tilespmem:v2+s16+$0x0] =	vst.idx.add.f32.msk $0xffff, v1  }
0x1ae: {  	v2 =	vld [tilespmem:$0xFB0];
	_ =	sdelay $0x7  }
0x1af: {  	[tilespmem:v2+s16+$0x0] =	vst.idx.add.f32.msk $0xffff, v1  }
0x1b0: {  	v2 =	vld [tilespmem:$0xFC0];
	_ =	sdelay $0x7  }
0x1b1: {  	[tilespmem:v2+s16+$0x0] =	vst.idx.add.f32.msk $0xffff, v1  }
0x1b2: {  	v2 =	vld [tilespmem:$0xFD0];
	_ =	sdelay $0x7  }
0x1b3: {  	[tilespmem:v2+s16+$0x0] =	vst.idx.add.f32.msk $0xffff, v1  }
0x1b4: {  	v2 =	vld [tilespmem:$0xFE0];
	_ =	sdelay $0x7  }
0x1b5: {  	[tilespmem:v2+s16+$0x0] =	vst.idx.add.f32.msk $0xffff, v1  }
0x1b6: {  	v2 =	vld [tilespmem:$0xFF0];
	_ =	sdelay $0x5  }
0x1b7: {  	p0 =	sne.s32 s24, $0x900  }
.Ltmp1:
0x1b8: {  	_ = 	snop;
	(pc) =	sbr.rel @p0 .LBB2_4-.Ltmp1, $4  }
0x1b9: {  	[tilespmem:v2+s16+$0x0] =	vst.idx.add.f32.msk $0xffff, v1  }
0x1ba: {  	_ =	swait.ge [sflag:s19], $0x4000  }
0x1bb: {  	[sflag:s19] =	ssyncset.done $0x0  }
0x1bc: {  	s24 =	sadd.s32 $0x100, s24;
	[sflag:s19] =	ssyncadd.s32 $0xFFFFC000  }
0x1bd: {  	[bflag:$0x0] =	sbarrier.arrive $0xFFFF  }
0x1be: {  	s24 =	rddreg [dreg:$0x19]  }
0x1bf: {  	s9 =	rddreg [dreg:$0x1a]  }
0x1c0: {  	s6 =	rddreg [dreg:$0x1b]  }
0x1c1: {  	[hbm:s6], [sflag:s24] =	dma.local [spmem:s9], $0x2800  }
0x1c2: {  	_ =	swait.ge [sflag:s10], $0x2800  }
0x1c3: {  	[sflag:s10] =	ssyncset.done $0x0  }
0x1c4: {  	s6 =	rddreg [dreg:$0x17];
	[sflag:s10] =	ssyncadd.s32 $0xFFFFD800  }
0x1c5: {  	[hbm4b:s6+s12] =	stream.strided.scatter [tilespmem:s16], [sflag:$0x5], $0x2800, s20, s12, $0x38;
	[tilespmem:$0x1F800] =	vst v63  }
0x1c6: {  	_ =	swait.ge [sflag:s10], $0x2800  }
0x1c7: {  	s8 =	sadd.s32 $0x1, s8;
	s6 =	rddreg [dreg:$0x18]  }
0x1c8: {  	p0 =	sne.s32 s8, s6  }
.Ltmp2:
0x1c9: {  	_ = 	snop;
	(pc) =	sbr.rel @p0 .LBB2_1-.Ltmp2, $3  }
0x1ca: {  	_ =	sdelay $0x1  }
0x1cb: {  	[sflag:s10] =	ssyncset.done $0x0  }
0x1cc: {  	[sflag:s10] =	ssyncadd.s32 $0xFFFFD800  }
0x1cd: {  	_ =	sfence.sel $0x180000  }
0x1ce: {  	[bflag:$0x0] =	sbarrier.arrive $0xFFFF  }
0x1cf: {  	_ =	strace $0x90000047  }
0x1d0: {  	s0 =	stileid.u32;
	[bflag:$0x2] =	sbarrier.arrive $0xFFFF  }
0x1d1: {  	p0 =	sne.s32 s0, $0x0;
	s0 =	rddreg [dreg:$0x4]  }
0x1d2: {  	s0 =	sadd.s32 @!p0 $0x100000, s0  }
0x1d3: {  	[sflag:s0] =	ssyncadd.tile.s32 @!p0 $0x1;
	_ =	shalt  }
.Lfunc_end2:
_tile_overlayer_lowered:
.L_overlay_start_2:
0x1d4: {  	(tag) =	ssettag $0x2  }
0x1d5: {  	s0 =	rddreg [dreg:$0x0];
	s2 =	stileid.u32  }
0x1d6: {  	s1 =	rddreg [dreg:$0x1];
	p0 =	sne.s32 s2, $0x0  }
0x1d7: {  	s3 =	rddreg [dreg:$0x2];
	[bflag:$0x3] =	sbarrier.arrive $0xFFFF;
	s2 =	simm.s32 @!p0 $0x1C05  }
0x1d8: {  	[timem:s3], [sflag:s2] =	dma.local @!p0 [hbm:s0], s1  }
0x1d9: {  	s0 =	simm.s32 @!p0 $0x5  }
0x1da: {  	_ =	swait.ge @!p0 [sflag:s0], s1  }
0x1db: {  	s1 =	ssub.s32 @!p0 $0x0, s1;
	[sflag:s0] =	ssyncset.done @!p0 $0x0  }
0x1dc: {  	[sflag:s0] =	ssyncadd.s32 @!p0 s1  }
0x1dd: {  	[bflag:$0x3] =	sbarrier.arrive $0xFFFF  }
0x1de: {  	_ =	shalt  }

// kernel: kernel.9.cloned.1.call-start
scs
__scs_entry_jumppad:
0x0: {  	(pc) =	sbr.rel $0x88, $3  }
0x1: {  	(tag) =	ssettag $0x0;
	lr =	simm.s32 $0x1  }
0x2: {  	[smem:$0x3F99] =	sst lr;
	_ =	strace $0xD0000000  }
0x3: {  	_ = 	snop  }
0x4: {  	_ = 	snop  }
0x5: {  	_ = 	snop  }
0x6: {  	_ = 	snop  }
0x7: {  	_ = 	snop  }
__scs_overlays_trampoline_lowered:
0x8: {  	[smem:$0x3FA8] =	sst s0  }
0x9: {  	[smem:$0x3FA9] =	sst s1  }
0xa: {  	[smem:$0x3FAA] =	sst s2  }
0xb: {  	[smem:$0x3FAB] =	sst s3  }
0xc: {  	[smem:$0x3FAC] =	sst s4  }
0xd: {  	[smem:$0x3FAD] =	sst s5  }
0xe: {  	[smem:$0x3FAE] =	sst s6  }
0xf: {  	[smem:$0x3FAF] =	sst s7  }
0x10: {  	[smem:$0x3FB0] =	sst s8  }
0x11: {  	[smem:$0x3FB1] =	sst s9;
	s0 =	simm.s32 @!p0 $0x0  }
0x12: {  	s1 =	sld [smem:$0x3F97];
	s0 =	simm.s32 @p0 $0x1  }
0x13: {  	[smem:$0x3FB2] =	sst s0;
	s0 =	simm.s32 @!p1 $0x0  }
0x14: {  	s2 =	sld [smem:$0x3F96];
	s0 =	simm.s32 @p1 $0x1  }
0x15: {  	[smem:$0x3FB3] =	sst s0;
	s0 =	simm.s32 @!p2 $0x0  }
0x16: {  	s3 =	sld [smem:$0x3FDB];
	s0 =	simm.s32 @p2 $0x1  }
0x17: {  	s4 =	simm.s32 $0x1BF5;
	[smem:$0x3FB5] =	sst s0  }
0x18: {  	s0 =	sld [smem:$0x3F98];
	_ =	swait.ge [sflag:s4], $0x0  }
0x19: {  	s7 =	sld [smem:$0x3F99]  }
0x1a: {  	s8 =	sadd.s32 $0xFFFFE003, lr  }
0x1b: {  	s9 =	sadd.s32 $0xFFFFFEF7, lr;
	s5 =	simm.s32 $0xFFFFFFFF;
	p2 =	slt.u32 s8, $0xFFFFF086  }
0x1c: {  	p1 =	slt.u32 s9, $0xF7A;
	s5 =	simm.s32 @!p2 $0x0  }
0x1d: {  	s5 =	simm.s32 @p1 $0x1;
	p0 =	seq.s32 s7, s2  }
0x1e: {  	s7 =	smul.u32 @!p0 $0xF7A, s2;
	p2 =	seq.s32 @!p0 s5, $0x0  }
0x1f: {  	s9 =	smul.u32 $0xF7A, s1;
	s8 =	simm.s32 @!p0 $0x1BF5;
	p2 =	por !p2, p0  }
0x20: {  	[sflag:s8] =	ssyncset.s32 @!p0 $0xFFFFF086;
	s6 =	sadd.s32 @!p0 s3, s7;
	s7 =	simm.s32 @!p0 $0x108  }
0x21: {  	s3 =	sadd.s32 s3, s9;
	s6 =	sadd.s32 @!p0 $0x88, s6;
	s7 =	simm.s32 @p2 $0x1082  }
0x22: {  	[simem:s7], [sflag:s8] =	dma.local @!p0 [hbm:s6], $0xF7A  }
0x23: {  	s9 =	sor.u32 $0xD0000000, s2;
	s6 =	simm.s32 $0x108;
	_ =	swait.ge @!p0 [sflag:s8], $0x0  }
0x24: {  	s3 =	sadd.s32 $0x88, s3;
	s6 =	simm.s32 @!p1 $0x1082;
	[sflag:s4] =	ssyncset.s32 $0xFFFFF086  }
0x25: {  	[simem:s6], [sflag:s4] =	dma.local [hbm:s3], $0xF7A  }
0x26: {  	[smem:$0x3F99] =	sst s1;
	(tag) =	ssettag s2;
	_ =	strace s9  }
0x27: {  	s1 =	sld [smem:$0x3FA9]  }
0x28: {  	s2 =	sld [smem:$0x3FAA]  }
0x29: {  	s4 =	sld [smem:$0x3FAC]  }
0x2a: {  	p0 =	seq.s32 s5, $0x0;
	s5 =	sld [smem:$0x3FAD]  }
0x2b: {  	s6 =	sld [smem:$0x3FAE]  }
0x2c: {  	s7 =	sld [smem:$0x3FAF]  }
0x2d: {  	s3 =	simm.s32 $0x108;
	s8 =	sld [smem:$0x3FB0]  }
0x2e: {  	s3 =	simm.s32 @!p0 $0x1082;
	s9 =	sld [smem:$0x3FB1]  }
0x2f: {  	lr =	sadd.s32 s0, s3;
	s0 =	sld [smem:$0x3FA8]  }
0x30: {  	s3 =	sld [smem:$0x3FAB]  }
0x31: {  	[smem:$0x3FB4] =	sst s10  }
0x32: {  	s10 =	sld [smem:$0x3FB2];
	_ =	sdelay $0x3  }
0x33: {  	p0 =	seq.s32 s10, $0x1;
	s10 =	sld [smem:$0x3FB4];
	_ =	sdelay $0x3  }
0x34: {  	[smem:$0x3FB4] =	sst s10  }
0x35: {  	s10 =	sld [smem:$0x3FB3];
	_ =	sdelay $0x3  }
0x36: {  	p1 =	seq.s32 s10, $0x1;
	s10 =	sld [smem:$0x3FB4];
	_ =	sdelay $0x3  }
0x37: {  	[smem:$0x3FB4] =	sst s10  }
0x38: {  	s10 =	sld [smem:$0x3FB5]  }
0x39: {  	_ = 	snop;
	(pc) =	sbr.ind lr, $3  }
0x3a: {  	_ = 	snop  }
0x3b: {  	_ = 	snop  }
0x3c: {  	p2 =	seq.s32 s10, $0x1;
	s10 =	sld [smem:$0x3FB4]  }
0x3d: {  	_ =	shalt  }
0x3e: {  	_ =	shalt  }
0x3f: {  	_ =	shalt  }
0x40: {  	_ =	shalt  }
0x41: {  	_ =	shalt  }
0x42: {  	_ =	shalt  }
0x43: {  	_ =	shalt  }
0x44: {  	_ =	shalt  }
0x45: {  	_ =	shalt  }
0x46: {  	_ =	shalt  }
0x47: {  	_ =	shalt  }
0x48: {  	_ =	shalt  }
0x49: {  	_ =	shalt  }
0x4a: {  	_ =	shalt  }
0x4b: {  	_ =	shalt  }
0x4c: {  	_ =	shalt  }
0x4d: {  	_ =	shalt  }
0x4e: {  	_ =	shalt  }
0x4f: {  	_ =	shalt  }
0x50: {  	_ =	shalt  }
0x51: {  	_ =	shalt  }
0x52: {  	_ =	shalt  }
0x53: {  	_ =	shalt  }
0x54: {  	_ =	shalt  }
0x55: {  	_ =	shalt  }
0x56: {  	_ =	shalt  }
0x57: {  	_ =	shalt  }
0x58: {  	_ =	shalt  }
0x59: {  	_ =	shalt  }
0x5a: {  	_ =	shalt  }
0x5b: {  	_ =	shalt  }
0x5c: {  	_ =	shalt  }
0x5d: {  	_ =	shalt  }
0x5e: {  	_ =	shalt  }
0x5f: {  	_ =	shalt  }
0x60: {  	_ =	shalt  }
0x61: {  	_ =	shalt  }
0x62: {  	_ =	shalt  }
0x63: {  	_ =	shalt  }
0x64: {  	_ =	shalt  }
0x65: {  	_ =	shalt  }
0x66: {  	_ =	shalt  }
0x67: {  	_ =	shalt  }
0x68: {  	_ =	shalt  }
0x69: {  	_ =	shalt  }
0x6a: {  	_ =	shalt  }
0x6b: {  	_ =	shalt  }
0x6c: {  	_ =	shalt  }
0x6d: {  	_ =	shalt  }
0x6e: {  	_ =	shalt  }
0x6f: {  	_ =	shalt  }
0x70: {  	_ =	shalt  }
0x71: {  	_ =	shalt  }
0x72: {  	_ =	shalt  }
0x73: {  	_ =	shalt  }
0x74: {  	_ =	shalt  }
0x75: {  	_ =	shalt  }
0x76: {  	_ =	shalt  }
0x77: {  	_ =	shalt  }
0x78: {  	_ =	shalt  }
0x79: {  	_ =	shalt  }
0x7a: {  	_ =	shalt  }
0x7b: {  	_ =	shalt  }
0x7c: {  	_ =	shalt  }
0x7d: {  	_ =	shalt  }
0x7e: {  	_ =	shalt  }
0x7f: {  	_ =	shalt  }
0x80: {  	_ =	shalt  }
0x81: {  	_ =	shalt  }
0x82: {  	_ =	shalt  }
0x83: {  	_ =	shalt  }
0x84: {  	_ =	shalt  }
0x85: {  	_ =	shalt  }
0x86: {  	_ =	shalt  }
0x87: {  	_ =	shalt  }
.Lfunc_end0:
.L_simem_size_0:
called_computation.1_lowered:
.L_overlay_start_0:
0x88: {  	s2 =	sld [smem:$0x3FD9]  }
0x89: {  	s3 =	sld [smem:$0x3FFE];
	_ =	sdelay $0x1  }
0x8a: {  	s1 =	srdreg.scid  }
0x8b: {  	s0 =	sand.u32 $0x1, s1  }
0x8c: {  	s17 =	sshll.u32 s0, $0xA;
	s2 =	sadd.s32 s3, s2  }
0x8d: {  	s2 =	sadd.s32 s2, s17  }
0x8e: {  	[smem:$0x3FC0] =	sst s2  }
0x8f: {  	_ = 	snop  }
0x90: {  	s2 =	sld [smem:$0x3FD0];
	(tm) =	ssettm $0x1  }
0x91: {  	s18 =	sld [smem:$0x3FFB];
	_ =	sdelay $0x3  }
0x92: {  	_ =	strace s18  }
0x93: {  	s3 =	sld [smem:$0x3FFC];
	_ =	sdelay $0x3  }
0x94: {  	_ =	strace s3  }
0x95: {  	s3 =	sld [smem:$0x3FFD];
	_ =	sdelay $0x3  }
0x96: {  	_ =	strace s3  }
0x97: {  	_ =	strace $0x8FFFFFFF  }
0x98: {  	s19 =	sld [smem:$0x3FDB];
	_ =	sdelay $0x1  }
0x99: {  	s4 =	simm.s32 $_scs_section_size  }
0x9a: {  	s5 =	simm.s32 $_size__tile_overlayer_lowered;
	s6 =	simm.s32 $_tile_overlayer_lowered  }
0x9b: {  	s22 =	simm.s32 $0x1BFF;
	s21 =	sshll.u32 s6, $0x1;
	s3 =	sadd.s32 s4, s19  }
0x9c: {  	s7 =	simm.s32 $0x0;
	s20 =	sshll.u32 s5, $0x1;
	s5 =	sadd.s32 s21, s3  }
0x9d: {  	[timem:s7], [sflag:s22] =	dma.local [hbm:s5], s20  }
0x9e: {  	_ =	swait.ge [sflag:s22], s20  }
0x9f: {  	s4 =	ssub.s32 $0x0, s20;
	[sflag:s22] =	ssyncset.done $0x0  }
0xa0: {  	[sflag:s22] =	ssyncadd.s32 s4;
	_ =	sdelay $0x1  }
0xa1: {  	s23 =	simm.s32 $0x1B8B  }
0xa2: {  	_ =	swait.ge [sflag:s23], $0x1  }
0xa3: {  	[sflag:s23] =	ssyncset.done $0x0  }
0xa4: {  	s25 =	simm.s32 $0x1B8E;
	s24 =	sld [smem:$0x3FFE];
	[sflag:s23] =	ssyncadd.s32 $0xFFFFFFFF  }
0xa5: {  	s26 =	simm.s32 $execute0_lowered;
	[smem:$0x3FD2] =	sst s25  }
0xa6: {  	s5 =	sshll.u32 s26, $0x1;
	_ =	strace $0x80000049;
	[dreg:$0x1] =	wrdreg $0xFFFFFFFF  }
0xa7: {  	s28 =	simm.s32 $_size_execute0_lowered;
	s3 =	sadd.s32 s3, s5;
	[dreg:$0x0] =	wrdreg $0x0  }
0xa8: {  	s5 =	sshll.u32 s28, $0x1;
	[dreg:$0x2] =	wrdreg s3  }
0xa9: {  	[dreg:$0x3] =	wrdreg s5  }
0xaa: {  	[dreg:$0x4] =	wrdreg $0xC0  }
0xab: {  	_ =	task [dreg:s7], $0x5FFFF  }
0xac: {  	[dreg:$0x1] =	wrdreg $0xFFFFFFFF  }
0xad: {  	[dreg:$0x0] =	wrdreg $0x60  }
0xae: {  	[dreg:$0x2] =	wrdreg s2  }
0xaf: {  	[dreg:$0x3] =	wrdreg s24  }
0xb0: {  	[dreg:$0x4] =	wrdreg $0x90000  }
0xb1: {  	[dreg:$0x5] =	wrdreg $0x9  }
0xb2: {  	_ =	task.clear_ibuf [dreg:s7], $0x6FFFF;
	_ =	strace $0x90000049  }
0xb3: {  	s29 =	simm.s32 $0x9;
	_ =	strace $0x8000004B  }
0xb4: {  	_ =	swait.ge [sflag:s29], $0x1  }
0xb5: {  	[sflag:s29] =	ssyncadd.s32 $0xFFFFFFFF  }
0xb6: {  	_ =	strace $0x9000004B  }
0xb7: {  	_ =	sfence  }
0xb8: {  	s30 =	sld [smem:$0x0];
	_ =	sdelay $0x2  }
0xb9: {  	s31 =	sshll.u32 s1, $0xD;
	s1 =	sshrl.u32 s1, $0x2  }
0xba: {  	s3 =	sand.u32 $0x4000, s31;
	s1 =	sadd.s32 s1, s30  }
0xbb: {  	s0 =	sor.u32 s3, s0;
	s1 =	sshll.u32 s1, $0x11  }
0xbc: {  	s0 =	sor.u32 s1, s0  }
0xbd: {  	s0 =	sadd.s32 $0x8F2B, s0  }
0xbe: {  	[sflag:s0] =	ssyncadd.remote.s32 $0x1  }
0xbf: {  	_ =	sfence.sel $0xFFFF  }
0xc0: {  	[dreg:$0x0] =	wrdreg $0xFFFFFFFF;
	(pc) =	sbr.abs _section_cstart, $3  }
0xc1: {  	[dreg:$0x1] =	wrdreg $0xFFFFFFFF  }
0xc2: {  	_ =	task.clear_ibuf [dreg:s7], $0x2FFFF;
	_ =	strace $0x9FFFFFFF  }
0xc3: {  	(tm) =	ssettm $0x7FFFFFFF  }
tec
execute0_lowered:
.L_overlay_start_1:
0x0: {  	(tag) =	ssettag $0x1  }
0x1: {  	s1 =	rddreg [dreg:$0x0];
	s0 =	srdreg.scid  }
0x2: {  	s9 =	stileid.u32;
	s2 =	rddreg [dreg:$0x1]  }
0x3: {  	s3 =	rddreg [dreg:$0x2];
	s24 =	simm.s32 $0x100;
	s25 =	simm.s32 $0x880  }
0x4: {  	s13 =	simm.s32 $0x180;
	s14 =	simm.s32 $0x900;
	s15 =	simm.s32 $0x200  }
0x5: {  	s16 =	simm.s32 $0x980;
	s10 =	simm.s32 $0x800;
	s17 =	simm.s32 $0x280  }
0x6: {  	s11 =	simm.s32 $0x80;
	s0 =	sand.u32 $0x1, s0;
	s4 =	sshll.u32 s9, $0x1  }
0x7: {  	s18 =	simm.s32 $0xA00;
	s5 =	sor.u32 s0, s4;
	s4 =	simm.s32 $0x0  }
0x8: {  	s12 =	simm.s32 $0x1000;
	s8 =	sadd.s32 $0x2A800, s2;
	[smem:$0x7FF] =	sst s4  }
0x9: {  	s19 =	simm.s32 $0x300;
	_ =	strace $0x8000004A;
	[dreg:$0x14] =	wrdreg s8  }
0xa: {  	s28 =	simm.s32 $0x680;
	s29 =	simm.s32 $0xE00;
	[dreg:$0x6] =	wrdreg s24  }
0xb: {  	s30 =	simm.s32 $0x700;
	s31 =	simm.s32 $0xE80;
	[dreg:$0x7] =	wrdreg s25  }
0xc: {  	s7 =	smul.u32 $0x50000, s9;
	s23 =	sshll.u32 s9, $0x6;
	[dreg:$0x8] =	wrdreg s13  }
0xd: {  	s26 =	smul.u32 $0x2800, s9;
	s9 =	simm.s32 $0x5;
	[dreg:$0x9] =	wrdreg s14  }
0xe: {  	s6 =	smul.u32 $0x28000, s0;
	s0 =	ssub.s32 $0x2, s0;
	[dreg:$0xa] =	wrdreg s15  }
0xf: {  	s5 =	smul.u32 $0xA00, s5;
	s20 =	sshrl.u32 s0, $0x1;
	[dreg:$0xb] =	wrdreg s16  }
0x10: {  	s7 =	sshrl.u32 s7, $0x2;
	s0 =	ssub.s32 s0, s20;
	[dreg:$0xc] =	wrdreg s17  }
0x11: {  	s21 =	sadd.s32 s7, s3;
	s8 =	sor.u32 $0x1C05, s23;
	[dreg:$0xd] =	wrdreg s18  }
0x12: {  	s13 =	simm.s32 $0x5000;
	[dreg:$0xe] =	wrdreg s19;
	s20 =	simm.s32 $0xA80  }
0x13: {  	s14 =	simm.s32 $0x1;
	s15 =	simm.s32 $0x3;
	s16 =	simm.s32 $0x2  }
0x14: {  	s23 =	simm.s32 $0x400;
	s17 =	simm.s32 $0x4;
	s25 =	simm.s32 $0xB80  }
0x15: {  	s18 =	simm.s32 $0x480;
	s19 =	simm.s32 $0xC00;
	[dreg:$0xf] =	wrdreg s20  }
0x16: {  	s7 =	simm.s32 $0x0;
	s5 =	sadd.s32 s5, s2;
	[dreg:$0x12] =	wrdreg s23  }
0x17: {  	s2 =	sadd.s32 s6, s2;
	s0 =	smax.u32 s0, $0x1;
	[dreg:$0x13] =	wrdreg s25  }
0x18: {  	s24 =	sshrl.u32 s21, $0x3;
	s21 =	simm.s32 $0x380;
	[dreg:$0x15] =	wrdreg s8  }
0x19: {  	s20 =	simm.s32 $0x500;
	s23 =	simm.s32 $0xD00;
	[dreg:$0x16] =	wrdreg s0  }
0x1a: {  	s25 =	simm.s32 $0x600;
	s22 =	sadd.s32 $0x2800, s5;
	[dreg:$0x10] =	wrdreg s21  }
0x1b: {  	s5 =	sadd.s32 $0x16800, s5;
	s2 =	sadd.s32 $0x2D000, s2;
	[dreg:$0x17] =	wrdreg s24  }
0x1c: {  	s21 =	simm.s32 $0xC80;
	s0 =	simm.s32 $0xF00;
	[dreg:$0x4] =	wrdreg s22  }
0x1d: {  	[dreg:$0x5] =	wrdreg s5;
	s22 =	simm.s32 $0xB00;
	s26 =	sadd.s32 s26, s2  }
0x1e: {  	s2 =	simm.s32 $0x780;
	s5 =	simm.s32 $0xF80;
	[dreg:$0x11] =	wrdreg s22  }
0x1f: {  	s22 =	simm.s32 $0x580;
	[dreg:$0x18] =	wrdreg s26;
	s26 =	simm.s32 $0xD80  }
.LBB2_1:
0x20: {  	[dreg:$0x19] =	wrdreg s7  }
0x21: {  	s6 =	rddreg [dreg:$0x14]  }
0x22: {  	[spmem:s24], [sflag:s8] =	dma.local [hbm:s6], $0x2800  }
0x23: {  	_ =	swait.ge [sflag:s9], $0x2800  }
0x24: {  	[sflag:s9] =	ssyncset.done $0x0  }
0x25: {  	[sflag:s9] =	ssyncadd.s32 $0xFFFFD800  }
0x26: {  	[bflag:$0x0] =	sbarrier.arrive $0xFFFF  }
0x27: {  	s24 =	rddreg [dreg:$0x4]  }
0x28: {  	s6 =	sadd.s32 $0x0, s24  }
0x29: {  	[tilespmem:s4], [sflag:$0x5] =	stream.linear.gather [hbm4b:s6+s4], $0x800, $0x38;
	[tilespmem:$0x1D000] =	vst v63  }
0x2a: {  	_ =	swait.ge [sflag:s9], $0x800  }
0x2b: {  	s7 =	rddreg [dreg:$0x5];
	[sflag:s9] =	ssyncset.done $0x0  }
0x2c: {  	[sflag:s9] =	ssyncadd.s32 $0xFFFFF800;
	s6 =	sadd.s32 $0x0, s7  }
0x2d: {  	[tilespmem:s10], [sflag:$0x5] =	stream.linear.gather [hbm4b:s6+s4], $0x800, $0x38;
	[tilespmem:$0x1D000] =	vst v63  }
0x2e: {  	_ =	swait.ge [sflag:s9], $0x800  }
0x2f: {  	[sflag:s9] =	ssyncset.done $0x0  }
0x30: {  	[sflag:s9] =	ssyncadd.s32 $0xFFFFF800  }
0x31: {  	[tilespmem:s12], [sflag:$0x1] =	stream.indirect.gather [hbm4b:s1+s11], $0x80, s4, s11, $0xb8;
	[tilespmem:$0x1D000] =	vst v63  }
0x32: {  	_ = 	snop  }
0x33: {  	[tilespmem:s13], [sflag:$0x2] =	stream.indirect.gather [hbm4b:s1+s11], $0x80, s11, s11, $0xb8;
	[tilespmem:$0x1D000] =	vst v63  }
0x34: {  	_ =	swait.ge [sflag:s14], $0x4000  }
0x35: {  	[sflag:s14] =	ssyncset.done $0x0  }
0x36: {  	[sflag:s14] =	ssyncadd.s32 $0xFFFFC000  }
0x37: {  	[spmem:s3] =	stream.indirect.scatter.add.f32 [tilespmem:s12], [sflag:$0x3], $0x80, s10, s11, $0xb8;
	[tilespmem:$0x1D000] =	vst v63  }
0x38: {  	_ =	swait.ge [sflag:s15], $0x4000  }
0x39: {  	[sflag:s15] =	ssyncset.done $0x0  }
0x3a: {  	s8 =	rddreg [dreg:$0x6];
	[sflag:s15] =	ssyncadd.s32 $0xFFFFC000  }
0x3b: {  	[tilespmem:s12], [sflag:$0x1] =	stream.indirect.gather [hbm4b:s1+s11], $0x80, s8, s11, $0xb8;
	[tilespmem:$0x1D000] =	vst v63  }
0x3c: {  	_ =	swait.ge [sflag:s16], $0x4000  }
0x3d: {  	[sflag:s16] =	ssyncset.done $0x0  }
0x3e: {  	s24 =	rddreg [dreg:$0x7];
	[sflag:s16] =	ssyncadd.s32 $0xFFFFC000  }
0x3f: {  	[spmem:s3] =	stream.indirect.scatter.add.f32 [tilespmem:s13], [sflag:$0x4], $0x80, s24, s11, $0xb8;
	[tilespmem:$0x1D000] =	vst v63  }
0x40: {  	_ =	swait.ge [sflag:s17], $0x4000  }
0x41: {  	[sflag:s17] =	ssyncset.done $0x0  }
0x42: {  	s7 =	rddreg [dreg:$0x8];
	[sflag:s17] =	ssyncadd.s32 $0xFFFFC000  }
0x43: {  	[tilespmem:s13], [sflag:$0x2] =	stream.indirect.gather [hbm4b:s1+s11], $0x80, s7, s11, $0xb8;
	[tilespmem:$0x1D000] =	vst v63  }
0x44: {  	_ =	swait.ge [sflag:s14], $0x4000  }
0x45: {  	[sflag:s14] =	ssyncset.done $0x0  }
0x46: {  	s8 =	rddreg [dreg:$0x9];
	[sflag:s14] =	ssyncadd.s32 $0xFFFFC000  }
0x47: {  	[spmem:s3] =	stream.indirect.scatter.add.f32 [tilespmem:s12], [sflag:$0x3], $0x80, s8, s11, $0xb8;
	[tilespmem:$0x1D000] =	vst v63  }
0x48: {  	_ =	swait.ge [sflag:s15], $0x4000  }
0x49: {  	[sflag:s15] =	ssyncset.done $0x0  }
0x4a: {  	s24 =	rddreg [dreg:$0xa];
	[sflag:s15] =	ssyncadd.s32 $0xFFFFC000  }
0x4b: {  	[tilespmem:s12], [sflag:$0x1] =	stream.indirect.gather [hbm4b:s1+s11], $0x80, s24, s11, $0xb8;
	[tilespmem:$0x1D000] =	vst v63  }
0x4c: {  	_ =	swait.ge [sflag:s16], $0x4000  }
0x4d: {  	[sflag:s16] =	ssyncset.done $0x0  }
0x4e: {  	s7 =	rddreg [dreg:$0xb];
	[sflag:s16] =	ssyncadd.s32 $0xFFFFC000  }
0x4f: {  	[spmem:s3] =	stream.indirect.scatter.add.f32 [tilespmem:s13], [sflag:$0x4], $0x80, s7, s11, $0xb8;
	[tilespmem:$0x1D000] =	vst v63  }
0x50: {  	_ =	swait.ge [sflag:s17], $0x4000  }
0x51: {  	[sflag:s17] =	ssyncset.done $0x0  }
0x52: {  	s8 =	rddreg [dreg:$0xc];
	[sflag:s17] =	ssyncadd.s32 $0xFFFFC000  }
0x53: {  	[tilespmem:s13], [sflag:$0x2] =	stream.indirect.gather [hbm4b:s1+s11], $0x80, s8, s11, $0xb8;
	[tilespmem:$0x1D000] =	vst v63  }
0x54: {  	_ =	swait.ge [sflag:s14], $0x4000  }
0x55: {  	[sflag:s14] =	ssyncset.done $0x0  }
0x56: {  	s24 =	rddreg [dreg:$0xd];
	[sflag:s14] =	ssyncadd.s32 $0xFFFFC000  }
0x57: {  	[spmem:s3] =	stream.indirect.scatter.add.f32 [tilespmem:s12], [sflag:$0x3], $0x80, s24, s11, $0xb8;
	[tilespmem:$0x1D000] =	vst v63  }
0x58: {  	_ =	swait.ge [sflag:s15], $0x4000  }
0x59: {  	[sflag:s15] =	ssyncset.done $0x0  }
0x5a: {  	s7 =	rddreg [dreg:$0xe];
	[sflag:s15] =	ssyncadd.s32 $0xFFFFC000  }
0x5b: {  	[tilespmem:s12], [sflag:$0x1] =	stream.indirect.gather [hbm4b:s1+s11], $0x80, s7, s11, $0xb8;
	[tilespmem:$0x1D000] =	vst v63  }
0x5c: {  	_ =	swait.ge [sflag:s16], $0x4000  }
0x5d: {  	[sflag:s16] =	ssyncset.done $0x0  }
0x5e: {  	s8 =	rddreg [dreg:$0xf];
	[sflag:s16] =	ssyncadd.s32 $0xFFFFC000  }
0x5f: {  	[spmem:s3] =	stream.indirect.scatter.add.f32 [tilespmem:s13], [sflag:$0x4], $0x80, s8, s11, $0xb8;
	[tilespmem:$0x1D000] =	vst v63  }
0x60: {  	_ =	swait.ge [sflag:s17], $0x4000  }
0x61: {  	[sflag:s17] =	ssyncset.done $0x0  }
0x62: {  	s24 =	rddreg [dreg:$0x10];
	[sflag:s17] =	ssyncadd.s32 $0xFFFFC000  }
0x63: {  	[tilespmem:s13], [sflag:$0x2] =	stream.indirect.gather [hbm4b:s1+s11], $0x80, s24, s11, $0xb8;
	[tilespmem:$0x1D000] =	vst v63  }
0x64: {  	_ =	swait.ge [sflag:s14], $0x4000  }
0x65: {  	[sflag:s14] =	ssyncset.done $0x0  }
0x66: {  	s7 =	rddreg [dreg:$0x11];
	[sflag:s14] =	ssyncadd.s32 $0xFFFFC000  }
0x67: {  	[spmem:s3] =	stream.indirect.scatter.add.f32 [tilespmem:s12], [sflag:$0x3], $0x80, s7, s11, $0xb8;
	[tilespmem:$0x1D000] =	vst v63  }
0x68: {  	_ =	swait.ge [sflag:s15], $0x4000  }
0x69: {  	[sflag:s15] =	ssyncset.done $0x0  }
0x6a: {  	s8 =	rddreg [dreg:$0x12];
	[sflag:s15] =	ssyncadd.s32 $0xFFFFC000  }
0x6b: {  	[tilespmem:s12], [sflag:$0x1] =	stream.indirect.gather [hbm4b:s1+s11], $0x80, s8, s11, $0xb8;
	[tilespmem:$0x1D000] =	vst v63  }
0x6c: {  	_ =	swait.ge [sflag:s16], $0x4000  }
0x6d: {  	[sflag:s16] =	ssyncset.done $0x0  }
0x6e: {  	s24 =	rddreg [dreg:$0x13];
	[sflag:s16] =	ssyncadd.s32 $0xFFFFC000  }
0x6f: {  	[spmem:s3] =	stream.indirect.scatter.add.f32 [tilespmem:s13], [sflag:$0x4], $0x80, s24, s11, $0xb8;
	[tilespmem:$0x1D000] =	vst v63  }
0x70: {  	_ =	swait.ge [sflag:s17], $0x4000  }
0x71: {  	[sflag:s17] =	ssyncset.done $0x0  }
0x72: {  	[sflag:s17] =	ssyncadd.s32 $0xFFFFC000  }
0x73: {  	[tilespmem:s13], [sflag:$0x2] =	stream.indirect.gather [hbm4b:s1+s11], $0x80, s18, s11, $0xb8;
	[tilespmem:$0x1D000] =	vst v63  }
0x74: {  	_ =	swait.ge [sflag:s14], $0x4000  }
0x75: {  	[sflag:s14] =	ssyncset.done $0x0  }
0x76: {  	[sflag:s14] =	ssyncadd.s32 $0xFFFFC000  }
0x77: {  	[spmem:s3] =	stream.indirect.scatter.add.f32 [tilespmem:s12], [sflag:$0x3], $0x80, s19, s11, $0xb8;
	[tilespmem:$0x1D000] =	vst v63  }
0x78: {  	_ =	swait.ge [sflag:s15], $0x4000  }
0x79: {  	[sflag:s15] =	ssyncset.done $0x0  }
0x7a: {  	[sflag:s15] =	ssyncadd.s32 $0xFFFFC000  }
0x7b: {  	[tilespmem:s12], [sflag:$0x1] =	stream.indirect.gather [hbm4b:s1+s11], $0x80, s20, s11, $0xb8;
	[tilespmem:$0x1D000] =	vst v63  }
0x7c: {  	_ =	swait.ge [sflag:s16], $0x4000  }
0x7d: {  	[sflag:s16] =	ssyncset.done $0x0  }
0x7e: {  	[sflag:s16] =	ssyncadd.s32 $0xFFFFC000  }
0x7f: {  	[spmem:s3] =	stream.indirect.scatter.add.f32 [tilespmem:s13], [sflag:$0x4], $0x80, s21, s11, $0xb8;
	[tilespmem:$0x1D000] =	vst v63  }
0x80: {  	_ =	swait.ge [sflag:s17], $0x4000  }
0x81: {  	[sflag:s17] =	ssyncset.done $0x0  }
0x82: {  	[sflag:s17] =	ssyncadd.s32 $0xFFFFC000  }
0x83: {  	[tilespmem:s13], [sflag:$0x2] =	stream.indirect.gather [hbm4b:s1+s11], $0x80, s22, s11, $0xb8;
	[tilespmem:$0x1D000] =	vst v63  }
0x84: {  	_ =	swait.ge [sflag:s14], $0x4000  }
0x85: {  	[sflag:s14] =	ssyncset.done $0x0  }
0x86: {  	[sflag:s14] =	ssyncadd.s32 $0xFFFFC000  }
0x87: {  	[spmem:s3] =	stream.indirect.scatter.add.f32 [tilespmem:s12], [sflag:$0x3], $0x80, s23, s11, $0xb8;
	[tilespmem:$0x1D000] =	vst v63  }
0x88: {  	_ =	swait.ge [sflag:s15], $0x4000  }
0x89: {  	[sflag:s15] =	ssyncset.done $0x0  }
0x8a: {  	[sflag:s15] =	ssyncadd.s32 $0xFFFFC000  }
0x8b: {  	[tilespmem:s12], [sflag:$0x1] =	stream.indirect.gather [hbm4b:s1+s11], $0x80, s25, s11, $0xb8;
	[tilespmem:$0x1D000] =	vst v63  }
0x8c: {  	_ =	swait.ge [sflag:s16], $0x4000  }
0x8d: {  	[sflag:s16] =	ssyncset.done $0x0  }
0x8e: {  	[sflag:s16] =	ssyncadd.s32 $0xFFFFC000  }
0x8f: {  	[spmem:s3] =	stream.indirect.scatter.add.f32 [tilespmem:s13], [sflag:$0x4], $0x80, s26, s11, $0xb8;
	[tilespmem:$0x1D000] =	vst v63  }
0x90: {  	_ =	swait.ge [sflag:s17], $0x4000  }
0x91: {  	[sflag:s17] =	ssyncset.done $0x0  }
0x92: {  	[sflag:s17] =	ssyncadd.s32 $0xFFFFC000  }
0x93: {  	[tilespmem:s13], [sflag:$0x2] =	stream.indirect.gather [hbm4b:s1+s11], $0x80, s28, s11, $0xb8;
	[tilespmem:$0x1D000] =	vst v63  }
0x94: {  	_ =	swait.ge [sflag:s14], $0x4000  }
0x95: {  	[sflag:s14] =	ssyncset.done $0x0  }
0x96: {  	[sflag:s14] =	ssyncadd.s32 $0xFFFFC000  }
0x97: {  	[spmem:s3] =	stream.indirect.scatter.add.f32 [tilespmem:s12], [sflag:$0x3], $0x80, s29, s11, $0xb8;
	[tilespmem:$0x1D000] =	vst v63  }
0x98: {  	_ =	swait.ge [sflag:s15], $0x4000  }
0x99: {  	[sflag:s15] =	ssyncset.done $0x0  }
0x9a: {  	[sflag:s15] =	ssyncadd.s32 $0xFFFFC000  }
0x9b: {  	[tilespmem:s12], [sflag:$0x1] =	stream.indirect.gather [hbm4b:s1+s11], $0x80, s30, s11, $0xb8;
	[tilespmem:$0x1D000] =	vst v63  }
0x9c: {  	_ =	swait.ge [sflag:s16], $0x4000  }
0x9d: {  	[sflag:s16] =	ssyncset.done $0x0  }
0x9e: {  	[sflag:s16] =	ssyncadd.s32 $0xFFFFC000  }
0x9f: {  	[spmem:s3] =	stream.indirect.scatter.add.f32 [tilespmem:s13], [sflag:$0x4], $0x80, s31, s11, $0xb8;
	[tilespmem:$0x1D000] =	vst v63  }
0xa0: {  	_ =	swait.ge [sflag:s17], $0x4000  }
0xa1: {  	[sflag:s17] =	ssyncset.done $0x0  }
0xa2: {  	[sflag:s17] =	ssyncadd.s32 $0xFFFFC000  }
0xa3: {  	[tilespmem:s13], [sflag:$0x2] =	stream.indirect.gather [hbm4b:s1+s11], $0x80, s2, s11, $0xb8;
	[tilespmem:$0x1D000] =	vst v63  }
0xa4: {  	_ =	swait.ge [sflag:s14], $0x4000  }
0xa5: {  	[sflag:s14] =	ssyncset.done $0x0  }
0xa6: {  	[sflag:s14] =	ssyncadd.s32 $0xFFFFC000  }
0xa7: {  	[spmem:s3] =	stream.indirect.scatter.add.f32 [tilespmem:s12], [sflag:$0x3], $0x80, s0, s11, $0xb8;
	[tilespmem:$0x1D000] =	vst v63  }
0xa8: {  	_ =	swait.ge [sflag:s15], $0x4000  }
0xa9: {  	[sflag:s15] =	ssyncset.done $0x0  }
0xaa: {  	[sflag:s15] =	ssyncadd.s32 $0xFFFFC000  }
0xab: {  	_ =	swait.ge [sflag:s16], $0x4000  }
0xac: {  	[sflag:s16] =	ssyncset.done $0x0  }
0xad: {  	[sflag:s16] =	ssyncadd.s32 $0xFFFFC000  }
0xae: {  	[spmem:s3] =	stream.indirect.scatter.add.f32 [tilespmem:s13], [sflag:$0x4], $0x80, s5, s11, $0xb8;
	[tilespmem:$0x1D000] =	vst v63  }
0xaf: {  	s6 =	simm.s32 $0x200;
	_ =	swait.ge [sflag:s17], $0x4000  }
0xb0: {  	s24 =	simm.s32 $0x100;
	s8 =	rddreg [dreg:$0x4];
	[sflag:s17] =	ssyncset.done $0x0  }
.LBB2_2:
0xb1: {  	[sflag:s17] =	ssyncadd.s32 $0xFFFFC000;
	s8 =	sadd.s32 s24, s8  }
0xb2: {  	[tilespmem:s4], [sflag:$0x5] =	stream.linear.gather [hbm4b:s8+s4], $0x800, $0x38;
	[tilespmem:$0x1D000] =	vst v63  }
0xb3: {  	_ =	swait.ge [sflag:s9], $0x800  }
0xb4: {  	s8 =	rddreg [dreg:$0x5];
	[sflag:s9] =	ssyncset.done $0x0  }
0xb5: {  	[sflag:s9] =	ssyncadd.s32 $0xFFFFF800;
	s8 =	sadd.s32 s24, s8  }
0xb6: {  	[tilespmem:s10], [sflag:$0x5] =	stream.linear.gather [hbm4b:s8+s4], $0x800, $0x38;
	[tilespmem:$0x1D000] =	vst v63  }
0xb7: {  	_ =	swait.ge [sflag:s9], $0x800  }
0xb8: {  	[sflag:s9] =	ssyncset.done $0x0  }
0xb9: {  	[sflag:s9] =	ssyncadd.s32 $0xFFFFF800  }
0xba: {  	[tilespmem:s12], [sflag:$0x1] =	stream.indirect.gather [hbm4b:s1+s11], $0x80, s4, s11, $0xb8;
	[tilespmem:$0x1D000] =	vst v63  }
0xbb: {  	_ = 	snop  }
0xbc: {  	[tilespmem:s13], [sflag:$0x2] =	stream.indirect.gather [hbm4b:s1+s11], $0x80, s11, s11, $0xb8;
	[tilespmem:$0x1D000] =	vst v63  }
0xbd: {  	_ =	swait.ge [sflag:s14], $0x4000  }
0xbe: {  	[sflag:s14] =	ssyncset.done $0x0  }
0xbf: {  	[sflag:s14] =	ssyncadd.s32 $0xFFFFC000  }
0xc0: {  	[spmem:s3] =	stream.indirect.scatter.add.f32 [tilespmem:s12], [sflag:$0x3], $0x80, s10, s11, $0xb8;
	[tilespmem:$0x1D000] =	vst v63  }
0xc1: {  	_ =	swait.ge [sflag:s15], $0x4000  }
0xc2: {  	[sflag:s15] =	ssyncset.done $0x0  }
0xc3: {  	s8 =	rddreg [dreg:$0x6];
	[sflag:s15] =	ssyncadd.s32 $0xFFFFC000  }
0xc4: {  	[tilespmem:s12], [sflag:$0x1] =	stream.indirect.gather [hbm4b:s1+s11], $0x80, s8, s11, $0xb8;
	[tilespmem:$0x1D000] =	vst v63  }
0xc5: {  	_ =	swait.ge [sflag:s16], $0x4000  }
0xc6: {  	[sflag:s16] =	ssyncset.done $0x0  }
0xc7: {  	s8 =	rddreg [dreg:$0x7];
	[sflag:s16] =	ssyncadd.s32 $0xFFFFC000  }
0xc8: {  	[spmem:s3] =	stream.indirect.scatter.add.f32 [tilespmem:s13], [sflag:$0x4], $0x80, s8, s11, $0xb8;
	[tilespmem:$0x1D000] =	vst v63  }
0xc9: {  	_ =	swait.ge [sflag:s17], $0x4000  }
0xca: {  	[sflag:s17] =	ssyncset.done $0x0  }
0xcb: {  	s8 =	rddreg [dreg:$0x8];
	[sflag:s17] =	ssyncadd.s32 $0xFFFFC000  }
0xcc: {  	[tilespmem:s13], [sflag:$0x2] =	stream.indirect.gather [hbm4b:s1+s11], $0x80, s8, s11, $0xb8;
	[tilespmem:$0x1D000] =	vst v63  }
0xcd: {  	_ =	swait.ge [sflag:s14], $0x4000  }
0xce: {  	[sflag:s14] =	ssyncset.done $0x0  }
0xcf: {  	s8 =	rddreg [dreg:$0x9];
	[sflag:s14] =	ssyncadd.s32 $0xFFFFC000  }
0xd0: {  	[spmem:s3] =	stream.indirect.scatter.add.f32 [tilespmem:s12], [sflag:$0x3], $0x80, s8, s11, $0xb8;
	[tilespmem:$0x1D000] =	vst v63  }
0xd1: {  	_ =	swait.ge [sflag:s15], $0x4000  }
0xd2: {  	[sflag:s15] =	ssyncset.done $0x0  }
0xd3: {  	s8 =	rddreg [dreg:$0xa];
	[sflag:s15] =	ssyncadd.s32 $0xFFFFC000  }
0xd4: {  	[tilespmem:s12], [sflag:$0x1] =	stream.indirect.gather [hbm4b:s1+s11], $0x80, s8, s11, $0xb8;
	[tilespmem:$0x1D000] =	vst v63  }
0xd5: {  	_ =	swait.ge [sflag:s16], $0x4000  }
0xd6: {  	[sflag:s16] =	ssyncset.done $0x0  }
0xd7: {  	s8 =	rddreg [dreg:$0xb];
	[sflag:s16] =	ssyncadd.s32 $0xFFFFC000  }
0xd8: {  	[spmem:s3] =	stream.indirect.scatter.add.f32 [tilespmem:s13], [sflag:$0x4], $0x80, s8, s11, $0xb8;
	[tilespmem:$0x1D000] =	vst v63  }
0xd9: {  	_ =	swait.ge [sflag:s17], $0x4000  }
0xda: {  	[sflag:s17] =	ssyncset.done $0x0  }
0xdb: {  	s8 =	rddreg [dreg:$0xc];
	[sflag:s17] =	ssyncadd.s32 $0xFFFFC000  }
0xdc: {  	[tilespmem:s13], [sflag:$0x2] =	stream.indirect.gather [hbm4b:s1+s11], $0x80, s8, s11, $0xb8;
	[tilespmem:$0x1D000] =	vst v63  }
0xdd: {  	_ =	swait.ge [sflag:s14], $0x4000  }
0xde: {  	[sflag:s14] =	ssyncset.done $0x0  }
0xdf: {  	s8 =	rddreg [dreg:$0xd];
	[sflag:s14] =	ssyncadd.s32 $0xFFFFC000  }
0xe0: {  	[spmem:s3] =	stream.indirect.scatter.add.f32 [tilespmem:s12], [sflag:$0x3], $0x80, s8, s11, $0xb8;
	[tilespmem:$0x1D000] =	vst v63  }
0xe1: {  	_ =	swait.ge [sflag:s15], $0x4000  }
0xe2: {  	[sflag:s15] =	ssyncset.done $0x0  }
0xe3: {  	s8 =	rddreg [dreg:$0xe];
	[sflag:s15] =	ssyncadd.s32 $0xFFFFC000  }
0xe4: {  	[tilespmem:s12], [sflag:$0x1] =	stream.indirect.gather [hbm4b:s1+s11], $0x80, s8, s11, $0xb8;
	[tilespmem:$0x1D000] =	vst v63  }
0xe5: {  	_ =	swait.ge [sflag:s16], $0x4000  }
0xe6: {  	[sflag:s16] =	ssyncset.done $0x0  }
0xe7: {  	s8 =	rddreg [dreg:$0xf];
	[sflag:s16] =	ssyncadd.s32 $0xFFFFC000  }
0xe8: {  	[spmem:s3] =	stream.indirect.scatter.add.f32 [tilespmem:s13], [sflag:$0x4], $0x80, s8, s11, $0xb8;
	[tilespmem:$0x1D000] =	vst v63  }
0xe9: {  	_ =	swait.ge [sflag:s17], $0x4000  }
0xea: {  	[sflag:s17] =	ssyncset.done $0x0  }
0xeb: {  	s8 =	rddreg [dreg:$0x10];
	[sflag:s17] =	ssyncadd.s32 $0xFFFFC000  }
0xec: {  	[tilespmem:s13], [sflag:$0x2] =	stream.indirect.gather [hbm4b:s1+s11], $0x80, s8, s11, $0xb8;
	[tilespmem:$0x1D000] =	vst v63  }
0xed: {  	_ =	swait.ge [sflag:s14], $0x4000  }
0xee: {  	[sflag:s14] =	ssyncset.done $0x0  }
0xef: {  	s8 =	rddreg [dreg:$0x11];
	[sflag:s14] =	ssyncadd.s32 $0xFFFFC000  }
0xf0: {  	[spmem:s3] =	stream.indirect.scatter.add.f32 [tilespmem:s12], [sflag:$0x3], $0x80, s8, s11, $0xb8;
	[tilespmem:$0x1D000] =	vst v63  }
0xf1: {  	_ =	swait.ge [sflag:s15], $0x4000  }
0xf2: {  	[sflag:s15] =	ssyncset.done $0x0  }
0xf3: {  	s8 =	rddreg [dreg:$0x12];
	[sflag:s15] =	ssyncadd.s32 $0xFFFFC000  }
0xf4: {  	[tilespmem:s12], [sflag:$0x1] =	stream.indirect.gather [hbm4b:s1+s11], $0x80, s8, s11, $0xb8;
	[tilespmem:$0x1D000] =	vst v63  }
0xf5: {  	_ =	swait.ge [sflag:s16], $0x4000  }
0xf6: {  	[sflag:s16] =	ssyncset.done $0x0  }
0xf7: {  	s8 =	rddreg [dreg:$0x13];
	[sflag:s16] =	ssyncadd.s32 $0xFFFFC000  }
0xf8: {  	[spmem:s3] =	stream.indirect.scatter.add.f32 [tilespmem:s13], [sflag:$0x4], $0x80, s8, s11, $0xb8;
	[tilespmem:$0x1D000] =	vst v63  }
0xf9: {  	_ =	swait.ge [sflag:s17], $0x4000  }
0xfa: {  	[sflag:s17] =	ssyncset.done $0x0  }
0xfb: {  	[sflag:s17] =	ssyncadd.s32 $0xFFFFC000  }
0xfc: {  	[tilespmem:s13], [sflag:$0x2] =	stream.indirect.gather [hbm4b:s1+s11], $0x80, s18, s11, $0xb8;
	[tilespmem:$0x1D000] =	vst v63  }
0xfd: {  	_ =	swait.ge [sflag:s14], $0x4000  }
0xfe: {  	[sflag:s14] =	ssyncset.done $0x0  }
0xff: {  	[sflag:s14] =	ssyncadd.s32 $0xFFFFC000  }
0x100: {  	[spmem:s3] =	stream.indirect.scatter.add.f32 [tilespmem:s12], [sflag:$0x3], $0x80, s19, s11, $0xb8;
	[tilespmem:$0x1D000] =	vst v63  }
0x101: {  	_ =	swait.ge [sflag:s15], $0x4000  }
0x102: {  	[sflag:s15] =	ssyncset.done $0x0  }
0x103: {  	[sflag:s15] =	ssyncadd.s32 $0xFFFFC000  }
0x104: {  	[tilespmem:s12], [sflag:$0x1] =	stream.indirect.gather [hbm4b:s1+s11], $0x80, s20, s11, $0xb8;
	[tilespmem:$0x1D000] =	vst v63  }
0x105: {  	_ =	swait.ge [sflag:s16], $0x4000  }
0x106: {  	[sflag:s16] =	ssyncset.done $0x0  }
0x107: {  	[sflag:s16] =	ssyncadd.s32 $0xFFFFC000  }
0x108: {  	[spmem:s3] =	stream.indirect.scatter.add.f32 [tilespmem:s13], [sflag:$0x4], $0x80, s21, s11, $0xb8;
	[tilespmem:$0x1D000] =	vst v63  }
0x109: {  	_ =	swait.ge [sflag:s17], $0x4000  }
0x10a: {  	[sflag:s17] =	ssyncset.done $0x0  }
0x10b: {  	[sflag:s17] =	ssyncadd.s32 $0xFFFFC000  }
0x10c: {  	[tilespmem:s13], [sflag:$0x2] =	stream.indirect.gather [hbm4b:s1+s11], $0x80, s22, s11, $0xb8;
	[tilespmem:$0x1D000] =	vst v63  }
0x10d: {  	_ =	swait.ge [sflag:s14], $0x4000  }
0x10e: {  	[sflag:s14] =	ssyncset.done $0x0  }
0x10f: {  	[sflag:s14] =	ssyncadd.s32 $0xFFFFC000  }
0x110: {  	[spmem:s3] =	stream.indirect.scatter.add.f32 [tilespmem:s12], [sflag:$0x3], $0x80, s23, s11, $0xb8;
	[tilespmem:$0x1D000] =	vst v63  }
0x111: {  	_ =	swait.ge [sflag:s15], $0x4000  }
0x112: {  	[sflag:s15] =	ssyncset.done $0x0  }
0x113: {  	[sflag:s15] =	ssyncadd.s32 $0xFFFFC000  }
0x114: {  	[tilespmem:s12], [sflag:$0x1] =	stream.indirect.gather [hbm4b:s1+s11], $0x80, s25, s11, $0xb8;
	[tilespmem:$0x1D000] =	vst v63  }
0x115: {  	_ =	swait.ge [sflag:s16], $0x4000  }
0x116: {  	[sflag:s16] =	ssyncset.done $0x0  }
0x117: {  	[sflag:s16] =	ssyncadd.s32 $0xFFFFC000  }
0x118: {  	[spmem:s3] =	stream.indirect.scatter.add.f32 [tilespmem:s13], [sflag:$0x4], $0x80, s26, s11, $0xb8;
	[tilespmem:$0x1D000] =	vst v63  }
0x119: {  	_ =	swait.ge [sflag:s17], $0x4000  }
0x11a: {  	[sflag:s17] =	ssyncset.done $0x0  }
0x11b: {  	[sflag:s17] =	ssyncadd.s32 $0xFFFFC000  }
0x11c: {  	[tilespmem:s13], [sflag:$0x2] =	stream.indirect.gather [hbm4b:s1+s11], $0x80, s28, s11, $0xb8;
	[tilespmem:$0x1D000] =	vst v63  }
0x11d: {  	_ =	swait.ge [sflag:s14], $0x4000  }
0x11e: {  	[sflag:s14] =	ssyncset.done $0x0  }
0x11f: {  	[sflag:s14] =	ssyncadd.s32 $0xFFFFC000  }
0x120: {  	[spmem:s3] =	stream.indirect.scatter.add.f32 [tilespmem:s12], [sflag:$0x3], $0x80, s29, s11, $0xb8;
	[tilespmem:$0x1D000] =	vst v63  }
0x121: {  	_ =	swait.ge [sflag:s15], $0x4000  }
0x122: {  	[sflag:s15] =	ssyncset.done $0x0  }
0x123: {  	[sflag:s15] =	ssyncadd.s32 $0xFFFFC000  }
0x124: {  	[tilespmem:s12], [sflag:$0x1] =	stream.indirect.gather [hbm4b:s1+s11], $0x80, s30, s11, $0xb8;
	[tilespmem:$0x1D000] =	vst v63  }
0x125: {  	_ =	swait.ge [sflag:s16], $0x4000  }
0x126: {  	[sflag:s16] =	ssyncset.done $0x0  }
0x127: {  	[sflag:s16] =	ssyncadd.s32 $0xFFFFC000  }
0x128: {  	[spmem:s3] =	stream.indirect.scatter.add.f32 [tilespmem:s13], [sflag:$0x4], $0x80, s31, s11, $0xb8;
	[tilespmem:$0x1D000] =	vst v63  }
0x129: {  	_ =	swait.ge [sflag:s17], $0x4000  }
0x12a: {  	[sflag:s17] =	ssyncset.done $0x0  }
0x12b: {  	[sflag:s17] =	ssyncadd.s32 $0xFFFFC000  }
0x12c: {  	[tilespmem:s13], [sflag:$0x2] =	stream.indirect.gather [hbm4b:s1+s11], $0x80, s2, s11, $0xb8;
	[tilespmem:$0x1D000] =	vst v63  }
0x12d: {  	_ =	swait.ge [sflag:s14], $0x4000  }
0x12e: {  	[sflag:s14] =	ssyncset.done $0x0  }
0x12f: {  	[sflag:s14] =	ssyncadd.s32 $0xFFFFC000  }
0x130: {  	[spmem:s3] =	stream.indirect.scatter.add.f32 [tilespmem:s12], [sflag:$0x3], $0x80, s0, s11, $0xb8;
	[tilespmem:$0x1D000] =	vst v63  }
0x131: {  	_ =	swait.ge [sflag:s15], $0x4000  }
0x132: {  	[sflag:s15] =	ssyncset.done $0x0  }
0x133: {  	[sflag:s15] =	ssyncadd.s32 $0xFFFFC000  }
0x134: {  	p0 =	sne.s32 s6, $0x900;
	_ =	swait.ge [sflag:s16], $0x4000  }
.Ltmp0:
0x135: {  	[sflag:s16] =	ssyncset.done $0x0;
	(pc) =	sbr.rel @p0 .LBB2_2-.Ltmp0, $4  }
0x136: {  	[sflag:s16] =	ssyncadd.s32 $0xFFFFC000  }
0x137: {  	[spmem:s3] =	stream.indirect.scatter.add.f32 [tilespmem:s13], [sflag:$0x4], $0x80, s5, s11, $0xb8;
	[tilespmem:$0x1D000] =	vst v63  }
0x138: {  	s7 =	smov.u32 s6;
	s6 =	sadd.s32 $0x100, s6;
	_ =	swait.ge [sflag:s17], $0x4000  }
0x139: {  	s24 =	smov.u32 s7;
	s8 =	rddreg [dreg:$0x4];
	[sflag:s17] =	ssyncset.done $0x0  }
0x13a: {  	[sflag:s17] =	ssyncadd.s32 $0xFFFFC000;
	s6 =	sadd.s32 s24, s8  }
0x13b: {  	[tilespmem:s4], [sflag:$0x5] =	stream.linear.gather [hbm4b:s6+s4], $0x800, $0x38;
	[tilespmem:$0x1D000] =	vst v63  }
0x13c: {  	_ =	swait.ge [sflag:s9], $0x800  }
0x13d: {  	s7 =	rddreg [dreg:$0x5];
	[sflag:s9] =	ssyncset.done $0x0  }
0x13e: {  	s6 =	sadd.s32 s24, s7;
	[sflag:s9] =	ssyncadd.s32 $0xFFFFF800  }
0x13f: {  	[tilespmem:s10], [sflag:$0x5] =	stream.linear.gather [hbm4b:s6+s4], $0x800, $0x38;
	[tilespmem:$0x1D000] =	vst v63  }
0x140: {  	_ =	swait.ge [sflag:s9], $0x800  }
0x141: {  	[sflag:s9] =	ssyncset.done $0x0  }
0x142: {  	[sflag:s9] =	ssyncadd.s32 $0xFFFFF800  }
0x143: {  	[tilespmem:s12], [sflag:$0x1] =	stream.indirect.gather [hbm4b:s1+s11], $0x80, s4, s11, $0xb8;
	[tilespmem:$0x1D000] =	vst v63  }
0x144: {  	_ = 	snop  }
0x145: {  	[tilespmem:s13], [sflag:$0x2] =	stream.indirect.gather [hbm4b:s1+s11], $0x80, s11, s11, $0xb8;
	[tilespmem:$0x1D000] =	vst v63  }
0x146: {  	_ =	swait.ge [sflag:s14], $0x4000  }
0x147: {  	[sflag:s14] =	ssyncset.done $0x0  }
0x148: {  	[sflag:s14] =	ssyncadd.s32 $0xFFFFC000  }
0x149: {  	[spmem:s3] =	stream.indirect.scatter.add.f32 [tilespmem:s12], [sflag:$0x3], $0x80, s10, s11, $0xb8;
	[tilespmem:$0x1D000] =	vst v63  }
0x14a: {  	_ =	swait.ge [sflag:s15], $0x4000  }
0x14b: {  	[sflag:s15] =	ssyncset.done $0x0  }
0x14c: {  	s8 =	rddreg [dreg:$0x6];
	[sflag:s15] =	ssyncadd.s32 $0xFFFFC000  }
0x14d: {  	[tilespmem:s12], [sflag:$0x1] =	stream.indirect.gather [hbm4b:s1+s11], $0x80, s8, s11, $0xb8;
	[tilespmem:$0x1D000] =	vst v63  }
0x14e: {  	_ =	swait.ge [sflag:s16], $0x4000  }
0x14f: {  	[sflag:s16] =	ssyncset.done $0x0  }
0x150: {  	s24 =	rddreg [dreg:$0x7];
	[sflag:s16] =	ssyncadd.s32 $0xFFFFC000  }
0x151: {  	[spmem:s3] =	stream.indirect.scatter.add.f32 [tilespmem:s13], [sflag:$0x4], $0x80, s24, s11, $0xb8;
	[tilespmem:$0x1D000] =	vst v63  }
0x152: {  	_ =	swait.ge [sflag:s17], $0x4000  }
0x153: {  	[sflag:s17] =	ssyncset.done $0x0  }
0x154: {  	s7 =	rddreg [dreg:$0x8];
	[sflag:s17] =	ssyncadd.s32 $0xFFFFC000  }
0x155: {  	[tilespmem:s13], [sflag:$0x2] =	stream.indirect.gather [hbm4b:s1+s11], $0x80, s7, s11, $0xb8;
	[tilespmem:$0x1D000] =	vst v63  }
0x156: {  	_ =	swait.ge [sflag:s14], $0x4000  }
0x157: {  	[sflag:s14] =	ssyncset.done $0x0  }
0x158: {  	s8 =	rddreg [dreg:$0x9];
	[sflag:s14] =	ssyncadd.s32 $0xFFFFC000  }
0x159: {  	[spmem:s3] =	stream.indirect.scatter.add.f32 [tilespmem:s12], [sflag:$0x3], $0x80, s8, s11, $0xb8;
	[tilespmem:$0x1D000] =	vst v63  }
0x15a: {  	_ =	swait.ge [sflag:s15], $0x4000  }
0x15b: {  	[sflag:s15] =	ssyncset.done $0x0  }
0x15c: {  	s24 =	rddreg [dreg:$0xa];
	[sflag:s15] =	ssyncadd.s32 $0xFFFFC000  }
0x15d: {  	[tilespmem:s12], [sflag:$0x1] =	stream.indirect.gather [hbm4b:s1+s11], $0x80, s24, s11, $0xb8;
	[tilespmem:$0x1D000] =	vst v63  }
0x15e: {  	_ =	swait.ge [sflag:s16], $0x4000  }
0x15f: {  	[sflag:s16] =	ssyncset.done $0x0  }
0x160: {  	s7 =	rddreg [dreg:$0xb];
	[sflag:s16] =	ssyncadd.s32 $0xFFFFC000  }
0x161: {  	[spmem:s3] =	stream.indirect.scatter.add.f32 [tilespmem:s13], [sflag:$0x4], $0x80, s7, s11, $0xb8;
	[tilespmem:$0x1D000] =	vst v63  }
0x162: {  	_ =	swait.ge [sflag:s17], $0x4000  }
0x163: {  	[sflag:s17] =	ssyncset.done $0x0  }
0x164: {  	s8 =	rddreg [dreg:$0xc];
	[sflag:s17] =	ssyncadd.s32 $0xFFFFC000  }
0x165: {  	[tilespmem:s13], [sflag:$0x2] =	stream.indirect.gather [hbm4b:s1+s11], $0x80, s8, s11, $0xb8;
	[tilespmem:$0x1D000] =	vst v63  }
0x166: {  	_ =	swait.ge [sflag:s14], $0x4000  }
0x167: {  	[sflag:s14] =	ssyncset.done $0x0  }
0x168: {  	s24 =	rddreg [dreg:$0xd];
	[sflag:s14] =	ssyncadd.s32 $0xFFFFC000  }
0x169: {  	[spmem:s3] =	stream.indirect.scatter.add.f32 [tilespmem:s12], [sflag:$0x3], $0x80, s24, s11, $0xb8;
	[tilespmem:$0x1D000] =	vst v63  }
0x16a: {  	_ =	swait.ge [sflag:s15], $0x4000  }
0x16b: {  	[sflag:s15] =	ssyncset.done $0x0  }
0x16c: {  	s7 =	rddreg [dreg:$0xe];
	[sflag:s15] =	ssyncadd.s32 $0xFFFFC000  }
0x16d: {  	[tilespmem:s12], [sflag:$0x1] =	stream.indirect.gather [hbm4b:s1+s11], $0x80, s7, s11, $0xb8;
	[tilespmem:$0x1D000] =	vst v63  }
0x16e: {  	_ =	swait.ge [sflag:s16], $0x4000  }
0x16f: {  	[sflag:s16] =	ssyncset.done $0x0  }
0x170: {  	s8 =	rddreg [dreg:$0xf];
	[sflag:s16] =	ssyncadd.s32 $0xFFFFC000  }
0x171: {  	[spmem:s3] =	stream.indirect.scatter.add.f32 [tilespmem:s13], [sflag:$0x4], $0x80, s8, s11, $0xb8;
	[tilespmem:$0x1D000] =	vst v63  }
0x172: {  	_ =	swait.ge [sflag:s17], $0x4000  }
0x173: {  	[sflag:s17] =	ssyncset.done $0x0  }
0x174: {  	s24 =	rddreg [dreg:$0x10];
	[sflag:s17] =	ssyncadd.s32 $0xFFFFC000  }
0x175: {  	[tilespmem:s13], [sflag:$0x2] =	stream.indirect.gather [hbm4b:s1+s11], $0x80, s24, s11, $0xb8;
	[tilespmem:$0x1D000] =	vst v63  }
0x176: {  	_ =	swait.ge [sflag:s14], $0x4000  }
0x177: {  	[sflag:s14] =	ssyncset.done $0x0  }
0x178: {  	s7 =	rddreg [dreg:$0x11];
	[sflag:s14] =	ssyncadd.s32 $0xFFFFC000  }
0x179: {  	[spmem:s3] =	stream.indirect.scatter.add.f32 [tilespmem:s12], [sflag:$0x3], $0x80, s7, s11, $0xb8;
	[tilespmem:$0x1D000] =	vst v63  }
0x17a: {  	_ =	swait.ge [sflag:s15], $0x4000  }
0x17b: {  	[sflag:s15] =	ssyncset.done $0x0  }
0x17c: {  	s8 =	rddreg [dreg:$0x12];
	[sflag:s15] =	ssyncadd.s32 $0xFFFFC000  }
0x17d: {  	[tilespmem:s12], [sflag:$0x1] =	stream.indirect.gather [hbm4b:s1+s11], $0x80, s8, s11, $0xb8;
	[tilespmem:$0x1D000] =	vst v63  }
0x17e: {  	_ =	swait.ge [sflag:s16], $0x4000  }
0x17f: {  	[sflag:s16] =	ssyncset.done $0x0  }
0x180: {  	s24 =	rddreg [dreg:$0x13];
	[sflag:s16] =	ssyncadd.s32 $0xFFFFC000  }
0x181: {  	[spmem:s3] =	stream.indirect.scatter.add.f32 [tilespmem:s13], [sflag:$0x4], $0x80, s24, s11, $0xb8;
	[tilespmem:$0x1D000] =	vst v63  }
0x182: {  	_ =	swait.ge [sflag:s17], $0x4000  }
0x183: {  	[sflag:s17] =	ssyncset.done $0x0  }
0x184: {  	[sflag:s17] =	ssyncadd.s32 $0xFFFFC000  }
0x185: {  	[tilespmem:s13], [sflag:$0x2] =	stream.indirect.gather [hbm4b:s1+s11], $0x80, s18, s11, $0xb8;
	[tilespmem:$0x1D000] =	vst v63  }
0x186: {  	_ =	swait.ge [sflag:s14], $0x4000  }
0x187: {  	[sflag:s14] =	ssyncset.done $0x0  }
0x188: {  	[sflag:s14] =	ssyncadd.s32 $0xFFFFC000  }
0x189: {  	[spmem:s3] =	stream.indirect.scatter.add.f32 [tilespmem:s12], [sflag:$0x3], $0x80, s19, s11, $0xb8;
	[tilespmem:$0x1D000] =	vst v63  }
0x18a: {  	_ =	swait.ge [sflag:s15], $0x4000  }
0x18b: {  	[sflag:s15] =	ssyncset.done $0x0  }
0x18c: {  	[sflag:s15] =	ssyncadd.s32 $0xFFFFC000  }
0x18d: {  	[tilespmem:s12], [sflag:$0x1] =	stream.indirect.gather [hbm4b:s1+s11], $0x80, s20, s11, $0xb8;
	[tilespmem:$0x1D000] =	vst v63  }
0x18e: {  	_ =	swait.ge [sflag:s16], $0x4000  }
0x18f: {  	[sflag:s16] =	ssyncset.done $0x0  }
0x190: {  	[sflag:s16] =	ssyncadd.s32 $0xFFFFC000  }
0x191: {  	[spmem:s3] =	stream.indirect.scatter.add.f32 [tilespmem:s13], [sflag:$0x4], $0x80, s21, s11, $0xb8;
	[tilespmem:$0x1D000] =	vst v63  }
0x192: {  	_ =	swait.ge [sflag:s17], $0x4000  }
0x193: {  	[sflag:s17] =	ssyncset.done $0x0  }
0x194: {  	[sflag:s17] =	ssyncadd.s32 $0xFFFFC000  }
0x195: {  	[tilespmem:s13], [sflag:$0x2] =	stream.indirect.gather [hbm4b:s1+s11], $0x80, s22, s11, $0xb8;
	[tilespmem:$0x1D000] =	vst v63  }
0x196: {  	_ =	swait.ge [sflag:s14], $0x4000  }
0x197: {  	[sflag:s14] =	ssyncset.done $0x0  }
0x198: {  	[sflag:s14] =	ssyncadd.s32 $0xFFFFC000  }
0x199: {  	[spmem:s3] =	stream.indirect.scatter.add.f32 [tilespmem:s12], [sflag:$0x3], $0x80, s23, s11, $0xb8;
	[tilespmem:$0x1D000] =	vst v63  }
0x19a: {  	_ =	swait.ge [sflag:s15], $0x4000  }
0x19b: {  	[sflag:s15] =	ssyncset.done $0x0  }
0x19c: {  	[sflag:s15] =	ssyncadd.s32 $0xFFFFC000  }
0x19d: {  	[tilespmem:s12], [sflag:$0x1] =	stream.indirect.gather [hbm4b:s1+s11], $0x80, s25, s11, $0xb8;
	[tilespmem:$0x1D000] =	vst v63  }
0x19e: {  	_ =	swait.ge [sflag:s16], $0x4000  }
0x19f: {  	[sflag:s16] =	ssyncset.done $0x0  }
0x1a0: {  	[sflag:s16] =	ssyncadd.s32 $0xFFFFC000  }
0x1a1: {  	[spmem:s3] =	stream.indirect.scatter.add.f32 [tilespmem:s13], [sflag:$0x4], $0x80, s26, s11, $0xb8;
	[tilespmem:$0x1D000] =	vst v63  }
0x1a2: {  	_ =	swait.ge [sflag:s17], $0x4000  }
0x1a3: {  	[sflag:s17] =	ssyncset.done $0x0  }
0x1a4: {  	[sflag:s17] =	ssyncadd.s32 $0xFFFFC000  }
0x1a5: {  	[tilespmem:s13], [sflag:$0x2] =	stream.indirect.gather [hbm4b:s1+s11], $0x80, s28, s11, $0xb8;
	[tilespmem:$0x1D000] =	vst v63  }
0x1a6: {  	_ =	swait.ge [sflag:s14], $0x4000  }
0x1a7: {  	[sflag:s14] =	ssyncset.done $0x0  }
0x1a8: {  	[sflag:s14] =	ssyncadd.s32 $0xFFFFC000  }
0x1a9: {  	[spmem:s3] =	stream.indirect.scatter.add.f32 [tilespmem:s12], [sflag:$0x3], $0x80, s29, s11, $0xb8;
	[tilespmem:$0x1D000] =	vst v63  }
0x1aa: {  	_ =	swait.ge [sflag:s15], $0x4000  }
0x1ab: {  	[sflag:s15] =	ssyncset.done $0x0  }
0x1ac: {  	[sflag:s15] =	ssyncadd.s32 $0xFFFFC000  }
0x1ad: {  	[tilespmem:s12], [sflag:$0x1] =	stream.indirect.gather [hbm4b:s1+s11], $0x80, s30, s11, $0xb8;
	[tilespmem:$0x1D000] =	vst v63  }
0x1ae: {  	_ =	swait.ge [sflag:s16], $0x4000  }
0x1af: {  	[sflag:s16] =	ssyncset.done $0x0  }
0x1b0: {  	[sflag:s16] =	ssyncadd.s32 $0xFFFFC000  }
0x1b1: {  	[spmem:s3] =	stream.indirect.scatter.add.f32 [tilespmem:s13], [sflag:$0x4], $0x80, s31, s11, $0xb8;
	[tilespmem:$0x1D000] =	vst v63  }
0x1b2: {  	_ =	swait.ge [sflag:s17], $0x4000  }
0x1b3: {  	[sflag:s17] =	ssyncset.done $0x0  }
0x1b4: {  	[sflag:s17] =	ssyncadd.s32 $0xFFFFC000  }
0x1b5: {  	[tilespmem:s13], [sflag:$0x2] =	stream.indirect.gather [hbm4b:s1+s11], $0x80, s2, s11, $0xb8;
	[tilespmem:$0x1D000] =	vst v63  }
0x1b6: {  	_ =	swait.ge [sflag:s14], $0x4000  }
0x1b7: {  	[sflag:s14] =	ssyncset.done $0x0  }
0x1b8: {  	[sflag:s14] =	ssyncadd.s32 $0xFFFFC000  }
0x1b9: {  	[spmem:s3] =	stream.indirect.scatter.add.f32 [tilespmem:s12], [sflag:$0x3], $0x80, s0, s11, $0xb8;
	[tilespmem:$0x1D000] =	vst v63  }
0x1ba: {  	_ =	swait.ge [sflag:s15], $0x4000  }
0x1bb: {  	[sflag:s15] =	ssyncset.done $0x0  }
0x1bc: {  	[sflag:s15] =	ssyncadd.s32 $0xFFFFC000  }
0x1bd: {  	_ =	swait.ge [sflag:s16], $0x4000  }
0x1be: {  	[sflag:s16] =	ssyncset.done $0x0  }
0x1bf: {  	[sflag:s16] =	ssyncadd.s32 $0xFFFFC000  }
0x1c0: {  	[spmem:s3] =	stream.indirect.scatter.add.f32 [tilespmem:s13], [sflag:$0x4], $0x80, s5, s11, $0xb8;
	[tilespmem:$0x1D000] =	vst v63  }
0x1c1: {  	_ =	swait.ge [sflag:s17], $0x4000  }
0x1c2: {  	[sflag:s17] =	ssyncset.done $0x0  }
0x1c3: {  	[sflag:s17] =	ssyncadd.s32 $0xFFFFC000  }
0x1c4: {  	[bflag:$0x0] =	sbarrier.arrive $0xFFFF  }
0x1c5: {  	s8 =	rddreg [dreg:$0x15]  }
0x1c6: {  	s24 =	rddreg [dreg:$0x17]  }
0x1c7: {  	s7 =	rddreg [dreg:$0x18]  }
0x1c8: {  	[hbm:s7], [sflag:s8] =	dma.local [spmem:s24], $0x2800  }
0x1c9: {  	_ =	swait.ge [sflag:s9], $0x2800  }
0x1ca: {  	s7 =	rddreg [dreg:$0x19]  }
0x1cb: {  	s6 =	rddreg [dreg:$0x16];
	s7 =	sadd.s32 $0x1, s7  }
0x1cc: {  	p0 =	sne.s32 s7, s6  }
.Ltmp1:
0x1cd: {  	_ = 	snop;
	(pc) =	sbr.rel @p0 .LBB2_1-.Ltmp1, $3  }
0x1ce: {  	_ =	sdelay $0x1  }
0x1cf: {  	[sflag:s9] =	ssyncset.done $0x0  }
0x1d0: {  	[sflag:s9] =	ssyncadd.s32 $0xFFFFD800  }
0x1d1: {  	_ =	sfence.sel $0x180000  }
0x1d2: {  	[bflag:$0x0] =	sbarrier.arrive $0xFFFF  }
0x1d3: {  	_ =	strace $0x9000004A  }
0x1d4: {  	s0 =	stileid.u32;
	[bflag:$0x2] =	sbarrier.arrive $0xFFFF  }
0x1d5: {  	p0 =	sne.s32 s0, $0x0;
	s0 =	rddreg [dreg:$0x3]  }
0x1d6: {  	s0 =	sadd.s32 @!p0 $0x100000, s0  }
0x1d7: {  	[sflag:s0] =	ssyncadd.tile.s32 @!p0 $0x1;
	_ =	shalt  }
.Lfunc_end2:
_tile_overlayer_lowered:
.L_overlay_start_2:
0x1d8: {  	(tag) =	ssettag $0x2  }
0x1d9: {  	s0 =	rddreg [dreg:$0x0];
	s2 =	stileid.u32  }
0x1da: {  	s1 =	rddreg [dreg:$0x1];
	p0 =	sne.s32 s2, $0x0  }
0x1db: {  	s3 =	rddreg [dreg:$0x2];
	[bflag:$0x3] =	sbarrier.arrive $0xFFFF;
	s2 =	simm.s32 @!p0 $0x1C05  }
0x1dc: {  	[timem:s3], [sflag:s2] =	dma.local @!p0 [hbm:s0], s1  }
0x1dd: {  	s0 =	simm.s32 @!p0 $0x5  }
0x1de: {  	_ =	swait.ge @!p0 [sflag:s0], s1  }
0x1df: {  	s1 =	ssub.s32 @!p0 $0x0, s1;
	[sflag:s0] =	ssyncset.done @!p0 $0x0  }
0x1e0: {  	[sflag:s0] =	ssyncadd.s32 @!p0 s1  }
0x1e1: {  	[bflag:$0x3] =	sbarrier.arrive $0xFFFF  }
0x1e2: {  	_ =	shalt  }

</sc_bundles>
